<compile_context>
chip_gen: v7x
topology: tpu7x:2x2x1
jax: 0.10.2.dev20260603
libtpu: 0.0.44.dev20260713+nightly
codegen_flags: <defaults>
</compile_context>

<pallas_src>
import functools

import jax
import jax.numpy as jnp
from jax import lax
from jax.experimental import pallas as pl
from jax.experimental.pallas import tpu as pltpu
from jax.experimental.pallas import tpu_sc as plsc

_B, _KPT, _N, _D = 4, 256, 8192, 128
_K = 16
_TAU = 5.0
_R = _B * _KPT
_ROWS = _R * _K
_F32 = jnp.float32


def _dot(a, b):
    return jnp.dot(a, b, preferred_element_type=_F32)


def _bn_rows(h, g, b):
    m = jnp.mean(h, axis=0, keepdims=True)
    v = jnp.mean((h - m) ** 2, axis=0, keepdims=True)
    return (h - m) / jnp.sqrt(v + 1e-5) * g + b



def _knn_body(k3_ref, pt_ref, idx_ref):
    k3 = k3_ref[0]
    pt = pt_ref[0]
    score = jnp.zeros((k3.shape[0], _N), _F32)
    for d in range(3):
        t = k3[:, d:d + 1] - pt[d:d + 1, :]
        score = score + t * t
    qw = _N // 4
    li = lax.broadcasted_iota(jnp.int32, (k3.shape[0], qw), 1)
    vs = [score[:, q * qw:(q + 1) * qw] for q in range(4)]
    ix = [li + q * qw for q in range(4)]

    def ce(x, y):
        swap = vs[y] < vs[x]
        vs[x], vs[y] = (jnp.where(swap, vs[y], vs[x]),
                        jnp.where(swap, vs[x], vs[y]))
        ix[x], ix[y] = (jnp.where(swap, ix[y], ix[x]),
                        jnp.where(swap, ix[x], ix[y]))

    for x, y in ((0, 1), (2, 3), (0, 2), (1, 3), (1, 2)):
        ce(x, y)
    big = _F32(3.4e38)
    cols = []
    for it in range(_K):
        m = jnp.min(vs[0], axis=1, keepdims=True)
        eq = vs[0] <= m
        j = jnp.min(jnp.where(eq, ix[0], _N), axis=1, keepdims=True)
        cols.append(j)
        if it + 1 < _K:
            vs[0] = jnp.where(eq, vs[1], vs[0])
            ix[0] = jnp.where(eq, ix[1], ix[0])
            vs[1] = jnp.where(eq, vs[2], vs[1])
            ix[1] = jnp.where(eq, ix[2], ix[1])
            vs[2] = jnp.where(eq, vs[3], vs[2])
            ix[2] = jnp.where(eq, ix[3], ix[2])
            vs[3] = jnp.where(eq, big, vs[3])
    idx_ref[0] = jnp.concatenate(cols, axis=1)


def _knn(k3d8, pts_t):
    return pl.pallas_call(
        _knn_body,
        grid=(_B, 2),
        in_specs=[pl.BlockSpec((1, 128, 8), lambda b, t: (b, t, 0)),
                  pl.BlockSpec((1, 8, _N), lambda b, t: (b, 0, 0))],
        out_specs=pl.BlockSpec((1, 128, _K), lambda b, t: (b, t, 0)),
        out_shape=jax.ShapeDtypeStruct((_B, _KPT, _K), jnp.int32),
    )(k3d8, pts_t)



def _sc_gather(gidx_flat, feat_tab, xyz_flat):
    info = plsc.get_sparse_core_info()
    nc, ns = info.num_cores, info.num_subcores
    nw = nc * ns
    rpw = _ROWS // nw
    nchunk = rpw // 128
    wpb = nw // _B
    mesh = plsc.VectorSubcoreMesh(core_axis_name="c", subcore_axis_name="s")

    @functools.partial(
        pl.kernel, mesh=mesh,
        out_type=(jax.ShapeDtypeStruct((_ROWS, _D), _F32),
                  jax.ShapeDtypeStruct((_ROWS, 16), _F32)),
        scratch_types=[pltpu.VMEM((nchunk, 128), jnp.int32),
                       pltpu.VMEM((rpw,), jnp.int32),
                       pltpu.VMEM((rpw // 2, _D), _F32),
                       pltpu.VMEM((3 * _N,), _F32),
                       pltpu.VMEM((rpw, 16), _F32),
                       pltpu.SemaphoreType.DMA],
        compiler_params=pltpu.CompilerParams(needs_layout_passes=False),
    )
    def gather_k(idx_hbm, idx2_hbm, feat_hbm, xyz_hbm, feat_out, xyz_out,
                 idx_v, idx_f, rows_v, xyz_loc, xo, sem):
        wid = lax.axis_index("s") * nc + lax.axis_index("c")
        base = wid * rpw
        b = wid // wpb
        half = rpw // 2
        hchunk = nchunk // 2
        pltpu.sync_copy(idx_hbm.at[wid], idx_v)
        handles = [pltpu.async_copy(
            feat_hbm.at[idx_v.at[j]], rows_v.at[pl.ds(j * 128, 128)], sem)
            for j in range(hchunk)]
        pltpu.sync_copy(idx2_hbm.at[wid], idx_f)
        pltpu.sync_copy(xyz_hbm.at[pl.ds(b * 3 * _N, 3 * _N)], xyz_loc)
        for h in handles:
            h.wait()
        pltpu.sync_copy(rows_v, feat_out.at[pl.ds(base, half)])
        handles = [pltpu.async_copy(
            feat_hbm.at[idx_v.at[hchunk + j]],
            rows_v.at[pl.ds(j * 128, 128)], sem)
            for j in range(hchunk)]
        lane = lax.broadcasted_iota(jnp.int32, (16,), 0)
        off = b * _N
        for g in range(rpw // 16):
            iv = idx_f[pl.ds(g * 16, 16)] - off
            p = iv * 3
            rows = lane + g * 16
            for d in range(3):
                vals = plsc.load_gather(xyz_loc, [p + d])
                plsc.store_scatter(xo, [rows, lane * 0 + d], vals)
        for h in handles:
            h.wait()
        pltpu.sync_copy(rows_v, feat_out.at[pl.ds(base + half, half)])
        pltpu.sync_copy(xo, xyz_out.at[pl.ds(base, rpw)])

    return gather_k(gidx_flat.reshape(nw, nchunk, 128),
                    gidx_flat.reshape(nw, rpw), feat_tab, xyz_flat)



def _q_body(kf_ref, w0, b0, g, bb, w1, b1, q_ref):
    h = _dot(kf_ref[...], w0[...]) + b0[...]
    h = jax.nn.relu(_bn_rows(h, g[...], bb[...]))
    q_ref[...] = _dot(h, w1[...]) + b1[...]


def _q_kernel(kf, w0, b0, g, bb, w1, b1):
    return pl.pallas_call(
        _q_body,
        out_shape=jax.ShapeDtypeStruct((_R, _D), _F32),
    )(kf, w0, b0, g, bb, w1, b1)



_NB_TILES = 8
_NB_KP = _KPT * _B // _NB_TILES
_NB_ROWS = _NB_KP * _K


def _nb_body(xyz_ref, feat_ref, k3_ref, q_ref,
             dW0, dB0, dW1, dB1, dW2, dB2, eW0, eB0, eW1, eB1,
             kf_out, num_out, nb_out):
    kx = k3_ref[...][:, :3]
    nx = xyz_ref[...][:, :3].reshape(_NB_KP, _K, 3)
    diff = (kx[:, None, :] - nx).reshape(_NB_ROWS, 3)
    h = jax.nn.relu(_dot(diff, dW0[...]) + dB0[...])
    h = jax.nn.relu(_dot(h, dW1[...]) + dB1[...])
    pos = _dot(h, dW2[...]) + dB2[...]
    h2 = jax.nn.relu(_dot(feat_ref[...], eW0[pl.ds(0, _D), :])
                     + _dot(pos, eW0[pl.ds(_D, _D), :]) + eB0[...])
    kfeat = _dot(h2, eW1[...]) + eB1[...]
    kf_out[...] = kfeat
    kf3 = kfeat.reshape(_NB_KP, _K, _D)
    q = q_ref[...]
    num_out[...] = jnp.sum(q[:, None, :] * kf3, axis=2)
    nb_out[...] = jnp.maximum(jnp.sqrt(jnp.sum(kf3 * kf3, axis=2)), 1e-8)


def _nb_kernel(knn_xyz, knn_feat_raw, k3d16, q, wts):
    full = pl.BlockSpec(None, lambda t: (0, 0))
    return pl.pallas_call(
        _nb_body,
        grid=(_NB_TILES,),
        in_specs=[pl.BlockSpec((_NB_ROWS, 16), lambda t: (t, 0)),
                  pl.BlockSpec((_NB_ROWS, _D), lambda t: (t, 0)),
                  pl.BlockSpec((_NB_KP, 16), lambda t: (t, 0)),
                  pl.BlockSpec((_NB_KP, _D), lambda t: (t, 0))]
                 + [full] * 10,
        out_specs=[pl.BlockSpec((_NB_ROWS, _D), lambda t: (t, 0)),
                   pl.BlockSpec((_NB_KP, _K), lambda t: (t, 0)),
                   pl.BlockSpec((_NB_KP, _K), lambda t: (t, 0))],
        out_shape=[jax.ShapeDtypeStruct((_ROWS, _D), _F32),
                   jax.ShapeDtypeStruct((_R, _K), _F32),
                   jax.ShapeDtypeStruct((_R, _K), _F32)],
    )(knn_xyz, knn_feat_raw, k3d16, q, *wts)



_PEL_TILE = 64


def _pel_body(k3i_ref, k3a_ref, W0, B0, W1, B1, W2, B2, out_ref):
    ai = _dot(k3i_ref[0], W0[...])
    aj = _dot(k3a_ref[0], W0[...])
    h1 = jax.nn.relu(ai[:, None, :] - aj[None, :, :] + B0[...])
    h1 = h1.reshape(_PEL_TILE * _KPT, 64)
    h2 = jax.nn.relu(_dot(h1, W1[...]) + B1[...])
    m2 = jnp.mean(h2.reshape(_PEL_TILE, _KPT, _D), axis=1)
    out_ref[0] = _dot(m2, W2[...]) + B2[...]


def _pel_kernel(k3d3, wts):
    full = pl.BlockSpec(None, lambda b, t: (0, 0))
    return pl.pallas_call(
        _pel_body,
        grid=(_B, _KPT // _PEL_TILE),
        in_specs=[pl.BlockSpec((1, _PEL_TILE, 16), lambda b, t: (b, t, 0)),
                  pl.BlockSpec((1, _KPT, 16), lambda b, t: (b, 0, 0))]
                 + [full] * 6,
        out_specs=pl.BlockSpec((1, _PEL_TILE, _D), lambda b, t: (b, t, 0)),
        out_shape=jax.ShapeDtypeStruct((_B, _KPT, _D), _F32),
    )(k3d3, k3d3, *wts)



def _af_core(kf_ref, q_ref, num_ref, nb_ref, feat_ref, pel_ref, k3_ref,
             aW0, aB0, aW1, aB1, aW2, aB2,
             fW0, fB0, fW1, fB1, g1, bb1, g2, bb2,
             oW0, oB0, oW1, oB1):
    q = q_ref[...]
    na = jnp.maximum(jnp.sqrt(jnp.sum(q * q, axis=1, keepdims=True)), 1e-8)
    att = num_ref[...] / (na * nb_ref[...]) / _TAU
    att = att - jnp.max(att, axis=1, keepdims=True)
    e = jnp.exp(att)
    sim = e / jnp.sum(e, axis=1, keepdims=True)
    kf3 = feat_ref[...].reshape(_R, _K, _D)
    agg = jnp.sum(sim[:, :, None] * kf3, axis=1)
    kf1 = jax.nn.relu(agg + kf_ref[...])
    k3 = k3_ref[...]
    h = jax.nn.relu(_dot(k3, aW0[...]) + aB0[...])
    h = jax.nn.relu(_dot(h, aW1[...]) + aB1[...])
    pea = _dot(h, aW2[...]) + aB2[...]
    pos_l = pea + pel_ref[...]
    g = jnp.mean(kf1.reshape(_B, _KPT, _D), axis=1)
    hg = _dot(g, fW0[pl.ds(_D, _D), :])
    hgb = jnp.broadcast_to(hg[:, None, :], (_B, _KPT, _D)).reshape(_R, _D)
    h = (_dot(kf1, fW0[pl.ds(0, _D), :]) + hgb
         + _dot(pos_l, fW0[pl.ds(2 * _D, _D), :]) + fB0[...])
    h = jax.nn.relu(_bn_rows(h, g1[...], bb1[...]))
    h = _dot(h, fW1[...]) + fB1[...]
    h = jax.nn.relu(_bn_rows(h, g2[...], bb2[...]))
    kf2 = jax.nn.relu(h + kf1)
    o = _dot(jax.nn.relu(_dot(kf2, oW0[...]) + oB0[...]), oW1[...]) + oB1[...]
    return jax.nn.relu(kf2 + o)


def _af_body(*args):
    out_ref = args[-1]
    out_ref[...] = _af_core(*args[:-1])


def _afq_body(*args):
    (nw0, nb0, ng, nbb, nw1, nb1, out_ref, q_ref) = args[-8:]
    out = _af_core(*args[:-8])
    out_ref[...] = out
    h = _dot(out, nw0[...]) + nb0[...]
    h = jax.nn.relu(_bn_rows(h, ng[...], nbb[...]))
    q_ref[...] = _dot(h, nw1[...]) + nb1[...]


def _af_kernel(kf, q, num, nb, knn_feat, pel, k3d16, wts):
    return pl.pallas_call(
        _af_body,
        out_shape=jax.ShapeDtypeStruct((_R, _D), _F32),
    )(kf, q, num, nb, knn_feat, pel, k3d16, *wts)


def _afq_kernel(kf, q, num, nb, knn_feat, pel, k3d16, wts, qwts):
    return pl.pallas_call(
        _afq_body,
        out_shape=(jax.ShapeDtypeStruct((_R, _D), _F32),
                   jax.ShapeDtypeStruct((_R, _D), _F32)),
    )(kf, q, num, nb, knn_feat, pel, k3d16, *wts, *qwts)



def _pad_w3(w):
    return jnp.pad(w, ((0, 13), (0, 0)))


def _row(b):
    return b[None, :]


def kernel(kpt_feature, kpt_3d, pts_feature, pts, params):
    k3d8 = jnp.pad(kpt_3d, ((0, 0), (0, 0), (0, 5)))
    pts_t = jnp.pad(jnp.transpose(pts, (0, 2, 1)), ((0, 0), (0, 5), (0, 0)))
    idx = _knn(k3d8, pts_t)

    goff = (jnp.arange(_B, dtype=jnp.int32) * _N)[:, None, None]
    gidx = (idx + goff).reshape(_ROWS)
    feat_tab = pts_feature.reshape(_B * _N, _D)
    xyz_flat = pts.reshape(_B * _N * 3)
    knn_feat_raw, knn_xyz = _sc_gather(gidx, feat_tab, xyz_flat)

    k3d16_3 = jnp.pad(kpt_3d, ((0, 0), (0, 0), (0, 13)))
    k3d16 = k3d16_3.reshape(_R, 16)
    kf = kpt_feature.reshape(_R, _D)

    def qwts(p):
        return [p["fc_in"][0]["W"], _row(p["fc_in"][0]["b"]),
                _row(p["bn_in"]["g"]), _row(p["bn_in"]["b"]),
                p["fc_in"][1]["W"], _row(p["fc_in"][1]["b"])]

    q = _q_kernel(kf, *qwts(params[0]))
    for i, p in enumerate(params):
        nb_wts = [p["fc_delta"][0]["W"], _row(p["fc_delta"][0]["b"]),
                  p["fc_delta"][1]["W"], _row(p["fc_delta"][1]["b"]),
                  p["fc_delta"][2]["W"], _row(p["fc_delta"][2]["b"]),
                  p["fc_delta_1"][0]["W"], _row(p["fc_delta_1"][0]["b"]),
                  p["fc_delta_1"][1]["W"], _row(p["fc_delta_1"][1]["b"])]
        knn_feat, num, nb = _nb_kernel(knn_xyz, knn_feat_raw, k3d16, q, nb_wts)
        pel_wts = [_pad_w3(p["fc_delta_l"][0]["W"]), _row(p["fc_delta_l"][0]["b"]),
                   p["fc_delta_l"][1]["W"], _row(p["fc_delta_l"][1]["b"]),
                   p["fc_delta_l"][2]["W"], _row(p["fc_delta_l"][2]["b"])]
        pel = _pel_kernel(k3d16_3, pel_wts).reshape(_R, _D)
        af_wts = [_pad_w3(p["fc_delta_abs"][0]["W"]), _row(p["fc_delta_abs"][0]["b"]),
                  p["fc_delta_abs"][1]["W"], _row(p["fc_delta_abs"][1]["b"]),
                  p["fc_delta_abs"][2]["W"], _row(p["fc_delta_abs"][2]["b"]),
                  p["fuse"][0]["W"], _row(p["fuse"][0]["b"]),
                  p["fuse"][1]["W"], _row(p["fuse"][1]["b"]),
                  _row(p["bn_f1"]["g"]), _row(p["bn_f1"]["b"]),
                  _row(p["bn_f2"]["g"]), _row(p["bn_f2"]["b"]),
                  p["out_mlp"][0]["W"], _row(p["out_mlp"][0]["b"]),
                  p["out_mlp"][1]["W"], _row(p["out_mlp"][1]["b"])]
        if i + 1 < len(params):
            kf, q = _afq_kernel(kf, q, num, nb, knn_feat, pel, k3d16,
                                af_wts, qwts(params[i + 1]))
        else:
            kf = _af_kernel(kf, q, num, nb, knn_feat, pel, k3d16, af_wts)

    return kf.reshape(_B, _KPT, _D)

# --- scband reference (transcript-rebuilt; emitter-appended) ---
"""Pipeline reference for scband-geometric-aware-feature-aggregator-16243566313721 (READ-ONLY COPY).

The authoritative reference and input builder live on the scoring server;
editing this copy changes nothing except your own understanding.
"""

import jax, jax.numpy as jnp
import numpy as np

B, KPT, N, D = 4, 256, 8192, 128
KS = [16, 16]
TAU = 5.0


def _lin(key, fin, fout):
    k1, k2 = jax.random.split(key)
    s = 1.0 / np.sqrt(fin)
    return {"W": jax.random.uniform(k1, (fin, fout), minval=-s, maxval=s, dtype=jnp.float32),
            "b": jax.random.uniform(k2, (fout,), minval=-s, maxval=s, dtype=jnp.float32)}


def _block_params(key):
    ks = jax.random.split(key, 17)
    return {"fc_in": [_lin(ks[0], D, D), _lin(ks[1], D, D)],
            "bn_in": {"g": jnp.ones((D,), jnp.float32), "b": jnp.zeros((D,), jnp.float32)},
            "fc_delta": [_lin(ks[2], 3, 64), _lin(ks[3], 64, D), _lin(ks[4], D, D)],
            "fc_delta_1": [_lin(ks[5], 2 * D, D), _lin(ks[6], D, D)],
            "fc_delta_l": [_lin(ks[7], 3, 64), _lin(ks[8], 64, D), _lin(ks[9], D, D)],
            "fc_delta_abs": [_lin(ks[10], 3, 64), _lin(ks[11], 64, D), _lin(ks[12], D, D)],
            "fuse": [_lin(ks[13], 3 * D, D), _lin(ks[14], D, D)],
            "bn_f1": {"g": jnp.ones((D,), jnp.float32), "b": jnp.zeros((D,), jnp.float32)},
            "bn_f2": {"g": jnp.ones((D,), jnp.float32), "b": jnp.zeros((D,), jnp.float32)},
            "out_mlp": [_lin(ks[15], D, D), _lin(ks[16], D, D)]}


def setup_inputs(seed: int = 0):
    key = jax.random.key(seed)
    k1, k2, k3, k4, k5 = jax.random.split(key, 5)
    params = [_block_params(jax.random.fold_in(k5, i)) for i in range(2)]
    return {"kpt_feature": jax.random.normal(k1, (B, KPT, D), jnp.float32),
            "kpt_3d": jax.random.normal(k2, (B, KPT, 3), jnp.float32),
            "pts_feature": jax.random.normal(k3, (B, N, D), jnp.float32),
            "pts": jax.random.normal(k4, (B, N, 3), jnp.float32),
            "params": params}


def _bn(x, g, b):
    m = jnp.mean(x, axis=(0, 1), keepdims=True)
    v = jnp.var(x, axis=(0, 1), keepdims=True)
    return (x - m) / jnp.sqrt(v + 1e-5) * g + b


def _mlp3(x, L):
    h = jax.nn.relu(x @ L[0]["W"] + L[0]["b"])
    h = jax.nn.relu(h @ L[1]["W"] + L[1]["b"])
    return h @ L[2]["W"] + L[2]["b"]


def _mlp2(x, L):
    h = jax.nn.relu(x @ L[0]["W"] + L[0]["b"])
    return h @ L[1]["W"] + L[1]["b"]


def _block(p, k, kf, k3d, pf, pts):
    dis = jnp.linalg.norm(k3d[:, :, None, :] - pts[:, None, :, :], axis=3)
    idx = jnp.argsort(dis, axis=2)[:, :, :k]
    bidx = jnp.arange(kf.shape[0])[:, None, None]
    knn_xyz = pts[bidx, idx]
    knn_feat = pf[bidx, idx]
    pre = kf
    h = kf @ p["fc_in"][0]["W"] + p["fc_in"][0]["b"]
    h = jax.nn.relu(_bn(h, p["bn_in"]["g"], p["bn_in"]["b"]))
    q = h @ p["fc_in"][1]["W"] + p["fc_in"][1]["b"]
    pos = _mlp3(k3d[:, :, None, :] - knn_xyz, p["fc_delta"])
    knn_feat = _mlp2(jnp.concatenate([knn_feat, pos], -1), p["fc_delta_1"])
    num = jnp.sum(q[:, :, None, :] * knn_feat, -1)
    na = jnp.maximum(jnp.linalg.norm(q, axis=-1), 1e-8)[:, :, None]
    nb = jnp.maximum(jnp.linalg.norm(knn_feat, axis=-1), 1e-8)
    sim = jax.nn.softmax(num / (na * nb) / TAU, axis=2)
    kf = jnp.einsum('bsk,bskd->bsd', sim, knn_feat)
    kf = jax.nn.relu(kf + pre)
    pre = kf
    pea = _mlp3(k3d, p["fc_delta_abs"])
    pel = jnp.mean(_mlp3(k3d[:, :, None, :] - k3d[:, None, :, :], p["fc_delta_l"]), axis=2)
    pos_l = pea + pel
    g = jnp.mean(kf, axis=1, keepdims=True)
    cat = jnp.concatenate([kf, jnp.broadcast_to(g, kf.shape), pos_l], -1)
    h = cat @ p["fuse"][0]["W"] + p["fuse"][0]["b"]
    h = jax.nn.relu(_bn(h, p["bn_f1"]["g"], p["bn_f1"]["b"]))
    h = h @ p["fuse"][1]["W"] + p["fuse"][1]["b"]
    h = jax.nn.relu(_bn(h, p["bn_f2"]["g"], p["bn_f2"]["b"]))
    kf = jax.nn.relu(h + pre)
    pre = kf
    o = jax.nn.relu(kf @ p["out_mlp"][0]["W"] + p["out_mlp"][0]["b"]) @ p["out_mlp"][1]["W"] + p["out_mlp"][1]["b"]
    return jax.nn.relu(pre + o)


def reference(kpt_feature, kpt_3d, pts_feature, pts, params):
    kf = kpt_feature
    for i in range(2):
        kf = _block(params[i], KS[i], kf, kpt_3d, pts_feature, pts)
    return kf

if __name__ == "__main__":
    import jax
    _d = setup_inputs()
    print(jax.jit(kernel)(*tuple(_d.values())))

</pallas_src>

<mosaic_0001>
#map = affine_map<(d0, d1) -> (0, 0, 0)>
#map1 = affine_map<(d0, d1) -> (0, 0)>
#map2 = affine_map<(d0, d1) -> (0)>
module attributes {stable_mosaic.version = 14 : i64} {
  func.func @gather_k(%arg0: i32, %arg1: i32, %arg2: memref<32x4x128xi32, #tpu.memory_space<hbm>>, %arg3: memref<32x512xi32, #tpu.memory_space<hbm>>, %arg4: memref<32768x128xf32, #tpu.memory_space<hbm>>, %arg5: memref<98304xf32, #tpu.memory_space<hbm>>, %arg6: memref<16384x128xf32, #tpu.memory_space<hbm>>, %arg7: memref<16384x16xf32, #tpu.memory_space<hbm>>, %arg8: memref<4x128xi32, #tpu.memory_space<vmem>>, %arg9: memref<512xi32, #tpu.memory_space<vmem>>, %arg10: memref<256x128xf32, #tpu.memory_space<vmem>>, %arg11: memref<24576xf32, #tpu.memory_space<vmem>>, %arg12: memref<512x16xf32, #tpu.memory_space<vmem>>, %arg13: memref<!tpu.dma_semaphore, #tpu.memory_space<semaphore_mem>>) attributes {dimension_semantics = [#tpu.dimension_semantics<core_parallel>, #tpu.dimension_semantics<subcore_parallel>], iteration_bounds = array<i64: 2, 16>, scalar_prefetch = 0 : i64, scratch_operands = 6 : i64, tpu.core_type = #tpu.core_type<sc_vector_subcore>, window_params = [{transform_indices = #map}, {transform_indices = #map1}, {transform_indices = #map1}, {transform_indices = #map2}, {transform_indices = #map1}, {transform_indices = #map1}]} {
    %mul3A = arith.constant 2 : i32
    %mul3A_0 = arith.muli %arg1, %mul3A : i32
    %add3A = arith.addi %mul3A_0, %arg0 : i32
    %mul3A_1 = arith.constant 512 : i32
    %mul3A_2 = arith.muli %add3A, %mul3A_1 : i32
    %jit3A = arith.constant 8 : i32
    %div3A = arith.divsi %add3A, %jit3A : i32
    %sign3A = arith.constant 0 : i32
    %sign3A_3 = arith.cmpi sgt, %add3A, %sign3A : i32
    %sign3A_4 = arith.extui %sign3A_3 : i1 to i32
    %sign3A_5 = arith.constant 0 : i32
    %sign3A_6 = arith.cmpi slt, %add3A, %sign3A_5 : i32
    %sign3A_7 = arith.extui %sign3A_6 : i1 to i32
    %sign3A_8 = arith.subi %sign3A_4, %sign3A_7 : i32
    %sign3A_9 = arith.constant 0 : i32
    %sign3A_10 = arith.cmpi sgt, %jit3A, %sign3A_9 : i32
    %sign3A_11 = arith.extui %sign3A_10 : i1 to i32
    %sign3A_12 = arith.constant 0 : i32
    %sign3A_13 = arith.cmpi slt, %jit3A, %sign3A_12 : i32
    %sign3A_14 = arith.extui %sign3A_13 : i1 to i32
    %sign3A_15 = arith.subi %sign3A_11, %sign3A_14 : i32
    %ne3A = arith.cmpi ne, %sign3A_8, %sign3A_15 : i32
    %rem3A = arith.remsi %add3A, %jit3A : i32
    %ne3A_16 = arith.constant 0 : i32
    %ne3A_17 = arith.cmpi ne, %rem3A, %ne3A_16 : i32
    %and3A = arith.andi %ne3A, %ne3A_17 : i1
    %sub3A = arith.constant 1 : i32
    %sub3A_18 = arith.subi %div3A, %sub3A : i32
    %select_n3A = arith.select %and3A, %sub3A_18, %div3A : i32
    "tpu.region"() ({
      %run_scoped3A = tpu.sem_alloc : memref<!tpu.dma_semaphore, #tpu.memory_space<semaphore_mem>>
      %dma_start3A_1383 = arith.constant 0 : i32
      %dma_start3A_1384 = arith.constant 0 : i32
      %dma_start3A_1385 = tpu.memref_slice %arg2[%add3A, %dma_start3A_1383, %dma_start3A_1384] : memref<32x4x128xi32, #tpu.memory_space<hbm>> -> memref<1x4x128xi32, #tpu.memory_space<hbm>>
      %dma_start3A_1386 = tpu.memref_squeeze %dma_start3A_1385 : memref<1x4x128xi32, #tpu.memory_space<hbm>> -> memref<4x128xi32, #tpu.memory_space<hbm>>
      %dma_start3A_1387 = arith.constant 0 : i32
      %dma_start3A_1388 = arith.constant 0 : i32
      %dma_start3A_1389 = tpu.memref_slice %arg2[%add3A, %dma_start3A_1387, %dma_start3A_1388] : memref<32x4x128xi32, #tpu.memory_space<hbm>> -> memref<1x4x128xi32, #tpu.memory_space<hbm>>
      %dma_start3A_1390 = tpu.memref_squeeze %dma_start3A_1389 : memref<1x4x128xi32, #tpu.memory_space<hbm>> -> memref<4x128xi32, #tpu.memory_space<hbm>>
      tpu.enqueue_dma source(%dma_start3A_1390 : memref<4x128xi32, #tpu.memory_space<hbm>>) target(%arg8 : memref<4x128xi32, #tpu.memory_space<vmem>>) target_semaphore(%run_scoped3A : memref<!tpu.dma_semaphore, #tpu.memory_space<semaphore_mem>>)
      %dma_wait3A_1391 = arith.constant 0 : i32
      %dma_wait3A_1392 = arith.constant 0 : i32
      %dma_wait3A_1393 = tpu.memref_slice %arg2[%add3A, %dma_wait3A_1391, %dma_wait3A_1392] : memref<32x4x128xi32, #tpu.memory_space<hbm>> -> memref<1x4x128xi32, #tpu.memory_space<hbm>>
      %dma_wait3A_1394 = tpu.memref_squeeze %dma_wait3A_1393 : memref<1x4x128xi32, #tpu.memory_space<hbm>> -> memref<4x128xi32, #tpu.memory_space<hbm>>
      %dma_wait3A_1395 = arith.constant 0 : i32
      %dma_wait3A_1396 = arith.constant 0 : i32
      %dma_wait3A_1397 = tpu.memref_slice %arg2[%add3A, %dma_wait3A_1395, %dma_wait3A_1396] : memref<32x4x128xi32, #tpu.memory_space<hbm>> -> memref<1x4x128xi32, #tpu.memory_space<hbm>>
      %dma_wait3A_1398 = tpu.memref_squeeze %dma_wait3A_1397 : memref<1x4x128xi32, #tpu.memory_space<hbm>> -> memref<4x128xi32, #tpu.memory_space<hbm>>
      tpu.wait_dma2 semaphore(%run_scoped3A : memref<!tpu.dma_semaphore, #tpu.memory_space<semaphore_mem>>) src(%dma_wait3A_1398 : memref<4x128xi32, #tpu.memory_space<hbm>>) dst(%arg8 : memref<4x128xi32, #tpu.memory_space<vmem>>)
      tpu.yield
    }) : () -> ()
    %dma_start3A = arith.constant 0 : i32
    %dma_start3A_19 = arith.constant 0 : i32
    %dma_start3A_20 = arith.constant 0 : i32
    %dma_start3A_21 = tpu.memref_slice %arg10[%dma_start3A_19, %dma_start3A_20] : memref<256x128xf32, #tpu.memory_space<vmem>> -> memref<128x128xf32, #tpu.memory_space<vmem>>
    %dma_start3A_22 = arith.constant 0 : i32
    %dma_start3A_23 = tpu.memref_slice %arg8[%dma_start3A, %dma_start3A_22] : memref<4x128xi32, #tpu.memory_space<vmem>> -> memref<1x128xi32, #tpu.memory_space<vmem>>
    %dma_start3A_24 = tpu.memref_squeeze %dma_start3A_23 : memref<1x128xi32, #tpu.memory_space<vmem>> -> memref<128xi32, #tpu.memory_space<vmem>>
    %dma_start3A_25 = arith.constant 0 : i32
    %dma_start3A_26 = arith.constant 0 : i32
    %dma_start3A_27 = tpu.memref_slice %arg4[%dma_start3A_25, %dma_start3A_26] : memref<32768x128xf32, #tpu.memory_space<hbm>> -> memref<32768x128xf32, #tpu.memory_space<hbm>>
    tpu.enqueue_indirect_dma source(%dma_start3A_27 : memref<32768x128xf32, #tpu.memory_space<hbm>>) target(%dma_start3A_21 : memref<128x128xf32, #tpu.memory_space<vmem>>) offsets(%dma_start3A_24 : memref<128xi32, #tpu.memory_space<vmem>>) semaphore(%arg13 : memref<!tpu.dma_semaphore, #tpu.memory_space<semaphore_mem>>)
    %dma_start3A_28 = arith.constant 1 : i32
    %dma_start3A_29 = arith.constant 128 : i32
    %dma_start3A_30 = arith.constant 0 : i32
    %dma_start3A_31 = tpu.memref_slice %arg10[%dma_start3A_29, %dma_start3A_30] : memref<256x128xf32, #tpu.memory_space<vmem>> -> memref<128x128xf32, #tpu.memory_space<vmem>>
    %dma_start3A_32 = arith.constant 0 : i32
    %dma_start3A_33 = tpu.memref_slice %arg8[%dma_start3A_28, %dma_start3A_32] : memref<4x128xi32, #tpu.memory_space<vmem>> -> memref<1x128xi32, #tpu.memory_space<vmem>>
    %dma_start3A_34 = tpu.memref_squeeze %dma_start3A_33 : memref<1x128xi32, #tpu.memory_space<vmem>> -> memref<128xi32, #tpu.memory_space<vmem>>
    %dma_start3A_35 = arith.constant 0 : i32
    %dma_start3A_36 = arith.constant 0 : i32
    %dma_start3A_37 = tpu.memref_slice %arg4[%dma_start3A_35, %dma_start3A_36] : memref<32768x128xf32, #tpu.memory_space<hbm>> -> memref<32768x128xf32, #tpu.memory_space<hbm>>
    tpu.enqueue_indirect_dma source(%dma_start3A_37 : memref<32768x128xf32, #tpu.memory_space<hbm>>) target(%dma_start3A_31 : memref<128x128xf32, #tpu.memory_space<vmem>>) offsets(%dma_start3A_34 : memref<128xi32, #tpu.memory_space<vmem>>) semaphore(%arg13 : memref<!tpu.dma_semaphore, #tpu.memory_space<semaphore_mem>>)
    "tpu.region"() ({
      %run_scoped3A = tpu.sem_alloc : memref<!tpu.dma_semaphore, #tpu.memory_space<semaphore_mem>>
      %dma_start3A_1383 = arith.constant 0 : i32
      %dma_start3A_1384 = tpu.memref_slice %arg3[%add3A, %dma_start3A_1383] : memref<32x512xi32, #tpu.memory_space<hbm>> -> memref<1x512xi32, #tpu.memory_space<hbm>>
      %dma_start3A_1385 = tpu.memref_squeeze %dma_start3A_1384 : memref<1x512xi32, #tpu.memory_space<hbm>> -> memref<512xi32, #tpu.memory_space<hbm>>
      %dma_start3A_1386 = arith.constant 0 : i32
      %dma_start3A_1387 = tpu.memref_slice %arg3[%add3A, %dma_start3A_1386] : memref<32x512xi32, #tpu.memory_space<hbm>> -> memref<1x512xi32, #tpu.memory_space<hbm>>
      %dma_start3A_1388 = tpu.memref_squeeze %dma_start3A_1387 : memref<1x512xi32, #tpu.memory_space<hbm>> -> memref<512xi32, #tpu.memory_space<hbm>>
      tpu.enqueue_dma source(%dma_start3A_1388 : memref<512xi32, #tpu.memory_space<hbm>>) target(%arg9 : memref<512xi32, #tpu.memory_space<vmem>>) target_semaphore(%run_scoped3A : memref<!tpu.dma_semaphore, #tpu.memory_space<semaphore_mem>>)
      %dma_wait3A_1389 = arith.constant 0 : i32
      %dma_wait3A_1390 = tpu.memref_slice %arg3[%add3A, %dma_wait3A_1389] : memref<32x512xi32, #tpu.memory_space<hbm>> -> memref<1x512xi32, #tpu.memory_space<hbm>>
      %dma_wait3A_1391 = tpu.memref_squeeze %dma_wait3A_1390 : memref<1x512xi32, #tpu.memory_space<hbm>> -> memref<512xi32, #tpu.memory_space<hbm>>
      %dma_wait3A_1392 = arith.constant 0 : i32
      %dma_wait3A_1393 = tpu.memref_slice %arg3[%add3A, %dma_wait3A_1392] : memref<32x512xi32, #tpu.memory_space<hbm>> -> memref<1x512xi32, #tpu.memory_space<hbm>>
      %dma_wait3A_1394 = tpu.memref_squeeze %dma_wait3A_1393 : memref<1x512xi32, #tpu.memory_space<hbm>> -> memref<512xi32, #tpu.memory_space<hbm>>
      tpu.wait_dma2 semaphore(%run_scoped3A : memref<!tpu.dma_semaphore, #tpu.memory_space<semaphore_mem>>) src(%dma_wait3A_1394 : memref<512xi32, #tpu.memory_space<hbm>>) dst(%arg9 : memref<512xi32, #tpu.memory_space<vmem>>)
      tpu.yield
    }) : () -> ()
    %mul3A_38 = arith.constant 3 : i32
    %mul3A_39 = arith.muli %select_n3A, %mul3A_38 : i32
    %mul3A_40 = arith.constant 8192 : i32
    %mul3A_41 = arith.muli %mul3A_39, %mul3A_40 : i32
    "tpu.region"() ({
      %run_scoped3A = tpu.sem_alloc : memref<!tpu.dma_semaphore, #tpu.memory_space<semaphore_mem>>
      %dma_start3A_1383 = tpu.memref_slice %arg5[%mul3A_41] : memref<98304xf32, #tpu.memory_space<hbm>> -> memref<24576xf32, #tpu.memory_space<hbm>>
      %dma_start3A_1384 = tpu.memref_slice %arg5[%mul3A_41] : memref<98304xf32, #tpu.memory_space<hbm>> -> memref<24576xf32, #tpu.memory_space<hbm>>
      tpu.enqueue_dma source(%dma_start3A_1384 : memref<24576xf32, #tpu.memory_space<hbm>>) target(%arg11 : memref<24576xf32, #tpu.memory_space<vmem>>) target_semaphore(%run_scoped3A : memref<!tpu.dma_semaphore, #tpu.memory_space<semaphore_mem>>)
      %dma_wait3A_1385 = tpu.memref_slice %arg5[%mul3A_41] : memref<98304xf32, #tpu.memory_space<hbm>> -> memref<24576xf32, #tpu.memory_space<hbm>>
      %dma_wait3A_1386 = tpu.memref_slice %arg5[%mul3A_41] : memref<98304xf32, #tpu.memory_space<hbm>> -> memref<24576xf32, #tpu.memory_space<hbm>>
      tpu.wait_dma2 semaphore(%run_scoped3A : memref<!tpu.dma_semaphore, #tpu.memory_space<semaphore_mem>>) src(%dma_wait3A_1386 : memref<24576xf32, #tpu.memory_space<hbm>>) dst(%arg11 : memref<24576xf32, #tpu.memory_space<vmem>>)
      tpu.yield
    }) : () -> ()
    %dma_wait3A = arith.constant 0 : i32
    %dma_wait3A_42 = arith.constant 0 : i32
    %dma_wait3A_43 = arith.constant 0 : i32
    %dma_wait3A_44 = tpu.memref_slice %arg10[%dma_wait3A_42, %dma_wait3A_43] : memref<256x128xf32, #tpu.memory_space<vmem>> -> memref<128x128xf32, #tpu.memory_space<vmem>>
    %dma_wait3A_45 = arith.constant 0 : i32
    %dma_wait3A_46 = tpu.memref_slice %arg8[%dma_wait3A, %dma_wait3A_45] : memref<4x128xi32, #tpu.memory_space<vmem>> -> memref<1x128xi32, #tpu.memory_space<vmem>>
    %dma_wait3A_47 = tpu.memref_squeeze %dma_wait3A_46 : memref<1x128xi32, #tpu.memory_space<vmem>> -> memref<128xi32, #tpu.memory_space<vmem>>
    %dma_wait3A_48 = arith.constant 0 : i32
    %dma_wait3A_49 = arith.constant 0 : i32
    %dma_wait3A_50 = tpu.memref_slice %arg4[%dma_wait3A_48, %dma_wait3A_49] : memref<32768x128xf32, #tpu.memory_space<hbm>> -> memref<32768x128xf32, #tpu.memory_space<hbm>>
    tpu.wait_indirect_dma semaphore(%arg13 : memref<!tpu.dma_semaphore, #tpu.memory_space<semaphore_mem>>) src(%dma_wait3A_50 : memref<32768x128xf32, #tpu.memory_space<hbm>>) dst(%dma_wait3A_44 : memref<128x128xf32, #tpu.memory_space<vmem>>)
    %dma_wait3A_51 = arith.constant 1 : i32
    %dma_wait3A_52 = arith.constant 128 : i32
    %dma_wait3A_53 = arith.constant 0 : i32
    %dma_wait3A_54 = tpu.memref_slice %arg10[%dma_wait3A_52, %dma_wait3A_53] : memref<256x128xf32, #tpu.memory_space<vmem>> -> memref<128x128xf32, #tpu.memory_space<vmem>>
    %dma_wait3A_55 = arith.constant 0 : i32
    %dma_wait3A_56 = tpu.memref_slice %arg8[%dma_wait3A_51, %dma_wait3A_55] : memref<4x128xi32, #tpu.memory_space<vmem>> -> memref<1x128xi32, #tpu.memory_space<vmem>>
    %dma_wait3A_57 = tpu.memref_squeeze %dma_wait3A_56 : memref<1x128xi32, #tpu.memory_space<vmem>> -> memref<128xi32, #tpu.memory_space<vmem>>
    %dma_wait3A_58 = arith.constant 0 : i32
    %dma_wait3A_59 = arith.constant 0 : i32
    %dma_wait3A_60 = tpu.memref_slice %arg4[%dma_wait3A_58, %dma_wait3A_59] : memref<32768x128xf32, #tpu.memory_space<hbm>> -> memref<32768x128xf32, #tpu.memory_space<hbm>>
    tpu.wait_indirect_dma semaphore(%arg13 : memref<!tpu.dma_semaphore, #tpu.memory_space<semaphore_mem>>) src(%dma_wait3A_60 : memref<32768x128xf32, #tpu.memory_space<hbm>>) dst(%dma_wait3A_54 : memref<128x128xf32, #tpu.memory_space<vmem>>)
    "tpu.region"() ({
      %run_scoped3A = tpu.sem_alloc : memref<!tpu.dma_semaphore, #tpu.memory_space<semaphore_mem>>
      %dma_start3A_1383 = arith.constant 0 : i32
      %dma_start3A_1384 = tpu.memref_slice %arg6[%mul3A_2, %dma_start3A_1383] : memref<16384x128xf32, #tpu.memory_space<hbm>> -> memref<256x128xf32, #tpu.memory_space<hbm>>
      %dma_start3A_1385 = arith.constant 0 : i32
      %dma_start3A_1386 = tpu.memref_slice %arg6[%mul3A_2, %dma_start3A_1385] : memref<16384x128xf32, #tpu.memory_space<hbm>> -> memref<256x128xf32, #tpu.memory_space<hbm>>
      tpu.enqueue_dma source(%arg10 : memref<256x128xf32, #tpu.memory_space<vmem>>) target(%dma_start3A_1386 : memref<256x128xf32, #tpu.memory_space<hbm>>) target_semaphore(%run_scoped3A : memref<!tpu.dma_semaphore, #tpu.memory_space<semaphore_mem>>)
      %dma_wait3A_1387 = arith.constant 0 : i32
      %dma_wait3A_1388 = tpu.memref_slice %arg6[%mul3A_2, %dma_wait3A_1387] : memref<16384x128xf32, #tpu.memory_space<hbm>> -> memref<256x128xf32, #tpu.memory_space<hbm>>
      %dma_wait3A_1389 = arith.constant 0 : i32
      %dma_wait3A_1390 = tpu.memref_slice %arg6[%mul3A_2, %dma_wait3A_1389] : memref<16384x128xf32, #tpu.memory_space<hbm>> -> memref<256x128xf32, #tpu.memory_space<hbm>>
      tpu.wait_dma2 semaphore(%run_scoped3A : memref<!tpu.dma_semaphore, #tpu.memory_space<semaphore_mem>>) src(%arg10 : memref<256x128xf32, #tpu.memory_space<vmem>>) dst(%dma_wait3A_1390 : memref<256x128xf32, #tpu.memory_space<hbm>>)
      tpu.yield
    }) : () -> ()
    %dma_start3A_61 = arith.constant 2 : i32
    %dma_start3A_62 = arith.constant 0 : i32
    %dma_start3A_63 = arith.constant 0 : i32
    %dma_start3A_64 = tpu.memref_slice %arg10[%dma_start3A_62, %dma_start3A_63] : memref<256x128xf32, #tpu.memory_space<vmem>> -> memref<128x128xf32, #tpu.memory_space<vmem>>
    %dma_start3A_65 = arith.constant 0 : i32
    %dma_start3A_66 = tpu.memref_slice %arg8[%dma_start3A_61, %dma_start3A_65] : memref<4x128xi32, #tpu.memory_space<vmem>> -> memref<1x128xi32, #tpu.memory_space<vmem>>
    %dma_start3A_67 = tpu.memref_squeeze %dma_start3A_66 : memref<1x128xi32, #tpu.memory_space<vmem>> -> memref<128xi32, #tpu.memory_space<vmem>>
    %dma_start3A_68 = arith.constant 0 : i32
    %dma_start3A_69 = arith.constant 0 : i32
    %dma_start3A_70 = tpu.memref_slice %arg4[%dma_start3A_68, %dma_start3A_69] : memref<32768x128xf32, #tpu.memory_space<hbm>> -> memref<32768x128xf32, #tpu.memory_space<hbm>>
    tpu.enqueue_indirect_dma source(%dma_start3A_70 : memref<32768x128xf32, #tpu.memory_space<hbm>>) target(%dma_start3A_64 : memref<128x128xf32, #tpu.memory_space<vmem>>) offsets(%dma_start3A_67 : memref<128xi32, #tpu.memory_space<vmem>>) semaphore(%arg13 : memref<!tpu.dma_semaphore, #tpu.memory_space<semaphore_mem>>)
    %dma_start3A_71 = arith.constant 3 : i32
    %dma_start3A_72 = arith.constant 128 : i32
    %dma_start3A_73 = arith.constant 0 : i32
    %dma_start3A_74 = tpu.memref_slice %arg10[%dma_start3A_72, %dma_start3A_73] : memref<256x128xf32, #tpu.memory_space<vmem>> -> memref<128x128xf32, #tpu.memory_space<vmem>>
    %dma_start3A_75 = arith.constant 0 : i32
    %dma_start3A_76 = tpu.memref_slice %arg8[%dma_start3A_71, %dma_start3A_75] : memref<4x128xi32, #tpu.memory_space<vmem>> -> memref<1x128xi32, #tpu.memory_space<vmem>>
    %dma_start3A_77 = tpu.memref_squeeze %dma_start3A_76 : memref<1x128xi32, #tpu.memory_space<vmem>> -> memref<128xi32, #tpu.memory_space<vmem>>
    %dma_start3A_78 = arith.constant 0 : i32
    %dma_start3A_79 = arith.constant 0 : i32
    %dma_start3A_80 = tpu.memref_slice %arg4[%dma_start3A_78, %dma_start3A_79] : memref<32768x128xf32, #tpu.memory_space<hbm>> -> memref<32768x128xf32, #tpu.memory_space<hbm>>
    tpu.enqueue_indirect_dma source(%dma_start3A_80 : memref<32768x128xf32, #tpu.memory_space<hbm>>) target(%dma_start3A_74 : memref<128x128xf32, #tpu.memory_space<vmem>>) offsets(%dma_start3A_77 : memref<128xi32, #tpu.memory_space<vmem>>) semaphore(%arg13 : memref<!tpu.dma_semaphore, #tpu.memory_space<semaphore_mem>>)
    %iota3A = tpu.iota {dimensions = array<i32: 0>} : vector<16xi32>
    %mul3A_81 = arith.constant 8192 : i32
    %mul3A_82 = arith.muli %select_n3A, %mul3A_81 : i32
    %get3A = arith.constant 0 : index
    %get3A_83 = tpu.vector_load %arg9[%get3A] {strides = array<i32>} : memref<512xi32, #tpu.memory_space<vmem>>, vector<16xi32>,
    %sub3A_84 = vector.broadcast %mul3A_82 : i32 to vector<16xi32>
    %sub3A_85 = arith.subi %get3A_83, %sub3A_84 : vector<16xi32>
    %mul3A_86 = arith.constant 3 : i32
    %mul3A_87 = vector.broadcast %mul3A_86 : i32 to vector<16xi32>
    %mul3A_88 = arith.muli %sub3A_85, %mul3A_87 : vector<16xi32>
    %add3A_89 = arith.constant 0 : i32
    %add3A_90 = vector.broadcast %add3A_89 : i32 to vector<16xi32>
    %add3A_91 = arith.addi %iota3A, %add3A_90 : vector<16xi32>
    %add3A_92 = arith.constant 0 : i32
    %add3A_93 = vector.broadcast %add3A_92 : i32 to vector<16xi32>
    %add3A_94 = arith.addi %mul3A_88, %add3A_93 : vector<16xi32>
    %gather3A = tpu.vector_load_idx %arg11[%add3A_94] : memref<24576xf32, #tpu.memory_space<vmem>>[vector<16xi32>], vector<16xf32>,
    %mul3A_95 = arith.constant 0 : i32
    %mul3A_96 = vector.broadcast %mul3A_95 : i32 to vector<16xi32>
    %mul3A_97 = arith.muli %iota3A, %mul3A_96 : vector<16xi32>
    %add3A_98 = arith.constant 0 : i32
    %add3A_99 = vector.broadcast %add3A_98 : i32 to vector<16xi32>
    %add3A_100 = arith.addi %mul3A_97, %add3A_99 : vector<16xi32>
    tpu.vector_store_idx %arg12[%add3A_91, %add3A_100], %gather3A : memref<512x16xf32, #tpu.memory_space<vmem>>[vector<16xi32>, vector<16xi32>], vector<16xf32>,
    %add3A_101 = arith.constant 1 : i32
    %add3A_102 = vector.broadcast %add3A_101 : i32 to vector<16xi32>
    %add3A_103 = arith.addi %mul3A_88, %add3A_102 : vector<16xi32>
    %gather3A_104 = tpu.vector_load_idx %arg11[%add3A_103] : memref<24576xf32, #tpu.memory_space<vmem>>[vector<16xi32>], vector<16xf32>,
    %mul3A_105 = arith.constant 0 : i32
    %mul3A_106 = vector.broadcast %mul3A_105 : i32 to vector<16xi32>
    %mul3A_107 = arith.muli %iota3A, %mul3A_106 : vector<16xi32>
    %add3A_108 = arith.constant 1 : i32
    %add3A_109 = vector.broadcast %add3A_108 : i32 to vector<16xi32>
    %add3A_110 = arith.addi %mul3A_107, %add3A_109 : vector<16xi32>
    tpu.vector_store_idx %arg12[%add3A_91, %add3A_110], %gather3A_104 : memref<512x16xf32, #tpu.memory_space<vmem>>[vector<16xi32>, vector<16xi32>], vector<16xf32>,
    %add3A_111 = arith.constant 2 : i32
    %add3A_112 = vector.broadcast %add3A_111 : i32 to vector<16xi32>
    %add3A_113 = arith.addi %mul3A_88, %add3A_112 : vector<16xi32>
    %gather3A_114 = tpu.vector_load_idx %arg11[%add3A_113] : memref<24576xf32, #tpu.memory_space<vmem>>[vector<16xi32>], vector<16xf32>,
    %mul3A_115 = arith.constant 0 : i32
    %mul3A_116 = vector.broadcast %mul3A_115 : i32 to vector<16xi32>
    %mul3A_117 = arith.muli %iota3A, %mul3A_116 : vector<16xi32>
    %add3A_118 = arith.constant 2 : i32
    %add3A_119 = vector.broadcast %add3A_118 : i32 to vector<16xi32>
    %add3A_120 = arith.addi %mul3A_117, %add3A_119 : vector<16xi32>
    tpu.vector_store_idx %arg12[%add3A_91, %add3A_120], %gather3A_114 : memref<512x16xf32, #tpu.memory_space<vmem>>[vector<16xi32>, vector<16xi32>], vector<16xf32>,
    %get3A_121 = arith.constant 16 : index
    %get3A_122 = tpu.vector_load %arg9[%get3A_121] {strides = array<i32>} : memref<512xi32, #tpu.memory_space<vmem>>, vector<16xi32>,
    %sub3A_123 = vector.broadcast %mul3A_82 : i32 to vector<16xi32>
    %sub3A_124 = arith.subi %get3A_122, %sub3A_123 : vector<16xi32>
    %mul3A_125 = arith.constant 3 : i32
    %mul3A_126 = vector.broadcast %mul3A_125 : i32 to vector<16xi32>
    %mul3A_127 = arith.muli %sub3A_124, %mul3A_126 : vector<16xi32>
    %add3A_128 = arith.constant 16 : i32
    %add3A_129 = vector.broadcast %add3A_128 : i32 to vector<16xi32>
    %add3A_130 = arith.addi %iota3A, %add3A_129 : vector<16xi32>
    %add3A_131 = arith.constant 0 : i32
    %add3A_132 = vector.broadcast %add3A_131 : i32 to vector<16xi32>
    %add3A_133 = arith.addi %mul3A_127, %add3A_132 : vector<16xi32>
    %gather3A_134 = tpu.vector_load_idx %arg11[%add3A_133] : memref<24576xf32, #tpu.memory_space<vmem>>[vector<16xi32>], vector<16xf32>,
    %mul3A_135 = arith.constant 0 : i32
    %mul3A_136 = vector.broadcast %mul3A_135 : i32 to vector<16xi32>
    %mul3A_137 = arith.muli %iota3A, %mul3A_136 : vector<16xi32>
    %add3A_138 = arith.constant 0 : i32
    %add3A_139 = vector.broadcast %add3A_138 : i32 to vector<16xi32>
    %add3A_140 = arith.addi %mul3A_137, %add3A_139 : vector<16xi32>
    tpu.vector_store_idx %arg12[%add3A_130, %add3A_140], %gather3A_134 : memref<512x16xf32, #tpu.memory_space<vmem>>[vector<16xi32>, vector<16xi32>], vector<16xf32>,
    %add3A_141 = arith.constant 1 : i32
    %add3A_142 = vector.broadcast %add3A_141 : i32 to vector<16xi32>
    %add3A_143 = arith.addi %mul3A_127, %add3A_142 : vector<16xi32>
    %gather3A_144 = tpu.vector_load_idx %arg11[%add3A_143] : memref<24576xf32, #tpu.memory_space<vmem>>[vector<16xi32>], vector<16xf32>,
    %mul3A_145 = arith.constant 0 : i32
    %mul3A_146 = vector.broadcast %mul3A_145 : i32 to vector<16xi32>
    %mul3A_147 = arith.muli %iota3A, %mul3A_146 : vector<16xi32>
    %add3A_148 = arith.constant 1 : i32
    %add3A_149 = vector.broadcast %add3A_148 : i32 to vector<16xi32>
    %add3A_150 = arith.addi %mul3A_147, %add3A_149 : vector<16xi32>
    tpu.vector_store_idx %arg12[%add3A_130, %add3A_150], %gather3A_144 : memref<512x16xf32, #tpu.memory_space<vmem>>[vector<16xi32>, vector<16xi32>], vector<16xf32>,
    %add3A_151 = arith.constant 2 : i32
    %add3A_152 = vector.broadcast %add3A_151 : i32 to vector<16xi32>
    %add3A_153 = arith.addi %mul3A_127, %add3A_152 : vector<16xi32>
    %gather3A_154 = tpu.vector_load_idx %arg11[%add3A_153] : memref<24576xf32, #tpu.memory_space<vmem>>[vector<16xi32>], vector<16xf32>,
    %mul3A_155 = arith.constant 0 : i32
    %mul3A_156 = vector.broadcast %mul3A_155 : i32 to vector<16xi32>
    %mul3A_157 = arith.muli %iota3A, %mul3A_156 : vector<16xi32>
    %add3A_158 = arith.constant 2 : i32
    %add3A_159 = vector.broadcast %add3A_158 : i32 to vector<16xi32>
    %add3A_160 = arith.addi %mul3A_157, %add3A_159 : vector<16xi32>
    tpu.vector_store_idx %arg12[%add3A_130, %add3A_160], %gather3A_154 : memref<512x16xf32, #tpu.memory_space<vmem>>[vector<16xi32>, vector<16xi32>], vector<16xf32>,
    %get3A_161 = arith.constant 32 : index
    %get3A_162 = tpu.vector_load %arg9[%get3A_161] {strides = array<i32>} : memref<512xi32, #tpu.memory_space<vmem>>, vector<16xi32>,
    %sub3A_163 = vector.broadcast %mul3A_82 : i32 to vector<16xi32>
    %sub3A_164 = arith.subi %get3A_162, %sub3A_163 : vector<16xi32>
    %mul3A_165 = arith.constant 3 : i32
    %mul3A_166 = vector.broadcast %mul3A_165 : i32 to vector<16xi32>
    %mul3A_167 = arith.muli %sub3A_164, %mul3A_166 : vector<16xi32>
    %add3A_168 = arith.constant 32 : i32
    %add3A_169 = vector.broadcast %add3A_168 : i32 to vector<16xi32>
    %add3A_170 = arith.addi %iota3A, %add3A_169 : vector<16xi32>
    %add3A_171 = arith.constant 0 : i32
    %add3A_172 = vector.broadcast %add3A_171 : i32 to vector<16xi32>
    %add3A_173 = arith.addi %mul3A_167, %add3A_172 : vector<16xi32>
    %gather3A_174 = tpu.vector_load_idx %arg11[%add3A_173] : memref<24576xf32, #tpu.memory_space<vmem>>[vector<16xi32>], vector<16xf32>,
    %mul3A_175 = arith.constant 0 : i32
    %mul3A_176 = vector.broadcast %mul3A_175 : i32 to vector<16xi32>
    %mul3A_177 = arith.muli %iota3A, %mul3A_176 : vector<16xi32>
    %add3A_178 = arith.constant 0 : i32
    %add3A_179 = vector.broadcast %add3A_178 : i32 to vector<16xi32>
    %add3A_180 = arith.addi %mul3A_177, %add3A_179 : vector<16xi32>
    tpu.vector_store_idx %arg12[%add3A_170, %add3A_180], %gather3A_174 : memref<512x16xf32, #tpu.memory_space<vmem>>[vector<16xi32>, vector<16xi32>], vector<16xf32>,
    %add3A_181 = arith.constant 1 : i32
    %add3A_182 = vector.broadcast %add3A_181 : i32 to vector<16xi32>
    %add3A_183 = arith.addi %mul3A_167, %add3A_182 : vector<16xi32>
    %gather3A_184 = tpu.vector_load_idx %arg11[%add3A_183] : memref<24576xf32, #tpu.memory_space<vmem>>[vector<16xi32>], vector<16xf32>,
    %mul3A_185 = arith.constant 0 : i32
    %mul3A_186 = vector.broadcast %mul3A_185 : i32 to vector<16xi32>
    %mul3A_187 = arith.muli %iota3A, %mul3A_186 : vector<16xi32>
    %add3A_188 = arith.constant 1 : i32
    %add3A_189 = vector.broadcast %add3A_188 : i32 to vector<16xi32>
    %add3A_190 = arith.addi %mul3A_187, %add3A_189 : vector<16xi32>
    tpu.vector_store_idx %arg12[%add3A_170, %add3A_190], %gather3A_184 : memref<512x16xf32, #tpu.memory_space<vmem>>[vector<16xi32>, vector<16xi32>], vector<16xf32>,
    %add3A_191 = arith.constant 2 : i32
    %add3A_192 = vector.broadcast %add3A_191 : i32 to vector<16xi32>
    %add3A_193 = arith.addi %mul3A_167, %add3A_192 : vector<16xi32>
    %gather3A_194 = tpu.vector_load_idx %arg11[%add3A_193] : memref<24576xf32, #tpu.memory_space<vmem>>[vector<16xi32>], vector<16xf32>,
    %mul3A_195 = arith.constant 0 : i32
    %mul3A_196 = vector.broadcast %mul3A_195 : i32 to vector<16xi32>
    %mul3A_197 = arith.muli %iota3A, %mul3A_196 : vector<16xi32>
    %add3A_198 = arith.constant 2 : i32
    %add3A_199 = vector.broadcast %add3A_198 : i32 to vector<16xi32>
    %add3A_200 = arith.addi %mul3A_197, %add3A_199 : vector<16xi32>
    tpu.vector_store_idx %arg12[%add3A_170, %add3A_200], %gather3A_194 : memref<512x16xf32, #tpu.memory_space<vmem>>[vector<16xi32>, vector<16xi32>], vector<16xf32>,
    %get3A_201 = arith.constant 48 : index
    %get3A_202 = tpu.vector_load %arg9[%get3A_201] {strides = array<i32>} : memref<512xi32, #tpu.memory_space<vmem>>, vector<16xi32>,
    %sub3A_203 = vector.broadcast %mul3A_82 : i32 to vector<16xi32>
    %sub3A_204 = arith.subi %get3A_202, %sub3A_203 : vector<16xi32>
    %mul3A_205 = arith.constant 3 : i32
    %mul3A_206 = vector.broadcast %mul3A_205 : i32 to vector<16xi32>
    %mul3A_207 = arith.muli %sub3A_204, %mul3A_206 : vector<16xi32>
    %add3A_208 = arith.constant 48 : i32
    %add3A_209 = vector.broadcast %add3A_208 : i32 to vector<16xi32>
    %add3A_210 = arith.addi %iota3A, %add3A_209 : vector<16xi32>
    %add3A_211 = arith.constant 0 : i32
    %add3A_212 = vector.broadcast %add3A_211 : i32 to vector<16xi32>
    %add3A_213 = arith.addi %mul3A_207, %add3A_212 : vector<16xi32>
    %gather3A_214 = tpu.vector_load_idx %arg11[%add3A_213] : memref<24576xf32, #tpu.memory_space<vmem>>[vector<16xi32>], vector<16xf32>,
    %mul3A_215 = arith.constant 0 : i32
    %mul3A_216 = vector.broadcast %mul3A_215 : i32 to vector<16xi32>
    %mul3A_217 = arith.muli %iota3A, %mul3A_216 : vector<16xi32>
    %add3A_218 = arith.constant 0 : i32
    %add3A_219 = vector.broadcast %add3A_218 : i32 to vector<16xi32>
    %add3A_220 = arith.addi %mul3A_217, %add3A_219 : vector<16xi32>
    tpu.vector_store_idx %arg12[%add3A_210, %add3A_220], %gather3A_214 : memref<512x16xf32, #tpu.memory_space<vmem>>[vector<16xi32>, vector<16xi32>], vector<16xf32>,
    %add3A_221 = arith.constant 1 : i32
    %add3A_222 = vector.broadcast %add3A_221 : i32 to vector<16xi32>
    %add3A_223 = arith.addi %mul3A_207, %add3A_222 : vector<16xi32>
    %gather3A_224 = tpu.vector_load_idx %arg11[%add3A_223] : memref<24576xf32, #tpu.memory_space<vmem>>[vector<16xi32>], vector<16xf32>,
    %mul3A_225 = arith.constant 0 : i32
    %mul3A_226 = vector.broadcast %mul3A_225 : i32 to vector<16xi32>
    %mul3A_227 = arith.muli %iota3A, %mul3A_226 : vector<16xi32>
    %add3A_228 = arith.constant 1 : i32
    %add3A_229 = vector.broadcast %add3A_228 : i32 to vector<16xi32>
    %add3A_230 = arith.addi %mul3A_227, %add3A_229 : vector<16xi32>
    tpu.vector_store_idx %arg12[%add3A_210, %add3A_230], %gather3A_224 : memref<512x16xf32, #tpu.memory_space<vmem>>[vector<16xi32>, vector<16xi32>], vector<16xf32>,
    %add3A_231 = arith.constant 2 : i32
    %add3A_232 = vector.broadcast %add3A_231 : i32 to vector<16xi32>
    %add3A_233 = arith.addi %mul3A_207, %add3A_232 : vector<16xi32>
    %gather3A_234 = tpu.vector_load_idx %arg11[%add3A_233] : memref<24576xf32, #tpu.memory_space<vmem>>[vector<16xi32>], vector<16xf32>,
    %mul3A_235 = arith.constant 0 : i32
    %mul3A_236 = vector.broadcast %mul3A_235 : i32 to vector<16xi32>
    %mul3A_237 = arith.muli %iota3A, %mul3A_236 : vector<16xi32>
    %add3A_238 = arith.constant 2 : i32
    %add3A_239 = vector.broadcast %add3A_238 : i32 to vector<16xi32>
    %add3A_240 = arith.addi %mul3A_237, %add3A_239 : vector<16xi32>
    tpu.vector_store_idx %arg12[%add3A_210, %add3A_240], %gather3A_234 : memref<512x16xf32, #tpu.memory_space<vmem>>[vector<16xi32>, vector<16xi32>], vector<16xf32>,
    %get3A_241 = arith.constant 64 : index
    %get3A_242 = tpu.vector_load %arg9[%get3A_241] {strides = array<i32>} : memref<512xi32, #tpu.memory_space<vmem>>, vector<16xi32>,
    %sub3A_243 = vector.broadcast %mul3A_82 : i32 to vector<16xi32>
    %sub3A_244 = arith.subi %get3A_242, %sub3A_243 : vector<16xi32>
    %mul3A_245 = arith.constant 3 : i32
    %mul3A_246 = vector.broadcast %mul3A_245 : i32 to vector<16xi32>
    %mul3A_247 = arith.muli %sub3A_244, %mul3A_246 : vector<16xi32>
    %add3A_248 = arith.constant 64 : i32
    %add3A_249 = vector.broadcast %add3A_248 : i32 to vector<16xi32>
    %add3A_250 = arith.addi %iota3A, %add3A_249 : vector<16xi32>
    %add3A_251 = arith.constant 0 : i32
    %add3A_252 = vector.broadcast %add3A_251 : i32 to vector<16xi32>
    %add3A_253 = arith.addi %mul3A_247, %add3A_252 : vector<16xi32>
    %gather3A_254 = tpu.vector_load_idx %arg11[%add3A_253] : memref<24576xf32, #tpu.memory_space<vmem>>[vector<16xi32>], vector<16xf32>,
    %mul3A_255 = arith.constant 0 : i32
    %mul3A_256 = vector.broadcast %mul3A_255 : i32 to vector<16xi32>
    %mul3A_257 = arith.muli %iota3A, %mul3A_256 : vector<16xi32>
    %add3A_258 = arith.constant 0 : i32
    %add3A_259 = vector.broadcast %add3A_258 : i32 to vector<16xi32>
    %add3A_260 = arith.addi %mul3A_257, %add3A_259 : vector<16xi32>
    tpu.vector_store_idx %arg12[%add3A_250, %add3A_260], %gather3A_254 : memref<512x16xf32, #tpu.memory_space<vmem>>[vector<16xi32>, vector<16xi32>], vector<16xf32>,
    %add3A_261 = arith.constant 1 : i32
    %add3A_262 = vector.broadcast %add3A_261 : i32 to vector<16xi32>
    %add3A_263 = arith.addi %mul3A_247, %add3A_262 : vector<16xi32>
    %gather3A_264 = tpu.vector_load_idx %arg11[%add3A_263] : memref<24576xf32, #tpu.memory_space<vmem>>[vector<16xi32>], vector<16xf32>,
    %mul3A_265 = arith.constant 0 : i32
    %mul3A_266 = vector.broadcast %mul3A_265 : i32 to vector<16xi32>
    %mul3A_267 = arith.muli %iota3A, %mul3A_266 : vector<16xi32>
    %add3A_268 = arith.constant 1 : i32
    %add3A_269 = vector.broadcast %add3A_268 : i32 to vector<16xi32>
    %add3A_270 = arith.addi %mul3A_267, %add3A_269 : vector<16xi32>
    tpu.vector_store_idx %arg12[%add3A_250, %add3A_270], %gather3A_264 : memref<512x16xf32, #tpu.memory_space<vmem>>[vector<16xi32>, vector<16xi32>], vector<16xf32>,
    %add3A_271 = arith.constant 2 : i32
    %add3A_272 = vector.broadcast %add3A_271 : i32 to vector<16xi32>
    %add3A_273 = arith.addi %mul3A_247, %add3A_272 : vector<16xi32>
    %gather3A_274 = tpu.vector_load_idx %arg11[%add3A_273] : memref<24576xf32, #tpu.memory_space<vmem>>[vector<16xi32>], vector<16xf32>,
    %mul3A_275 = arith.constant 0 : i32
    %mul3A_276 = vector.broadcast %mul3A_275 : i32 to vector<16xi32>
    %mul3A_277 = arith.muli %iota3A, %mul3A_276 : vector<16xi32>
    %add3A_278 = arith.constant 2 : i32
    %add3A_279 = vector.broadcast %add3A_278 : i32 to vector<16xi32>
    %add3A_280 = arith.addi %mul3A_277, %add3A_279 : vector<16xi32>
    tpu.vector_store_idx %arg12[%add3A_250, %add3A_280], %gather3A_274 : memref<512x16xf32, #tpu.memory_space<vmem>>[vector<16xi32>, vector<16xi32>], vector<16xf32>,
    %get3A_281 = arith.constant 80 : index
    %get3A_282 = tpu.vector_load %arg9[%get3A_281] {strides = array<i32>} : memref<512xi32, #tpu.memory_space<vmem>>, vector<16xi32>,
    %sub3A_283 = vector.broadcast %mul3A_82 : i32 to vector<16xi32>
    %sub3A_284 = arith.subi %get3A_282, %sub3A_283 : vector<16xi32>
    %mul3A_285 = arith.constant 3 : i32
    %mul3A_286 = vector.broadcast %mul3A_285 : i32 to vector<16xi32>
    %mul3A_287 = arith.muli %sub3A_284, %mul3A_286 : vector<16xi32>
    %add3A_288 = arith.constant 80 : i32
    %add3A_289 = vector.broadcast %add3A_288 : i32 to vector<16xi32>
    %add3A_290 = arith.addi %iota3A, %add3A_289 : vector<16xi32>
    %add3A_291 = arith.constant 0 : i32
    %add3A_292 = vector.broadcast %add3A_291 : i32 to vector<16xi32>
    %add3A_293 = arith.addi %mul3A_287, %add3A_292 : vector<16xi32>
    %gather3A_294 = tpu.vector_load_idx %arg11[%add3A_293] : memref<24576xf32, #tpu.memory_space<vmem>>[vector<16xi32>], vector<16xf32>,
    %mul3A_295 = arith.constant 0 : i32
    %mul3A_296 = vector.broadcast %mul3A_295 : i32 to vector<16xi32>
    %mul3A_297 = arith.muli %iota3A, %mul3A_296 : vector<16xi32>
    %add3A_298 = arith.constant 0 : i32
    %add3A_299 = vector.broadcast %add3A_298 : i32 to vector<16xi32>
    %add3A_300 = arith.addi %mul3A_297, %add3A_299 : vector<16xi32>
    tpu.vector_store_idx %arg12[%add3A_290, %add3A_300], %gather3A_294 : memref<512x16xf32, #tpu.memory_space<vmem>>[vector<16xi32>, vector<16xi32>], vector<16xf32>,
    %add3A_301 = arith.constant 1 : i32
    %add3A_302 = vector.broadcast %add3A_301 : i32 to vector<16xi32>
    %add3A_303 = arith.addi %mul3A_287, %add3A_302 : vector<16xi32>
    %gather3A_304 = tpu.vector_load_idx %arg11[%add3A_303] : memref<24576xf32, #tpu.memory_space<vmem>>[vector<16xi32>], vector<16xf32>,
    %mul3A_305 = arith.constant 0 : i32
    %mul3A_306 = vector.broadcast %mul3A_305 : i32 to vector<16xi32>
    %mul3A_307 = arith.muli %iota3A, %mul3A_306 : vector<16xi32>
    %add3A_308 = arith.constant 1 : i32
    %add3A_309 = vector.broadcast %add3A_308 : i32 to vector<16xi32>
    %add3A_310 = arith.addi %mul3A_307, %add3A_309 : vector<16xi32>
    tpu.vector_store_idx %arg12[%add3A_290, %add3A_310], %gather3A_304 : memref<512x16xf32, #tpu.memory_space<vmem>>[vector<16xi32>, vector<16xi32>], vector<16xf32>,
    %add3A_311 = arith.constant 2 : i32
    %add3A_312 = vector.broadcast %add3A_311 : i32 to vector<16xi32>
    %add3A_313 = arith.addi %mul3A_287, %add3A_312 : vector<16xi32>
    %gather3A_314 = tpu.vector_load_idx %arg11[%add3A_313] : memref<24576xf32, #tpu.memory_space<vmem>>[vector<16xi32>], vector<16xf32>,
    %mul3A_315 = arith.constant 0 : i32
    %mul3A_316 = vector.broadcast %mul3A_315 : i32 to vector<16xi32>
    %mul3A_317 = arith.muli %iota3A, %mul3A_316 : vector<16xi32>
    %add3A_318 = arith.constant 2 : i32
    %add3A_319 = vector.broadcast %add3A_318 : i32 to vector<16xi32>
    %add3A_320 = arith.addi %mul3A_317, %add3A_319 : vector<16xi32>
    tpu.vector_store_idx %arg12[%add3A_290, %add3A_320], %gather3A_314 : memref<512x16xf32, #tpu.memory_space<vmem>>[vector<16xi32>, vector<16xi32>], vector<16xf32>,
    %get3A_321 = arith.constant 96 : index
    %get3A_322 = tpu.vector_load %arg9[%get3A_321] {strides = array<i32>} : memref<512xi32, #tpu.memory_space<vmem>>, vector<16xi32>,
    %sub3A_323 = vector.broadcast %mul3A_82 : i32 to vector<16xi32>
    %sub3A_324 = arith.subi %get3A_322, %sub3A_323 : vector<16xi32>
    %mul3A_325 = arith.constant 3 : i32
    %mul3A_326 = vector.broadcast %mul3A_325 : i32 to vector<16xi32>
    %mul3A_327 = arith.muli %sub3A_324, %mul3A_326 : vector<16xi32>
    %add3A_328 = arith.constant 96 : i32
    %add3A_329 = vector.broadcast %add3A_328 : i32 to vector<16xi32>
    %add3A_330 = arith.addi %iota3A, %add3A_329 : vector<16xi32>
    %add3A_331 = arith.constant 0 : i32
    %add3A_332 = vector.broadcast %add3A_331 : i32 to vector<16xi32>
    %add3A_333 = arith.addi %mul3A_327, %add3A_332 : vector<16xi32>
    %gather3A_334 = tpu.vector_load_idx %arg11[%add3A_333] : memref<24576xf32, #tpu.memory_space<vmem>>[vector<16xi32>], vector<16xf32>,
    %mul3A_335 = arith.constant 0 : i32
    %mul3A_336 = vector.broadcast %mul3A_335 : i32 to vector<16xi32>
    %mul3A_337 = arith.muli %iota3A, %mul3A_336 : vector<16xi32>
    %add3A_338 = arith.constant 0 : i32
    %add3A_339 = vector.broadcast %add3A_338 : i32 to vector<16xi32>
    %add3A_340 = arith.addi %mul3A_337, %add3A_339 : vector<16xi32>
    tpu.vector_store_idx %arg12[%add3A_330, %add3A_340], %gather3A_334 : memref<512x16xf32, #tpu.memory_space<vmem>>[vector<16xi32>, vector<16xi32>], vector<16xf32>,
    %add3A_341 = arith.constant 1 : i32
    %add3A_342 = vector.broadcast %add3A_341 : i32 to vector<16xi32>
    %add3A_343 = arith.addi %mul3A_327, %add3A_342 : vector<16xi32>
    %gather3A_344 = tpu.vector_load_idx %arg11[%add3A_343] : memref<24576xf32, #tpu.memory_space<vmem>>[vector<16xi32>], vector<16xf32>,
    %mul3A_345 = arith.constant 0 : i32
    %mul3A_346 = vector.broadcast %mul3A_345 : i32 to vector<16xi32>
    %mul3A_347 = arith.muli %iota3A, %mul3A_346 : vector<16xi32>
    %add3A_348 = arith.constant 1 : i32
    %add3A_349 = vector.broadcast %add3A_348 : i32 to vector<16xi32>
    %add3A_350 = arith.addi %mul3A_347, %add3A_349 : vector<16xi32>
    tpu.vector_store_idx %arg12[%add3A_330, %add3A_350], %gather3A_344 : memref<512x16xf32, #tpu.memory_space<vmem>>[vector<16xi32>, vector<16xi32>], vector<16xf32>,
    %add3A_351 = arith.constant 2 : i32
    %add3A_352 = vector.broadcast %add3A_351 : i32 to vector<16xi32>
    %add3A_353 = arith.addi %mul3A_327, %add3A_352 : vector<16xi32>
    %gather3A_354 = tpu.vector_load_idx %arg11[%add3A_353] : memref<24576xf32, #tpu.memory_space<vmem>>[vector<16xi32>], vector<16xf32>,
    %mul3A_355 = arith.constant 0 : i32
    %mul3A_356 = vector.broadcast %mul3A_355 : i32 to vector<16xi32>
    %mul3A_357 = arith.muli %iota3A, %mul3A_356 : vector<16xi32>
    %add3A_358 = arith.constant 2 : i32
    %add3A_359 = vector.broadcast %add3A_358 : i32 to vector<16xi32>
    %add3A_360 = arith.addi %mul3A_357, %add3A_359 : vector<16xi32>
    tpu.vector_store_idx %arg12[%add3A_330, %add3A_360], %gather3A_354 : memref<512x16xf32, #tpu.memory_space<vmem>>[vector<16xi32>, vector<16xi32>], vector<16xf32>,
    %get3A_361 = arith.constant 112 : index
    %get3A_362 = tpu.vector_load %arg9[%get3A_361] {strides = array<i32>} : memref<512xi32, #tpu.memory_space<vmem>>, vector<16xi32>,
    %sub3A_363 = vector.broadcast %mul3A_82 : i32 to vector<16xi32>
    %sub3A_364 = arith.subi %get3A_362, %sub3A_363 : vector<16xi32>
    %mul3A_365 = arith.constant 3 : i32
    %mul3A_366 = vector.broadcast %mul3A_365 : i32 to vector<16xi32>
    %mul3A_367 = arith.muli %sub3A_364, %mul3A_366 : vector<16xi32>
    %add3A_368 = arith.constant 112 : i32
    %add3A_369 = vector.broadcast %add3A_368 : i32 to vector<16xi32>
    %add3A_370 = arith.addi %iota3A, %add3A_369 : vector<16xi32>
    %add3A_371 = arith.constant 0 : i32
    %add3A_372 = vector.broadcast %add3A_371 : i32 to vector<16xi32>
    %add3A_373 = arith.addi %mul3A_367, %add3A_372 : vector<16xi32>
    %gather3A_374 = tpu.vector_load_idx %arg11[%add3A_373] : memref<24576xf32, #tpu.memory_space<vmem>>[vector<16xi32>], vector<16xf32>,
    %mul3A_375 = arith.constant 0 : i32
    %mul3A_376 = vector.broadcast %mul3A_375 : i32 to vector<16xi32>
    %mul3A_377 = arith.muli %iota3A, %mul3A_376 : vector<16xi32>
    %add3A_378 = arith.constant 0 : i32
    %add3A_379 = vector.broadcast %add3A_378 : i32 to vector<16xi32>
    %add3A_380 = arith.addi %mul3A_377, %add3A_379 : vector<16xi32>
    tpu.vector_store_idx %arg12[%add3A_370, %add3A_380], %gather3A_374 : memref<512x16xf32, #tpu.memory_space<vmem>>[vector<16xi32>, vector<16xi32>], vector<16xf32>,
    %add3A_381 = arith.constant 1 : i32
    %add3A_382 = vector.broadcast %add3A_381 : i32 to vector<16xi32>
    %add3A_383 = arith.addi %mul3A_367, %add3A_382 : vector<16xi32>
    %gather3A_384 = tpu.vector_load_idx %arg11[%add3A_383] : memref<24576xf32, #tpu.memory_space<vmem>>[vector<16xi32>], vector<16xf32>,
    %mul3A_385 = arith.constant 0 : i32
    %mul3A_386 = vector.broadcast %mul3A_385 : i32 to vector<16xi32>
    %mul3A_387 = arith.muli %iota3A, %mul3A_386 : vector<16xi32>
    %add3A_388 = arith.constant 1 : i32
    %add3A_389 = vector.broadcast %add3A_388 : i32 to vector<16xi32>
    %add3A_390 = arith.addi %mul3A_387, %add3A_389 : vector<16xi32>
    tpu.vector_store_idx %arg12[%add3A_370, %add3A_390], %gather3A_384 : memref<512x16xf32, #tpu.memory_space<vmem>>[vector<16xi32>, vector<16xi32>], vector<16xf32>,
    %add3A_391 = arith.constant 2 : i32
    %add3A_392 = vector.broadcast %add3A_391 : i32 to vector<16xi32>
    %add3A_393 = arith.addi %mul3A_367, %add3A_392 : vector<16xi32>
    %gather3A_394 = tpu.vector_load_idx %arg11[%add3A_393] : memref<24576xf32, #tpu.memory_space<vmem>>[vector<16xi32>], vector<16xf32>,
    %mul3A_395 = arith.constant 0 : i32
    %mul3A_396 = vector.broadcast %mul3A_395 : i32 to vector<16xi32>
    %mul3A_397 = arith.muli %iota3A, %mul3A_396 : vector<16xi32>
    %add3A_398 = arith.constant 2 : i32
    %add3A_399 = vector.broadcast %add3A_398 : i32 to vector<16xi32>
    %add3A_400 = arith.addi %mul3A_397, %add3A_399 : vector<16xi32>
    tpu.vector_store_idx %arg12[%add3A_370, %add3A_400], %gather3A_394 : memref<512x16xf32, #tpu.memory_space<vmem>>[vector<16xi32>, vector<16xi32>], vector<16xf32>,
    %get3A_401 = arith.constant 128 : index
    %get3A_402 = tpu.vector_load %arg9[%get3A_401] {strides = array<i32>} : memref<512xi32, #tpu.memory_space<vmem>>, vector<16xi32>,
    %sub3A_403 = vector.broadcast %mul3A_82 : i32 to vector<16xi32>
    %sub3A_404 = arith.subi %get3A_402, %sub3A_403 : vector<16xi32>
    %mul3A_405 = arith.constant 3 : i32
    %mul3A_406 = vector.broadcast %mul3A_405 : i32 to vector<16xi32>
    %mul3A_407 = arith.muli %sub3A_404, %mul3A_406 : vector<16xi32>
    %add3A_408 = arith.constant 128 : i32
    %add3A_409 = vector.broadcast %add3A_408 : i32 to vector<16xi32>
    %add3A_410 = arith.addi %iota3A, %add3A_409 : vector<16xi32>
    %add3A_411 = arith.constant 0 : i32
    %add3A_412 = vector.broadcast %add3A_411 : i32 to vector<16xi32>
    %add3A_413 = arith.addi %mul3A_407, %add3A_412 : vector<16xi32>
    %gather3A_414 = tpu.vector_load_idx %arg11[%add3A_413] : memref<24576xf32, #tpu.memory_space<vmem>>[vector<16xi32>], vector<16xf32>,
    %mul3A_415 = arith.constant 0 : i32
    %mul3A_416 = vector.broadcast %mul3A_415 : i32 to vector<16xi32>
    %mul3A_417 = arith.muli %iota3A, %mul3A_416 : vector<16xi32>
    %add3A_418 = arith.constant 0 : i32
    %add3A_419 = vector.broadcast %add3A_418 : i32 to vector<16xi32>
    %add3A_420 = arith.addi %mul3A_417, %add3A_419 : vector<16xi32>
    tpu.vector_store_idx %arg12[%add3A_410, %add3A_420], %gather3A_414 : memref<512x16xf32, #tpu.memory_space<vmem>>[vector<16xi32>, vector<16xi32>], vector<16xf32>,
    %add3A_421 = arith.constant 1 : i32
    %add3A_422 = vector.broadcast %add3A_421 : i32 to vector<16xi32>
    %add3A_423 = arith.addi %mul3A_407, %add3A_422 : vector<16xi32>
    %gather3A_424 = tpu.vector_load_idx %arg11[%add3A_423] : memref<24576xf32, #tpu.memory_space<vmem>>[vector<16xi32>], vector<16xf32>,
    %mul3A_425 = arith.constant 0 : i32
    %mul3A_426 = vector.broadcast %mul3A_425 : i32 to vector<16xi32>
    %mul3A_427 = arith.muli %iota3A, %mul3A_426 : vector<16xi32>
    %add3A_428 = arith.constant 1 : i32
    %add3A_429 = vector.broadcast %add3A_428 : i32 to vector<16xi32>
    %add3A_430 = arith.addi %mul3A_427, %add3A_429 : vector<16xi32>
    tpu.vector_store_idx %arg12[%add3A_410, %add3A_430], %gather3A_424 : memref<512x16xf32, #tpu.memory_space<vmem>>[vector<16xi32>, vector<16xi32>], vector<16xf32>,
    %add3A_431 = arith.constant 2 : i32
    %add3A_432 = vector.broadcast %add3A_431 : i32 to vector<16xi32>
    %add3A_433 = arith.addi %mul3A_407, %add3A_432 : vector<16xi32>
    %gather3A_434 = tpu.vector_load_idx %arg11[%add3A_433] : memref<24576xf32, #tpu.memory_space<vmem>>[vector<16xi32>], vector<16xf32>,
    %mul3A_435 = arith.constant 0 : i32
    %mul3A_436 = vector.broadcast %mul3A_435 : i32 to vector<16xi32>
    %mul3A_437 = arith.muli %iota3A, %mul3A_436 : vector<16xi32>
    %add3A_438 = arith.constant 2 : i32
    %add3A_439 = vector.broadcast %add3A_438 : i32 to vector<16xi32>
    %add3A_440 = arith.addi %mul3A_437, %add3A_439 : vector<16xi32>
    tpu.vector_store_idx %arg12[%add3A_410, %add3A_440], %gather3A_434 : memref<512x16xf32, #tpu.memory_space<vmem>>[vector<16xi32>, vector<16xi32>], vector<16xf32>,
    %get3A_441 = arith.constant 144 : index
    %get3A_442 = tpu.vector_load %arg9[%get3A_441] {strides = array<i32>} : memref<512xi32, #tpu.memory_space<vmem>>, vector<16xi32>,
    %sub3A_443 = vector.broadcast %mul3A_82 : i32 to vector<16xi32>
    %sub3A_444 = arith.subi %get3A_442, %sub3A_443 : vector<16xi32>
    %mul3A_445 = arith.constant 3 : i32
    %mul3A_446 = vector.broadcast %mul3A_445 : i32 to vector<16xi32>
    %mul3A_447 = arith.muli %sub3A_444, %mul3A_446 : vector<16xi32>
    %add3A_448 = arith.constant 144 : i32
    %add3A_449 = vector.broadcast %add3A_448 : i32 to vector<16xi32>
    %add3A_450 = arith.addi %iota3A, %add3A_449 : vector<16xi32>
    %add3A_451 = arith.constant 0 : i32
    %add3A_452 = vector.broadcast %add3A_451 : i32 to vector<16xi32>
    %add3A_453 = arith.addi %mul3A_447, %add3A_452 : vector<16xi32>
    %gather3A_454 = tpu.vector_load_idx %arg11[%add3A_453] : memref<24576xf32, #tpu.memory_space<vmem>>[vector<16xi32>], vector<16xf32>,
    %mul3A_455 = arith.constant 0 : i32
    %mul3A_456 = vector.broadcast %mul3A_455 : i32 to vector<16xi32>
    %mul3A_457 = arith.muli %iota3A, %mul3A_456 : vector<16xi32>
    %add3A_458 = arith.constant 0 : i32
    %add3A_459 = vector.broadcast %add3A_458 : i32 to vector<16xi32>
    %add3A_460 = arith.addi %mul3A_457, %add3A_459 : vector<16xi32>
    tpu.vector_store_idx %arg12[%add3A_450, %add3A_460], %gather3A_454 : memref<512x16xf32, #tpu.memory_space<vmem>>[vector<16xi32>, vector<16xi32>], vector<16xf32>,
    %add3A_461 = arith.constant 1 : i32
    %add3A_462 = vector.broadcast %add3A_461 : i32 to vector<16xi32>
    %add3A_463 = arith.addi %mul3A_447, %add3A_462 : vector<16xi32>
    %gather3A_464 = tpu.vector_load_idx %arg11[%add3A_463] : memref<24576xf32, #tpu.memory_space<vmem>>[vector<16xi32>], vector<16xf32>,
    %mul3A_465 = arith.constant 0 : i32
    %mul3A_466 = vector.broadcast %mul3A_465 : i32 to vector<16xi32>
    %mul3A_467 = arith.muli %iota3A, %mul3A_466 : vector<16xi32>
    %add3A_468 = arith.constant 1 : i32
    %add3A_469 = vector.broadcast %add3A_468 : i32 to vector<16xi32>
    %add3A_470 = arith.addi %mul3A_467, %add3A_469 : vector<16xi32>
    tpu.vector_store_idx %arg12[%add3A_450, %add3A_470], %gather3A_464 : memref<512x16xf32, #tpu.memory_space<vmem>>[vector<16xi32>, vector<16xi32>], vector<16xf32>,
    %add3A_471 = arith.constant 2 : i32
    %add3A_472 = vector.broadcast %add3A_471 : i32 to vector<16xi32>
    %add3A_473 = arith.addi %mul3A_447, %add3A_472 : vector<16xi32>
    %gather3A_474 = tpu.vector_load_idx %arg11[%add3A_473] : memref<24576xf32, #tpu.memory_space<vmem>>[vector<16xi32>], vector<16xf32>,
    %mul3A_475 = arith.constant 0 : i32
    %mul3A_476 = vector.broadcast %mul3A_475 : i32 to vector<16xi32>
    %mul3A_477 = arith.muli %iota3A, %mul3A_476 : vector<16xi32>
    %add3A_478 = arith.constant 2 : i32
    %add3A_479 = vector.broadcast %add3A_478 : i32 to vector<16xi32>
    %add3A_480 = arith.addi %mul3A_477, %add3A_479 : vector<16xi32>
    tpu.vector_store_idx %arg12[%add3A_450, %add3A_480], %gather3A_474 : memref<512x16xf32, #tpu.memory_space<vmem>>[vector<16xi32>, vector<16xi32>], vector<16xf32>,
    %get3A_481 = arith.constant 160 : index
    %get3A_482 = tpu.vector_load %arg9[%get3A_481] {strides = array<i32>} : memref<512xi32, #tpu.memory_space<vmem>>, vector<16xi32>,
    %sub3A_483 = vector.broadcast %mul3A_82 : i32 to vector<16xi32>
    %sub3A_484 = arith.subi %get3A_482, %sub3A_483 : vector<16xi32>
    %mul3A_485 = arith.constant 3 : i32
    %mul3A_486 = vector.broadcast %mul3A_485 : i32 to vector<16xi32>
    %mul3A_487 = arith.muli %sub3A_484, %mul3A_486 : vector<16xi32>
    %add3A_488 = arith.constant 160 : i32
    %add3A_489 = vector.broadcast %add3A_488 : i32 to vector<16xi32>
    %add3A_490 = arith.addi %iota3A, %add3A_489 : vector<16xi32>
    %add3A_491 = arith.constant 0 : i32
    %add3A_492 = vector.broadcast %add3A_491 : i32 to vector<16xi32>
    %add3A_493 = arith.addi %mul3A_487, %add3A_492 : vector<16xi32>
    %gather3A_494 = tpu.vector_load_idx %arg11[%add3A_493] : memref<24576xf32, #tpu.memory_space<vmem>>[vector<16xi32>], vector<16xf32>,
    %mul3A_495 = arith.constant 0 : i32
    %mul3A_496 = vector.broadcast %mul3A_495 : i32 to vector<16xi32>
    %mul3A_497 = arith.muli %iota3A, %mul3A_496 : vector<16xi32>
    %add3A_498 = arith.constant 0 : i32
    %add3A_499 = vector.broadcast %add3A_498 : i32 to vector<16xi32>
    %add3A_500 = arith.addi %mul3A_497, %add3A_499 : vector<16xi32>
    tpu.vector_store_idx %arg12[%add3A_490, %add3A_500], %gather3A_494 : memref<512x16xf32, #tpu.memory_space<vmem>>[vector<16xi32>, vector<16xi32>], vector<16xf32>,
    %add3A_501 = arith.constant 1 : i32
    %add3A_502 = vector.broadcast %add3A_501 : i32 to vector<16xi32>
    %add3A_503 = arith.addi %mul3A_487, %add3A_502 : vector<16xi32>
    %gather3A_504 = tpu.vector_load_idx %arg11[%add3A_503] : memref<24576xf32, #tpu.memory_space<vmem>>[vector<16xi32>], vector<16xf32>,
    %mul3A_505 = arith.constant 0 : i32
    %mul3A_506 = vector.broadcast %mul3A_505 : i32 to vector<16xi32>
    %mul3A_507 = arith.muli %iota3A, %mul3A_506 : vector<16xi32>
    %add3A_508 = arith.constant 1 : i32
    %add3A_509 = vector.broadcast %add3A_508 : i32 to vector<16xi32>
    %add3A_510 = arith.addi %mul3A_507, %add3A_509 : vector<16xi32>
    tpu.vector_store_idx %arg12[%add3A_490, %add3A_510], %gather3A_504 : memref<512x16xf32, #tpu.memory_space<vmem>>[vector<16xi32>, vector<16xi32>], vector<16xf32>,
    %add3A_511 = arith.constant 2 : i32
    %add3A_512 = vector.broadcast %add3A_511 : i32 to vector<16xi32>
    %add3A_513 = arith.addi %mul3A_487, %add3A_512 : vector<16xi32>
    %gather3A_514 = tpu.vector_load_idx %arg11[%add3A_513] : memref<24576xf32, #tpu.memory_space<vmem>>[vector<16xi32>], vector<16xf32>,
    %mul3A_515 = arith.constant 0 : i32
    %mul3A_516 = vector.broadcast %mul3A_515 : i32 to vector<16xi32>
    %mul3A_517 = arith.muli %iota3A, %mul3A_516 : vector<16xi32>
    %add3A_518 = arith.constant 2 : i32
    %add3A_519 = vector.broadcast %add3A_518 : i32 to vector<16xi32>
    %add3A_520 = arith.addi %mul3A_517, %add3A_519 : vector<16xi32>
    tpu.vector_store_idx %arg12[%add3A_490, %add3A_520], %gather3A_514 : memref<512x16xf32, #tpu.memory_space<vmem>>[vector<16xi32>, vector<16xi32>], vector<16xf32>,
    %get3A_521 = arith.constant 176 : index
    %get3A_522 = tpu.vector_load %arg9[%get3A_521] {strides = array<i32>} : memref<512xi32, #tpu.memory_space<vmem>>, vector<16xi32>,
    %sub3A_523 = vector.broadcast %mul3A_82 : i32 to vector<16xi32>
    %sub3A_524 = arith.subi %get3A_522, %sub3A_523 : vector<16xi32>
    %mul3A_525 = arith.constant 3 : i32
    %mul3A_526 = vector.broadcast %mul3A_525 : i32 to vector<16xi32>
    %mul3A_527 = arith.muli %sub3A_524, %mul3A_526 : vector<16xi32>
    %add3A_528 = arith.constant 176 : i32
    %add3A_529 = vector.broadcast %add3A_528 : i32 to vector<16xi32>
    %add3A_530 = arith.addi %iota3A, %add3A_529 : vector<16xi32>
    %add3A_531 = arith.constant 0 : i32
    %add3A_532 = vector.broadcast %add3A_531 : i32 to vector<16xi32>
    %add3A_533 = arith.addi %mul3A_527, %add3A_532 : vector<16xi32>
    %gather3A_534 = tpu.vector_load_idx %arg11[%add3A_533] : memref<24576xf32, #tpu.memory_space<vmem>>[vector<16xi32>], vector<16xf32>,
    %mul3A_535 = arith.constant 0 : i32
    %mul3A_536 = vector.broadcast %mul3A_535 : i32 to vector<16xi32>
    %mul3A_537 = arith.muli %iota3A, %mul3A_536 : vector<16xi32>
    %add3A_538 = arith.constant 0 : i32
    %add3A_539 = vector.broadcast %add3A_538 : i32 to vector<16xi32>
    %add3A_540 = arith.addi %mul3A_537, %add3A_539 : vector<16xi32>
    tpu.vector_store_idx %arg12[%add3A_530, %add3A_540], %gather3A_534 : memref<512x16xf32, #tpu.memory_space<vmem>>[vector<16xi32>, vector<16xi32>], vector<16xf32>,
    %add3A_541 = arith.constant 1 : i32
    %add3A_542 = vector.broadcast %add3A_541 : i32 to vector<16xi32>
    %add3A_543 = arith.addi %mul3A_527, %add3A_542 : vector<16xi32>
    %gather3A_544 = tpu.vector_load_idx %arg11[%add3A_543] : memref<24576xf32, #tpu.memory_space<vmem>>[vector<16xi32>], vector<16xf32>,
    %mul3A_545 = arith.constant 0 : i32
    %mul3A_546 = vector.broadcast %mul3A_545 : i32 to vector<16xi32>
    %mul3A_547 = arith.muli %iota3A, %mul3A_546 : vector<16xi32>
    %add3A_548 = arith.constant 1 : i32
    %add3A_549 = vector.broadcast %add3A_548 : i32 to vector<16xi32>
    %add3A_550 = arith.addi %mul3A_547, %add3A_549 : vector<16xi32>
    tpu.vector_store_idx %arg12[%add3A_530, %add3A_550], %gather3A_544 : memref<512x16xf32, #tpu.memory_space<vmem>>[vector<16xi32>, vector<16xi32>], vector<16xf32>,
    %add3A_551 = arith.constant 2 : i32
    %add3A_552 = vector.broadcast %add3A_551 : i32 to vector<16xi32>
    %add3A_553 = arith.addi %mul3A_527, %add3A_552 : vector<16xi32>
    %gather3A_554 = tpu.vector_load_idx %arg11[%add3A_553] : memref<24576xf32, #tpu.memory_space<vmem>>[vector<16xi32>], vector<16xf32>,
    %mul3A_555 = arith.constant 0 : i32
    %mul3A_556 = vector.broadcast %mul3A_555 : i32 to vector<16xi32>
    %mul3A_557 = arith.muli %iota3A, %mul3A_556 : vector<16xi32>
    %add3A_558 = arith.constant 2 : i32
    %add3A_559 = vector.broadcast %add3A_558 : i32 to vector<16xi32>
    %add3A_560 = arith.addi %mul3A_557, %add3A_559 : vector<16xi32>
    tpu.vector_store_idx %arg12[%add3A_530, %add3A_560], %gather3A_554 : memref<512x16xf32, #tpu.memory_space<vmem>>[vector<16xi32>, vector<16xi32>], vector<16xf32>,
    %get3A_561 = arith.constant 192 : index
    %get3A_562 = tpu.vector_load %arg9[%get3A_561] {strides = array<i32>} : memref<512xi32, #tpu.memory_space<vmem>>, vector<16xi32>,
    %sub3A_563 = vector.broadcast %mul3A_82 : i32 to vector<16xi32>
    %sub3A_564 = arith.subi %get3A_562, %sub3A_563 : vector<16xi32>
    %mul3A_565 = arith.constant 3 : i32
    %mul3A_566 = vector.broadcast %mul3A_565 : i32 to vector<16xi32>
    %mul3A_567 = arith.muli %sub3A_564, %mul3A_566 : vector<16xi32>
    %add3A_568 = arith.constant 192 : i32
    %add3A_569 = vector.broadcast %add3A_568 : i32 to vector<16xi32>
    %add3A_570 = arith.addi %iota3A, %add3A_569 : vector<16xi32>
    %add3A_571 = arith.constant 0 : i32
    %add3A_572 = vector.broadcast %add3A_571 : i32 to vector<16xi32>
    %add3A_573 = arith.addi %mul3A_567, %add3A_572 : vector<16xi32>
    %gather3A_574 = tpu.vector_load_idx %arg11[%add3A_573] : memref<24576xf32, #tpu.memory_space<vmem>>[vector<16xi32>], vector<16xf32>,
    %mul3A_575 = arith.constant 0 : i32
    %mul3A_576 = vector.broadcast %mul3A_575 : i32 to vector<16xi32>
    %mul3A_577 = arith.muli %iota3A, %mul3A_576 : vector<16xi32>
    %add3A_578 = arith.constant 0 : i32
    %add3A_579 = vector.broadcast %add3A_578 : i32 to vector<16xi32>
    %add3A_580 = arith.addi %mul3A_577, %add3A_579 : vector<16xi32>
    tpu.vector_store_idx %arg12[%add3A_570, %add3A_580], %gather3A_574 : memref<512x16xf32, #tpu.memory_space<vmem>>[vector<16xi32>, vector<16xi32>], vector<16xf32>,
    %add3A_581 = arith.constant 1 : i32
    %add3A_582 = vector.broadcast %add3A_581 : i32 to vector<16xi32>
    %add3A_583 = arith.addi %mul3A_567, %add3A_582 : vector<16xi32>
    %gather3A_584 = tpu.vector_load_idx %arg11[%add3A_583] : memref<24576xf32, #tpu.memory_space<vmem>>[vector<16xi32>], vector<16xf32>,
    %mul3A_585 = arith.constant 0 : i32
    %mul3A_586 = vector.broadcast %mul3A_585 : i32 to vector<16xi32>
    %mul3A_587 = arith.muli %iota3A, %mul3A_586 : vector<16xi32>
    %add3A_588 = arith.constant 1 : i32
    %add3A_589 = vector.broadcast %add3A_588 : i32 to vector<16xi32>
    %add3A_590 = arith.addi %mul3A_587, %add3A_589 : vector<16xi32>
    tpu.vector_store_idx %arg12[%add3A_570, %add3A_590], %gather3A_584 : memref<512x16xf32, #tpu.memory_space<vmem>>[vector<16xi32>, vector<16xi32>], vector<16xf32>,
    %add3A_591 = arith.constant 2 : i32
    %add3A_592 = vector.broadcast %add3A_591 : i32 to vector<16xi32>
    %add3A_593 = arith.addi %mul3A_567, %add3A_592 : vector<16xi32>
    %gather3A_594 = tpu.vector_load_idx %arg11[%add3A_593] : memref<24576xf32, #tpu.memory_space<vmem>>[vector<16xi32>], vector<16xf32>,
    %mul3A_595 = arith.constant 0 : i32
    %mul3A_596 = vector.broadcast %mul3A_595 : i32 to vector<16xi32>
    %mul3A_597 = arith.muli %iota3A, %mul3A_596 : vector<16xi32>
    %add3A_598 = arith.constant 2 : i32
    %add3A_599 = vector.broadcast %add3A_598 : i32 to vector<16xi32>
    %add3A_600 = arith.addi %mul3A_597, %add3A_599 : vector<16xi32>
    tpu.vector_store_idx %arg12[%add3A_570, %add3A_600], %gather3A_594 : memref<512x16xf32, #tpu.memory_space<vmem>>[vector<16xi32>, vector<16xi32>], vector<16xf32>,
    %get3A_601 = arith.constant 208 : index
    %get3A_602 = tpu.vector_load %arg9[%get3A_601] {strides = array<i32>} : memref<512xi32, #tpu.memory_space<vmem>>, vector<16xi32>,
    %sub3A_603 = vector.broadcast %mul3A_82 : i32 to vector<16xi32>
    %sub3A_604 = arith.subi %get3A_602, %sub3A_603 : vector<16xi32>
    %mul3A_605 = arith.constant 3 : i32
    %mul3A_606 = vector.broadcast %mul3A_605 : i32 to vector<16xi32>
    %mul3A_607 = arith.muli %sub3A_604, %mul3A_606 : vector<16xi32>
    %add3A_608 = arith.constant 208 : i32
    %add3A_609 = vector.broadcast %add3A_608 : i32 to vector<16xi32>
    %add3A_610 = arith.addi %iota3A, %add3A_609 : vector<16xi32>
    %add3A_611 = arith.constant 0 : i32
    %add3A_612 = vector.broadcast %add3A_611 : i32 to vector<16xi32>
    %add3A_613 = arith.addi %mul3A_607, %add3A_612 : vector<16xi32>
    %gather3A_614 = tpu.vector_load_idx %arg11[%add3A_613] : memref<24576xf32, #tpu.memory_space<vmem>>[vector<16xi32>], vector<16xf32>,
    %mul3A_615 = arith.constant 0 : i32
    %mul3A_616 = vector.broadcast %mul3A_615 : i32 to vector<16xi32>
    %mul3A_617 = arith.muli %iota3A, %mul3A_616 : vector<16xi32>
    %add3A_618 = arith.constant 0 : i32
    %add3A_619 = vector.broadcast %add3A_618 : i32 to vector<16xi32>
    %add3A_620 = arith.addi %mul3A_617, %add3A_619 : vector<16xi32>
    tpu.vector_store_idx %arg12[%add3A_610, %add3A_620], %gather3A_614 : memref<512x16xf32, #tpu.memory_space<vmem>>[vector<16xi32>, vector<16xi32>], vector<16xf32>,
    %add3A_621 = arith.constant 1 : i32
    %add3A_622 = vector.broadcast %add3A_621 : i32 to vector<16xi32>
    %add3A_623 = arith.addi %mul3A_607, %add3A_622 : vector<16xi32>
    %gather3A_624 = tpu.vector_load_idx %arg11[%add3A_623] : memref<24576xf32, #tpu.memory_space<vmem>>[vector<16xi32>], vector<16xf32>,
    %mul3A_625 = arith.constant 0 : i32
    %mul3A_626 = vector.broadcast %mul3A_625 : i32 to vector<16xi32>
    %mul3A_627 = arith.muli %iota3A, %mul3A_626 : vector<16xi32>
    %add3A_628 = arith.constant 1 : i32
    %add3A_629 = vector.broadcast %add3A_628 : i32 to vector<16xi32>
    %add3A_630 = arith.addi %mul3A_627, %add3A_629 : vector<16xi32>
    tpu.vector_store_idx %arg12[%add3A_610, %add3A_630], %gather3A_624 : memref<512x16xf32, #tpu.memory_space<vmem>>[vector<16xi32>, vector<16xi32>], vector<16xf32>,
    %add3A_631 = arith.constant 2 : i32
    %add3A_632 = vector.broadcast %add3A_631 : i32 to vector<16xi32>
    %add3A_633 = arith.addi %mul3A_607, %add3A_632 : vector<16xi32>
    %gather3A_634 = tpu.vector_load_idx %arg11[%add3A_633] : memref<24576xf32, #tpu.memory_space<vmem>>[vector<16xi32>], vector<16xf32>,
    %mul3A_635 = arith.constant 0 : i32
    %mul3A_636 = vector.broadcast %mul3A_635 : i32 to vector<16xi32>
    %mul3A_637 = arith.muli %iota3A, %mul3A_636 : vector<16xi32>
    %add3A_638 = arith.constant 2 : i32
    %add3A_639 = vector.broadcast %add3A_638 : i32 to vector<16xi32>
    %add3A_640 = arith.addi %mul3A_637, %add3A_639 : vector<16xi32>
    tpu.vector_store_idx %arg12[%add3A_610, %add3A_640], %gather3A_634 : memref<512x16xf32, #tpu.memory_space<vmem>>[vector<16xi32>, vector<16xi32>], vector<16xf32>,
    %get3A_641 = arith.constant 224 : index
    %get3A_642 = tpu.vector_load %arg9[%get3A_641] {strides = array<i32>} : memref<512xi32, #tpu.memory_space<vmem>>, vector<16xi32>,
    %sub3A_643 = vector.broadcast %mul3A_82 : i32 to vector<16xi32>
    %sub3A_644 = arith.subi %get3A_642, %sub3A_643 : vector<16xi32>
    %mul3A_645 = arith.constant 3 : i32
    %mul3A_646 = vector.broadcast %mul3A_645 : i32 to vector<16xi32>
    %mul3A_647 = arith.muli %sub3A_644, %mul3A_646 : vector<16xi32>
    %add3A_648 = arith.constant 224 : i32
    %add3A_649 = vector.broadcast %add3A_648 : i32 to vector<16xi32>
    %add3A_650 = arith.addi %iota3A, %add3A_649 : vector<16xi32>
    %add3A_651 = arith.constant 0 : i32
    %add3A_652 = vector.broadcast %add3A_651 : i32 to vector<16xi32>
    %add3A_653 = arith.addi %mul3A_647, %add3A_652 : vector<16xi32>
    %gather3A_654 = tpu.vector_load_idx %arg11[%add3A_653] : memref<24576xf32, #tpu.memory_space<vmem>>[vector<16xi32>], vector<16xf32>,
    %mul3A_655 = arith.constant 0 : i32
    %mul3A_656 = vector.broadcast %mul3A_655 : i32 to vector<16xi32>
    %mul3A_657 = arith.muli %iota3A, %mul3A_656 : vector<16xi32>
    %add3A_658 = arith.constant 0 : i32
    %add3A_659 = vector.broadcast %add3A_658 : i32 to vector<16xi32>
    %add3A_660 = arith.addi %mul3A_657, %add3A_659 : vector<16xi32>
    tpu.vector_store_idx %arg12[%add3A_650, %add3A_660], %gather3A_654 : memref<512x16xf32, #tpu.memory_space<vmem>>[vector<16xi32>, vector<16xi32>], vector<16xf32>,
    %add3A_661 = arith.constant 1 : i32
    %add3A_662 = vector.broadcast %add3A_661 : i32 to vector<16xi32>
    %add3A_663 = arith.addi %mul3A_647, %add3A_662 : vector<16xi32>
    %gather3A_664 = tpu.vector_load_idx %arg11[%add3A_663] : memref<24576xf32, #tpu.memory_space<vmem>>[vector<16xi32>], vector<16xf32>,
    %mul3A_665 = arith.constant 0 : i32
    %mul3A_666 = vector.broadcast %mul3A_665 : i32 to vector<16xi32>
    %mul3A_667 = arith.muli %iota3A, %mul3A_666 : vector<16xi32>
    %add3A_668 = arith.constant 1 : i32
    %add3A_669 = vector.broadcast %add3A_668 : i32 to vector<16xi32>
    %add3A_670 = arith.addi %mul3A_667, %add3A_669 : vector<16xi32>
    tpu.vector_store_idx %arg12[%add3A_650, %add3A_670], %gather3A_664 : memref<512x16xf32, #tpu.memory_space<vmem>>[vector<16xi32>, vector<16xi32>], vector<16xf32>,
    %add3A_671 = arith.constant 2 : i32
    %add3A_672 = vector.broadcast %add3A_671 : i32 to vector<16xi32>
    %add3A_673 = arith.addi %mul3A_647, %add3A_672 : vector<16xi32>
    %gather3A_674 = tpu.vector_load_idx %arg11[%add3A_673] : memref<24576xf32, #tpu.memory_space<vmem>>[vector<16xi32>], vector<16xf32>,
    %mul3A_675 = arith.constant 0 : i32
    %mul3A_676 = vector.broadcast %mul3A_675 : i32 to vector<16xi32>
    %mul3A_677 = arith.muli %iota3A, %mul3A_676 : vector<16xi32>
    %add3A_678 = arith.constant 2 : i32
    %add3A_679 = vector.broadcast %add3A_678 : i32 to vector<16xi32>
    %add3A_680 = arith.addi %mul3A_677, %add3A_679 : vector<16xi32>
    tpu.vector_store_idx %arg12[%add3A_650, %add3A_680], %gather3A_674 : memref<512x16xf32, #tpu.memory_space<vmem>>[vector<16xi32>, vector<16xi32>], vector<16xf32>,
    %get3A_681 = arith.constant 240 : index
    %get3A_682 = tpu.vector_load %arg9[%get3A_681] {strides = array<i32>} : memref<512xi32, #tpu.memory_space<vmem>>, vector<16xi32>,
    %sub3A_683 = vector.broadcast %mul3A_82 : i32 to vector<16xi32>
    %sub3A_684 = arith.subi %get3A_682, %sub3A_683 : vector<16xi32>
    %mul3A_685 = arith.constant 3 : i32
    %mul3A_686 = vector.broadcast %mul3A_685 : i32 to vector<16xi32>
    %mul3A_687 = arith.muli %sub3A_684, %mul3A_686 : vector<16xi32>
    %add3A_688 = arith.constant 240 : i32
    %add3A_689 = vector.broadcast %add3A_688 : i32 to vector<16xi32>
    %add3A_690 = arith.addi %iota3A, %add3A_689 : vector<16xi32>
    %add3A_691 = arith.constant 0 : i32
    %add3A_692 = vector.broadcast %add3A_691 : i32 to vector<16xi32>
    %add3A_693 = arith.addi %mul3A_687, %add3A_692 : vector<16xi32>
    %gather3A_694 = tpu.vector_load_idx %arg11[%add3A_693] : memref<24576xf32, #tpu.memory_space<vmem>>[vector<16xi32>], vector<16xf32>,
    %mul3A_695 = arith.constant 0 : i32
    %mul3A_696 = vector.broadcast %mul3A_695 : i32 to vector<16xi32>
    %mul3A_697 = arith.muli %iota3A, %mul3A_696 : vector<16xi32>
    %add3A_698 = arith.constant 0 : i32
    %add3A_699 = vector.broadcast %add3A_698 : i32 to vector<16xi32>
    %add3A_700 = arith.addi %mul3A_697, %add3A_699 : vector<16xi32>
    tpu.vector_store_idx %arg12[%add3A_690, %add3A_700], %gather3A_694 : memref<512x16xf32, #tpu.memory_space<vmem>>[vector<16xi32>, vector<16xi32>], vector<16xf32>,
    %add3A_701 = arith.constant 1 : i32
    %add3A_702 = vector.broadcast %add3A_701 : i32 to vector<16xi32>
    %add3A_703 = arith.addi %mul3A_687, %add3A_702 : vector<16xi32>
    %gather3A_704 = tpu.vector_load_idx %arg11[%add3A_703] : memref<24576xf32, #tpu.memory_space<vmem>>[vector<16xi32>], vector<16xf32>,
    %mul3A_705 = arith.constant 0 : i32
    %mul3A_706 = vector.broadcast %mul3A_705 : i32 to vector<16xi32>
    %mul3A_707 = arith.muli %iota3A, %mul3A_706 : vector<16xi32>
    %add3A_708 = arith.constant 1 : i32
    %add3A_709 = vector.broadcast %add3A_708 : i32 to vector<16xi32>
    %add3A_710 = arith.addi %mul3A_707, %add3A_709 : vector<16xi32>
    tpu.vector_store_idx %arg12[%add3A_690, %add3A_710], %gather3A_704 : memref<512x16xf32, #tpu.memory_space<vmem>>[vector<16xi32>, vector<16xi32>], vector<16xf32>,
    %add3A_711 = arith.constant 2 : i32
    %add3A_712 = vector.broadcast %add3A_711 : i32 to vector<16xi32>
    %add3A_713 = arith.addi %mul3A_687, %add3A_712 : vector<16xi32>
    %gather3A_714 = tpu.vector_load_idx %arg11[%add3A_713] : memref<24576xf32, #tpu.memory_space<vmem>>[vector<16xi32>], vector<16xf32>,
    %mul3A_715 = arith.constant 0 : i32
    %mul3A_716 = vector.broadcast %mul3A_715 : i32 to vector<16xi32>
    %mul3A_717 = arith.muli %iota3A, %mul3A_716 : vector<16xi32>
    %add3A_718 = arith.constant 2 : i32
    %add3A_719 = vector.broadcast %add3A_718 : i32 to vector<16xi32>
    %add3A_720 = arith.addi %mul3A_717, %add3A_719 : vector<16xi32>
    tpu.vector_store_idx %arg12[%add3A_690, %add3A_720], %gather3A_714 : memref<512x16xf32, #tpu.memory_space<vmem>>[vector<16xi32>, vector<16xi32>], vector<16xf32>,
    %get3A_721 = arith.constant 256 : index
    %get3A_722 = tpu.vector_load %arg9[%get3A_721] {strides = array<i32>} : memref<512xi32, #tpu.memory_space<vmem>>, vector<16xi32>,
    %sub3A_723 = vector.broadcast %mul3A_82 : i32 to vector<16xi32>
    %sub3A_724 = arith.subi %get3A_722, %sub3A_723 : vector<16xi32>
    %mul3A_725 = arith.constant 3 : i32
    %mul3A_726 = vector.broadcast %mul3A_725 : i32 to vector<16xi32>
    %mul3A_727 = arith.muli %sub3A_724, %mul3A_726 : vector<16xi32>
    %add3A_728 = arith.constant 256 : i32
    %add3A_729 = vector.broadcast %add3A_728 : i32 to vector<16xi32>
    %add3A_730 = arith.addi %iota3A, %add3A_729 : vector<16xi32>
    %add3A_731 = arith.constant 0 : i32
    %add3A_732 = vector.broadcast %add3A_731 : i32 to vector<16xi32>
    %add3A_733 = arith.addi %mul3A_727, %add3A_732 : vector<16xi32>
    %gather3A_734 = tpu.vector_load_idx %arg11[%add3A_733] : memref<24576xf32, #tpu.memory_space<vmem>>[vector<16xi32>], vector<16xf32>,
    %mul3A_735 = arith.constant 0 : i32
    %mul3A_736 = vector.broadcast %mul3A_735 : i32 to vector<16xi32>
    %mul3A_737 = arith.muli %iota3A, %mul3A_736 : vector<16xi32>
    %add3A_738 = arith.constant 0 : i32
    %add3A_739 = vector.broadcast %add3A_738 : i32 to vector<16xi32>
    %add3A_740 = arith.addi %mul3A_737, %add3A_739 : vector<16xi32>
    tpu.vector_store_idx %arg12[%add3A_730, %add3A_740], %gather3A_734 : memref<512x16xf32, #tpu.memory_space<vmem>>[vector<16xi32>, vector<16xi32>], vector<16xf32>,
    %add3A_741 = arith.constant 1 : i32
    %add3A_742 = vector.broadcast %add3A_741 : i32 to vector<16xi32>
    %add3A_743 = arith.addi %mul3A_727, %add3A_742 : vector<16xi32>
    %gather3A_744 = tpu.vector_load_idx %arg11[%add3A_743] : memref<24576xf32, #tpu.memory_space<vmem>>[vector<16xi32>], vector<16xf32>,
    %mul3A_745 = arith.constant 0 : i32
    %mul3A_746 = vector.broadcast %mul3A_745 : i32 to vector<16xi32>
    %mul3A_747 = arith.muli %iota3A, %mul3A_746 : vector<16xi32>
    %add3A_748 = arith.constant 1 : i32
    %add3A_749 = vector.broadcast %add3A_748 : i32 to vector<16xi32>
    %add3A_750 = arith.addi %mul3A_747, %add3A_749 : vector<16xi32>
    tpu.vector_store_idx %arg12[%add3A_730, %add3A_750], %gather3A_744 : memref<512x16xf32, #tpu.memory_space<vmem>>[vector<16xi32>, vector<16xi32>], vector<16xf32>,
    %add3A_751 = arith.constant 2 : i32
    %add3A_752 = vector.broadcast %add3A_751 : i32 to vector<16xi32>
    %add3A_753 = arith.addi %mul3A_727, %add3A_752 : vector<16xi32>
    %gather3A_754 = tpu.vector_load_idx %arg11[%add3A_753] : memref<24576xf32, #tpu.memory_space<vmem>>[vector<16xi32>], vector<16xf32>,
    %mul3A_755 = arith.constant 0 : i32
    %mul3A_756 = vector.broadcast %mul3A_755 : i32 to vector<16xi32>
    %mul3A_757 = arith.muli %iota3A, %mul3A_756 : vector<16xi32>
    %add3A_758 = arith.constant 2 : i32
    %add3A_759 = vector.broadcast %add3A_758 : i32 to vector<16xi32>
    %add3A_760 = arith.addi %mul3A_757, %add3A_759 : vector<16xi32>
    tpu.vector_store_idx %arg12[%add3A_730, %add3A_760], %gather3A_754 : memref<512x16xf32, #tpu.memory_space<vmem>>[vector<16xi32>, vector<16xi32>], vector<16xf32>,
    %get3A_761 = arith.constant 272 : index
    %get3A_762 = tpu.vector_load %arg9[%get3A_761] {strides = array<i32>} : memref<512xi32, #tpu.memory_space<vmem>>, vector<16xi32>,
    %sub3A_763 = vector.broadcast %mul3A_82 : i32 to vector<16xi32>
    %sub3A_764 = arith.subi %get3A_762, %sub3A_763 : vector<16xi32>
    %mul3A_765 = arith.constant 3 : i32
    %mul3A_766 = vector.broadcast %mul3A_765 : i32 to vector<16xi32>
    %mul3A_767 = arith.muli %sub3A_764, %mul3A_766 : vector<16xi32>
    %add3A_768 = arith.constant 272 : i32
    %add3A_769 = vector.broadcast %add3A_768 : i32 to vector<16xi32>
    %add3A_770 = arith.addi %iota3A, %add3A_769 : vector<16xi32>
    %add3A_771 = arith.constant 0 : i32
    %add3A_772 = vector.broadcast %add3A_771 : i32 to vector<16xi32>
    %add3A_773 = arith.addi %mul3A_767, %add3A_772 : vector<16xi32>
    %gather3A_774 = tpu.vector_load_idx %arg11[%add3A_773] : memref<24576xf32, #tpu.memory_space<vmem>>[vector<16xi32>], vector<16xf32>,
    %mul3A_775 = arith.constant 0 : i32
    %mul3A_776 = vector.broadcast %mul3A_775 : i32 to vector<16xi32>
    %mul3A_777 = arith.muli %iota3A, %mul3A_776 : vector<16xi32>
    %add3A_778 = arith.constant 0 : i32
    %add3A_779 = vector.broadcast %add3A_778 : i32 to vector<16xi32>
    %add3A_780 = arith.addi %mul3A_777, %add3A_779 : vector<16xi32>
    tpu.vector_store_idx %arg12[%add3A_770, %add3A_780], %gather3A_774 : memref<512x16xf32, #tpu.memory_space<vmem>>[vector<16xi32>, vector<16xi32>], vector<16xf32>,
    %add3A_781 = arith.constant 1 : i32
    %add3A_782 = vector.broadcast %add3A_781 : i32 to vector<16xi32>
    %add3A_783 = arith.addi %mul3A_767, %add3A_782 : vector<16xi32>
    %gather3A_784 = tpu.vector_load_idx %arg11[%add3A_783] : memref<24576xf32, #tpu.memory_space<vmem>>[vector<16xi32>], vector<16xf32>,
    %mul3A_785 = arith.constant 0 : i32
    %mul3A_786 = vector.broadcast %mul3A_785 : i32 to vector<16xi32>
    %mul3A_787 = arith.muli %iota3A, %mul3A_786 : vector<16xi32>
    %add3A_788 = arith.constant 1 : i32
    %add3A_789 = vector.broadcast %add3A_788 : i32 to vector<16xi32>
    %add3A_790 = arith.addi %mul3A_787, %add3A_789 : vector<16xi32>
    tpu.vector_store_idx %arg12[%add3A_770, %add3A_790], %gather3A_784 : memref<512x16xf32, #tpu.memory_space<vmem>>[vector<16xi32>, vector<16xi32>], vector<16xf32>,
    %add3A_791 = arith.constant 2 : i32
    %add3A_792 = vector.broadcast %add3A_791 : i32 to vector<16xi32>
    %add3A_793 = arith.addi %mul3A_767, %add3A_792 : vector<16xi32>
    %gather3A_794 = tpu.vector_load_idx %arg11[%add3A_793] : memref<24576xf32, #tpu.memory_space<vmem>>[vector<16xi32>], vector<16xf32>,
    %mul3A_795 = arith.constant 0 : i32
    %mul3A_796 = vector.broadcast %mul3A_795 : i32 to vector<16xi32>
    %mul3A_797 = arith.muli %iota3A, %mul3A_796 : vector<16xi32>
    %add3A_798 = arith.constant 2 : i32
    %add3A_799 = vector.broadcast %add3A_798 : i32 to vector<16xi32>
    %add3A_800 = arith.addi %mul3A_797, %add3A_799 : vector<16xi32>
    tpu.vector_store_idx %arg12[%add3A_770, %add3A_800], %gather3A_794 : memref<512x16xf32, #tpu.memory_space<vmem>>[vector<16xi32>, vector<16xi32>], vector<16xf32>,
    %get3A_801 = arith.constant 288 : index
    %get3A_802 = tpu.vector_load %arg9[%get3A_801] {strides = array<i32>} : memref<512xi32, #tpu.memory_space<vmem>>, vector<16xi32>,
    %sub3A_803 = vector.broadcast %mul3A_82 : i32 to vector<16xi32>
    %sub3A_804 = arith.subi %get3A_802, %sub3A_803 : vector<16xi32>
    %mul3A_805 = arith.constant 3 : i32
    %mul3A_806 = vector.broadcast %mul3A_805 : i32 to vector<16xi32>
    %mul3A_807 = arith.muli %sub3A_804, %mul3A_806 : vector<16xi32>
    %add3A_808 = arith.constant 288 : i32
    %add3A_809 = vector.broadcast %add3A_808 : i32 to vector<16xi32>
    %add3A_810 = arith.addi %iota3A, %add3A_809 : vector<16xi32>
    %add3A_811 = arith.constant 0 : i32
    %add3A_812 = vector.broadcast %add3A_811 : i32 to vector<16xi32>
    %add3A_813 = arith.addi %mul3A_807, %add3A_812 : vector<16xi32>
    %gather3A_814 = tpu.vector_load_idx %arg11[%add3A_813] : memref<24576xf32, #tpu.memory_space<vmem>>[vector<16xi32>], vector<16xf32>,
    %mul3A_815 = arith.constant 0 : i32
    %mul3A_816 = vector.broadcast %mul3A_815 : i32 to vector<16xi32>
    %mul3A_817 = arith.muli %iota3A, %mul3A_816 : vector<16xi32>
    %add3A_818 = arith.constant 0 : i32
    %add3A_819 = vector.broadcast %add3A_818 : i32 to vector<16xi32>
    %add3A_820 = arith.addi %mul3A_817, %add3A_819 : vector<16xi32>
    tpu.vector_store_idx %arg12[%add3A_810, %add3A_820], %gather3A_814 : memref<512x16xf32, #tpu.memory_space<vmem>>[vector<16xi32>, vector<16xi32>], vector<16xf32>,
    %add3A_821 = arith.constant 1 : i32
    %add3A_822 = vector.broadcast %add3A_821 : i32 to vector<16xi32>
    %add3A_823 = arith.addi %mul3A_807, %add3A_822 : vector<16xi32>
    %gather3A_824 = tpu.vector_load_idx %arg11[%add3A_823] : memref<24576xf32, #tpu.memory_space<vmem>>[vector<16xi32>], vector<16xf32>,
    %mul3A_825 = arith.constant 0 : i32
    %mul3A_826 = vector.broadcast %mul3A_825 : i32 to vector<16xi32>
    %mul3A_827 = arith.muli %iota3A, %mul3A_826 : vector<16xi32>
    %add3A_828 = arith.constant 1 : i32
    %add3A_829 = vector.broadcast %add3A_828 : i32 to vector<16xi32>
    %add3A_830 = arith.addi %mul3A_827, %add3A_829 : vector<16xi32>
    tpu.vector_store_idx %arg12[%add3A_810, %add3A_830], %gather3A_824 : memref<512x16xf32, #tpu.memory_space<vmem>>[vector<16xi32>, vector<16xi32>], vector<16xf32>,
    %add3A_831 = arith.constant 2 : i32
    %add3A_832 = vector.broadcast %add3A_831 : i32 to vector<16xi32>
    %add3A_833 = arith.addi %mul3A_807, %add3A_832 : vector<16xi32>
    %gather3A_834 = tpu.vector_load_idx %arg11[%add3A_833] : memref<24576xf32, #tpu.memory_space<vmem>>[vector<16xi32>], vector<16xf32>,
    %mul3A_835 = arith.constant 0 : i32
    %mul3A_836 = vector.broadcast %mul3A_835 : i32 to vector<16xi32>
    %mul3A_837 = arith.muli %iota3A, %mul3A_836 : vector<16xi32>
    %add3A_838 = arith.constant 2 : i32
    %add3A_839 = vector.broadcast %add3A_838 : i32 to vector<16xi32>
    %add3A_840 = arith.addi %mul3A_837, %add3A_839 : vector<16xi32>
    tpu.vector_store_idx %arg12[%add3A_810, %add3A_840], %gather3A_834 : memref<512x16xf32, #tpu.memory_space<vmem>>[vector<16xi32>, vector<16xi32>], vector<16xf32>,
    %get3A_841 = arith.constant 304 : index
    %get3A_842 = tpu.vector_load %arg9[%get3A_841] {strides = array<i32>} : memref<512xi32, #tpu.memory_space<vmem>>, vector<16xi32>,
    %sub3A_843 = vector.broadcast %mul3A_82 : i32 to vector<16xi32>
    %sub3A_844 = arith.subi %get3A_842, %sub3A_843 : vector<16xi32>
    %mul3A_845 = arith.constant 3 : i32
    %mul3A_846 = vector.broadcast %mul3A_845 : i32 to vector<16xi32>
    %mul3A_847 = arith.muli %sub3A_844, %mul3A_846 : vector<16xi32>
    %add3A_848 = arith.constant 304 : i32
    %add3A_849 = vector.broadcast %add3A_848 : i32 to vector<16xi32>
    %add3A_850 = arith.addi %iota3A, %add3A_849 : vector<16xi32>
    %add3A_851 = arith.constant 0 : i32
    %add3A_852 = vector.broadcast %add3A_851 : i32 to vector<16xi32>
    %add3A_853 = arith.addi %mul3A_847, %add3A_852 : vector<16xi32>
    %gather3A_854 = tpu.vector_load_idx %arg11[%add3A_853] : memref<24576xf32, #tpu.memory_space<vmem>>[vector<16xi32>], vector<16xf32>,
    %mul3A_855 = arith.constant 0 : i32
    %mul3A_856 = vector.broadcast %mul3A_855 : i32 to vector<16xi32>
    %mul3A_857 = arith.muli %iota3A, %mul3A_856 : vector<16xi32>
    %add3A_858 = arith.constant 0 : i32
    %add3A_859 = vector.broadcast %add3A_858 : i32 to vector<16xi32>
    %add3A_860 = arith.addi %mul3A_857, %add3A_859 : vector<16xi32>
    tpu.vector_store_idx %arg12[%add3A_850, %add3A_860], %gather3A_854 : memref<512x16xf32, #tpu.memory_space<vmem>>[vector<16xi32>, vector<16xi32>], vector<16xf32>,
    %add3A_861 = arith.constant 1 : i32
    %add3A_862 = vector.broadcast %add3A_861 : i32 to vector<16xi32>
    %add3A_863 = arith.addi %mul3A_847, %add3A_862 : vector<16xi32>
    %gather3A_864 = tpu.vector_load_idx %arg11[%add3A_863] : memref<24576xf32, #tpu.memory_space<vmem>>[vector<16xi32>], vector<16xf32>,
    %mul3A_865 = arith.constant 0 : i32
    %mul3A_866 = vector.broadcast %mul3A_865 : i32 to vector<16xi32>
    %mul3A_867 = arith.muli %iota3A, %mul3A_866 : vector<16xi32>
    %add3A_868 = arith.constant 1 : i32
    %add3A_869 = vector.broadcast %add3A_868 : i32 to vector<16xi32>
    %add3A_870 = arith.addi %mul3A_867, %add3A_869 : vector<16xi32>
    tpu.vector_store_idx %arg12[%add3A_850, %add3A_870], %gather3A_864 : memref<512x16xf32, #tpu.memory_space<vmem>>[vector<16xi32>, vector<16xi32>], vector<16xf32>,
    %add3A_871 = arith.constant 2 : i32
    %add3A_872 = vector.broadcast %add3A_871 : i32 to vector<16xi32>
    %add3A_873 = arith.addi %mul3A_847, %add3A_872 : vector<16xi32>
    %gather3A_874 = tpu.vector_load_idx %arg11[%add3A_873] : memref<24576xf32, #tpu.memory_space<vmem>>[vector<16xi32>], vector<16xf32>,
    %mul3A_875 = arith.constant 0 : i32
    %mul3A_876 = vector.broadcast %mul3A_875 : i32 to vector<16xi32>
    %mul3A_877 = arith.muli %iota3A, %mul3A_876 : vector<16xi32>
    %add3A_878 = arith.constant 2 : i32
    %add3A_879 = vector.broadcast %add3A_878 : i32 to vector<16xi32>
    %add3A_880 = arith.addi %mul3A_877, %add3A_879 : vector<16xi32>
    tpu.vector_store_idx %arg12[%add3A_850, %add3A_880], %gather3A_874 : memref<512x16xf32, #tpu.memory_space<vmem>>[vector<16xi32>, vector<16xi32>], vector<16xf32>,
    %get3A_881 = arith.constant 320 : index
    %get3A_882 = tpu.vector_load %arg9[%get3A_881] {strides = array<i32>} : memref<512xi32, #tpu.memory_space<vmem>>, vector<16xi32>,
    %sub3A_883 = vector.broadcast %mul3A_82 : i32 to vector<16xi32>
    %sub3A_884 = arith.subi %get3A_882, %sub3A_883 : vector<16xi32>
    %mul3A_885 = arith.constant 3 : i32
    %mul3A_886 = vector.broadcast %mul3A_885 : i32 to vector<16xi32>
    %mul3A_887 = arith.muli %sub3A_884, %mul3A_886 : vector<16xi32>
    %add3A_888 = arith.constant 320 : i32
    %add3A_889 = vector.broadcast %add3A_888 : i32 to vector<16xi32>
    %add3A_890 = arith.addi %iota3A, %add3A_889 : vector<16xi32>
    %add3A_891 = arith.constant 0 : i32
    %add3A_892 = vector.broadcast %add3A_891 : i32 to vector<16xi32>
    %add3A_893 = arith.addi %mul3A_887, %add3A_892 : vector<16xi32>
    %gather3A_894 = tpu.vector_load_idx %arg11[%add3A_893] : memref<24576xf32, #tpu.memory_space<vmem>>[vector<16xi32>], vector<16xf32>,
    %mul3A_895 = arith.constant 0 : i32
    %mul3A_896 = vector.broadcast %mul3A_895 : i32 to vector<16xi32>
    %mul3A_897 = arith.muli %iota3A, %mul3A_896 : vector<16xi32>
    %add3A_898 = arith.constant 0 : i32
    %add3A_899 = vector.broadcast %add3A_898 : i32 to vector<16xi32>
    %add3A_900 = arith.addi %mul3A_897, %add3A_899 : vector<16xi32>
    tpu.vector_store_idx %arg12[%add3A_890, %add3A_900], %gather3A_894 : memref<512x16xf32, #tpu.memory_space<vmem>>[vector<16xi32>, vector<16xi32>], vector<16xf32>,
    %add3A_901 = arith.constant 1 : i32
    %add3A_902 = vector.broadcast %add3A_901 : i32 to vector<16xi32>
    %add3A_903 = arith.addi %mul3A_887, %add3A_902 : vector<16xi32>
    %gather3A_904 = tpu.vector_load_idx %arg11[%add3A_903] : memref<24576xf32, #tpu.memory_space<vmem>>[vector<16xi32>], vector<16xf32>,
    %mul3A_905 = arith.constant 0 : i32
    %mul3A_906 = vector.broadcast %mul3A_905 : i32 to vector<16xi32>
    %mul3A_907 = arith.muli %iota3A, %mul3A_906 : vector<16xi32>
    %add3A_908 = arith.constant 1 : i32
    %add3A_909 = vector.broadcast %add3A_908 : i32 to vector<16xi32>
    %add3A_910 = arith.addi %mul3A_907, %add3A_909 : vector<16xi32>
    tpu.vector_store_idx %arg12[%add3A_890, %add3A_910], %gather3A_904 : memref<512x16xf32, #tpu.memory_space<vmem>>[vector<16xi32>, vector<16xi32>], vector<16xf32>,
    %add3A_911 = arith.constant 2 : i32
    %add3A_912 = vector.broadcast %add3A_911 : i32 to vector<16xi32>
    %add3A_913 = arith.addi %mul3A_887, %add3A_912 : vector<16xi32>
    %gather3A_914 = tpu.vector_load_idx %arg11[%add3A_913] : memref<24576xf32, #tpu.memory_space<vmem>>[vector<16xi32>], vector<16xf32>,
    %mul3A_915 = arith.constant 0 : i32
    %mul3A_916 = vector.broadcast %mul3A_915 : i32 to vector<16xi32>
    %mul3A_917 = arith.muli %iota3A, %mul3A_916 : vector<16xi32>
    %add3A_918 = arith.constant 2 : i32
    %add3A_919 = vector.broadcast %add3A_918 : i32 to vector<16xi32>
    %add3A_920 = arith.addi %mul3A_917, %add3A_919 : vector<16xi32>
    tpu.vector_store_idx %arg12[%add3A_890, %add3A_920], %gather3A_914 : memref<512x16xf32, #tpu.memory_space<vmem>>[vector<16xi32>, vector<16xi32>], vector<16xf32>,
    %get3A_921 = arith.constant 336 : index
    %get3A_922 = tpu.vector_load %arg9[%get3A_921] {strides = array<i32>} : memref<512xi32, #tpu.memory_space<vmem>>, vector<16xi32>,
    %sub3A_923 = vector.broadcast %mul3A_82 : i32 to vector<16xi32>
    %sub3A_924 = arith.subi %get3A_922, %sub3A_923 : vector<16xi32>
    %mul3A_925 = arith.constant 3 : i32
    %mul3A_926 = vector.broadcast %mul3A_925 : i32 to vector<16xi32>
    %mul3A_927 = arith.muli %sub3A_924, %mul3A_926 : vector<16xi32>
    %add3A_928 = arith.constant 336 : i32
    %add3A_929 = vector.broadcast %add3A_928 : i32 to vector<16xi32>
    %add3A_930 = arith.addi %iota3A, %add3A_929 : vector<16xi32>
    %add3A_931 = arith.constant 0 : i32
    %add3A_932 = vector.broadcast %add3A_931 : i32 to vector<16xi32>
    %add3A_933 = arith.addi %mul3A_927, %add3A_932 : vector<16xi32>
    %gather3A_934 = tpu.vector_load_idx %arg11[%add3A_933] : memref<24576xf32, #tpu.memory_space<vmem>>[vector<16xi32>], vector<16xf32>,
    %mul3A_935 = arith.constant 0 : i32
    %mul3A_936 = vector.broadcast %mul3A_935 : i32 to vector<16xi32>
    %mul3A_937 = arith.muli %iota3A, %mul3A_936 : vector<16xi32>
    %add3A_938 = arith.constant 0 : i32
    %add3A_939 = vector.broadcast %add3A_938 : i32 to vector<16xi32>
    %add3A_940 = arith.addi %mul3A_937, %add3A_939 : vector<16xi32>
    tpu.vector_store_idx %arg12[%add3A_930, %add3A_940], %gather3A_934 : memref<512x16xf32, #tpu.memory_space<vmem>>[vector<16xi32>, vector<16xi32>], vector<16xf32>,
    %add3A_941 = arith.constant 1 : i32
    %add3A_942 = vector.broadcast %add3A_941 : i32 to vector<16xi32>
    %add3A_943 = arith.addi %mul3A_927, %add3A_942 : vector<16xi32>
    %gather3A_944 = tpu.vector_load_idx %arg11[%add3A_943] : memref<24576xf32, #tpu.memory_space<vmem>>[vector<16xi32>], vector<16xf32>,
    %mul3A_945 = arith.constant 0 : i32
    %mul3A_946 = vector.broadcast %mul3A_945 : i32 to vector<16xi32>
    %mul3A_947 = arith.muli %iota3A, %mul3A_946 : vector<16xi32>
    %add3A_948 = arith.constant 1 : i32
    %add3A_949 = vector.broadcast %add3A_948 : i32 to vector<16xi32>
    %add3A_950 = arith.addi %mul3A_947, %add3A_949 : vector<16xi32>
    tpu.vector_store_idx %arg12[%add3A_930, %add3A_950], %gather3A_944 : memref<512x16xf32, #tpu.memory_space<vmem>>[vector<16xi32>, vector<16xi32>], vector<16xf32>,
    %add3A_951 = arith.constant 2 : i32
    %add3A_952 = vector.broadcast %add3A_951 : i32 to vector<16xi32>
    %add3A_953 = arith.addi %mul3A_927, %add3A_952 : vector<16xi32>
    %gather3A_954 = tpu.vector_load_idx %arg11[%add3A_953] : memref<24576xf32, #tpu.memory_space<vmem>>[vector<16xi32>], vector<16xf32>,
    %mul3A_955 = arith.constant 0 : i32
    %mul3A_956 = vector.broadcast %mul3A_955 : i32 to vector<16xi32>
    %mul3A_957 = arith.muli %iota3A, %mul3A_956 : vector<16xi32>
    %add3A_958 = arith.constant 2 : i32
    %add3A_959 = vector.broadcast %add3A_958 : i32 to vector<16xi32>
    %add3A_960 = arith.addi %mul3A_957, %add3A_959 : vector<16xi32>
    tpu.vector_store_idx %arg12[%add3A_930, %add3A_960], %gather3A_954 : memref<512x16xf32, #tpu.memory_space<vmem>>[vector<16xi32>, vector<16xi32>], vector<16xf32>,
    %get3A_961 = arith.constant 352 : index
    %get3A_962 = tpu.vector_load %arg9[%get3A_961] {strides = array<i32>} : memref<512xi32, #tpu.memory_space<vmem>>, vector<16xi32>,
    %sub3A_963 = vector.broadcast %mul3A_82 : i32 to vector<16xi32>
    %sub3A_964 = arith.subi %get3A_962, %sub3A_963 : vector<16xi32>
    %mul3A_965 = arith.constant 3 : i32
    %mul3A_966 = vector.broadcast %mul3A_965 : i32 to vector<16xi32>
    %mul3A_967 = arith.muli %sub3A_964, %mul3A_966 : vector<16xi32>
    %add3A_968 = arith.constant 352 : i32
    %add3A_969 = vector.broadcast %add3A_968 : i32 to vector<16xi32>
    %add3A_970 = arith.addi %iota3A, %add3A_969 : vector<16xi32>
    %add3A_971 = arith.constant 0 : i32
    %add3A_972 = vector.broadcast %add3A_971 : i32 to vector<16xi32>
    %add3A_973 = arith.addi %mul3A_967, %add3A_972 : vector<16xi32>
    %gather3A_974 = tpu.vector_load_idx %arg11[%add3A_973] : memref<24576xf32, #tpu.memory_space<vmem>>[vector<16xi32>], vector<16xf32>,
    %mul3A_975 = arith.constant 0 : i32
    %mul3A_976 = vector.broadcast %mul3A_975 : i32 to vector<16xi32>
    %mul3A_977 = arith.muli %iota3A, %mul3A_976 : vector<16xi32>
    %add3A_978 = arith.constant 0 : i32
    %add3A_979 = vector.broadcast %add3A_978 : i32 to vector<16xi32>
    %add3A_980 = arith.addi %mul3A_977, %add3A_979 : vector<16xi32>
    tpu.vector_store_idx %arg12[%add3A_970, %add3A_980], %gather3A_974 : memref<512x16xf32, #tpu.memory_space<vmem>>[vector<16xi32>, vector<16xi32>], vector<16xf32>,
    %add3A_981 = arith.constant 1 : i32
    %add3A_982 = vector.broadcast %add3A_981 : i32 to vector<16xi32>
    %add3A_983 = arith.addi %mul3A_967, %add3A_982 : vector<16xi32>
    %gather3A_984 = tpu.vector_load_idx %arg11[%add3A_983] : memref<24576xf32, #tpu.memory_space<vmem>>[vector<16xi32>], vector<16xf32>,
    %mul3A_985 = arith.constant 0 : i32
    %mul3A_986 = vector.broadcast %mul3A_985 : i32 to vector<16xi32>
    %mul3A_987 = arith.muli %iota3A, %mul3A_986 : vector<16xi32>
    %add3A_988 = arith.constant 1 : i32
    %add3A_989 = vector.broadcast %add3A_988 : i32 to vector<16xi32>
    %add3A_990 = arith.addi %mul3A_987, %add3A_989 : vector<16xi32>
    tpu.vector_store_idx %arg12[%add3A_970, %add3A_990], %gather3A_984 : memref<512x16xf32, #tpu.memory_space<vmem>>[vector<16xi32>, vector<16xi32>], vector<16xf32>,
    %add3A_991 = arith.constant 2 : i32
    %add3A_992 = vector.broadcast %add3A_991 : i32 to vector<16xi32>
    %add3A_993 = arith.addi %mul3A_967, %add3A_992 : vector<16xi32>
    %gather3A_994 = tpu.vector_load_idx %arg11[%add3A_993] : memref<24576xf32, #tpu.memory_space<vmem>>[vector<16xi32>], vector<16xf32>,
    %mul3A_995 = arith.constant 0 : i32
    %mul3A_996 = vector.broadcast %mul3A_995 : i32 to vector<16xi32>
    %mul3A_997 = arith.muli %iota3A, %mul3A_996 : vector<16xi32>
    %add3A_998 = arith.constant 2 : i32
    %add3A_999 = vector.broadcast %add3A_998 : i32 to vector<16xi32>
    %add3A_1000 = arith.addi %mul3A_997, %add3A_999 : vector<16xi32>
    tpu.vector_store_idx %arg12[%add3A_970, %add3A_1000], %gather3A_994 : memref<512x16xf32, #tpu.memory_space<vmem>>[vector<16xi32>, vector<16xi32>], vector<16xf32>,
    %get3A_1001 = arith.constant 368 : index
    %get3A_1002 = tpu.vector_load %arg9[%get3A_1001] {strides = array<i32>} : memref<512xi32, #tpu.memory_space<vmem>>, vector<16xi32>,
    %sub3A_1003 = vector.broadcast %mul3A_82 : i32 to vector<16xi32>
    %sub3A_1004 = arith.subi %get3A_1002, %sub3A_1003 : vector<16xi32>
    %mul3A_1005 = arith.constant 3 : i32
    %mul3A_1006 = vector.broadcast %mul3A_1005 : i32 to vector<16xi32>
    %mul3A_1007 = arith.muli %sub3A_1004, %mul3A_1006 : vector<16xi32>
    %add3A_1008 = arith.constant 368 : i32
    %add3A_1009 = vector.broadcast %add3A_1008 : i32 to vector<16xi32>
    %add3A_1010 = arith.addi %iota3A, %add3A_1009 : vector<16xi32>
    %add3A_1011 = arith.constant 0 : i32
    %add3A_1012 = vector.broadcast %add3A_1011 : i32 to vector<16xi32>
    %add3A_1013 = arith.addi %mul3A_1007, %add3A_1012 : vector<16xi32>
    %gather3A_1014 = tpu.vector_load_idx %arg11[%add3A_1013] : memref<24576xf32, #tpu.memory_space<vmem>>[vector<16xi32>], vector<16xf32>,
    %mul3A_1015 = arith.constant 0 : i32
    %mul3A_1016 = vector.broadcast %mul3A_1015 : i32 to vector<16xi32>
    %mul3A_1017 = arith.muli %iota3A, %mul3A_1016 : vector<16xi32>
    %add3A_1018 = arith.constant 0 : i32
    %add3A_1019 = vector.broadcast %add3A_1018 : i32 to vector<16xi32>
    %add3A_1020 = arith.addi %mul3A_1017, %add3A_1019 : vector<16xi32>
    tpu.vector_store_idx %arg12[%add3A_1010, %add3A_1020], %gather3A_1014 : memref<512x16xf32, #tpu.memory_space<vmem>>[vector<16xi32>, vector<16xi32>], vector<16xf32>,
    %add3A_1021 = arith.constant 1 : i32
    %add3A_1022 = vector.broadcast %add3A_1021 : i32 to vector<16xi32>
    %add3A_1023 = arith.addi %mul3A_1007, %add3A_1022 : vector<16xi32>
    %gather3A_1024 = tpu.vector_load_idx %arg11[%add3A_1023] : memref<24576xf32, #tpu.memory_space<vmem>>[vector<16xi32>], vector<16xf32>,
    %mul3A_1025 = arith.constant 0 : i32
    %mul3A_1026 = vector.broadcast %mul3A_1025 : i32 to vector<16xi32>
    %mul3A_1027 = arith.muli %iota3A, %mul3A_1026 : vector<16xi32>
    %add3A_1028 = arith.constant 1 : i32
    %add3A_1029 = vector.broadcast %add3A_1028 : i32 to vector<16xi32>
    %add3A_1030 = arith.addi %mul3A_1027, %add3A_1029 : vector<16xi32>
    tpu.vector_store_idx %arg12[%add3A_1010, %add3A_1030], %gather3A_1024 : memref<512x16xf32, #tpu.memory_space<vmem>>[vector<16xi32>, vector<16xi32>], vector<16xf32>,
    %add3A_1031 = arith.constant 2 : i32
    %add3A_1032 = vector.broadcast %add3A_1031 : i32 to vector<16xi32>
    %add3A_1033 = arith.addi %mul3A_1007, %add3A_1032 : vector<16xi32>
    %gather3A_1034 = tpu.vector_load_idx %arg11[%add3A_1033] : memref<24576xf32, #tpu.memory_space<vmem>>[vector<16xi32>], vector<16xf32>,
    %mul3A_1035 = arith.constant 0 : i32
    %mul3A_1036 = vector.broadcast %mul3A_1035 : i32 to vector<16xi32>
    %mul3A_1037 = arith.muli %iota3A, %mul3A_1036 : vector<16xi32>
    %add3A_1038 = arith.constant 2 : i32
    %add3A_1039 = vector.broadcast %add3A_1038 : i32 to vector<16xi32>
    %add3A_1040 = arith.addi %mul3A_1037, %add3A_1039 : vector<16xi32>
    tpu.vector_store_idx %arg12[%add3A_1010, %add3A_1040], %gather3A_1034 : memref<512x16xf32, #tpu.memory_space<vmem>>[vector<16xi32>, vector<16xi32>], vector<16xf32>,
    %get3A_1041 = arith.constant 384 : index
    %get3A_1042 = tpu.vector_load %arg9[%get3A_1041] {strides = array<i32>} : memref<512xi32, #tpu.memory_space<vmem>>, vector<16xi32>,
    %sub3A_1043 = vector.broadcast %mul3A_82 : i32 to vector<16xi32>
    %sub3A_1044 = arith.subi %get3A_1042, %sub3A_1043 : vector<16xi32>
    %mul3A_1045 = arith.constant 3 : i32
    %mul3A_1046 = vector.broadcast %mul3A_1045 : i32 to vector<16xi32>
    %mul3A_1047 = arith.muli %sub3A_1044, %mul3A_1046 : vector<16xi32>
    %add3A_1048 = arith.constant 384 : i32
    %add3A_1049 = vector.broadcast %add3A_1048 : i32 to vector<16xi32>
    %add3A_1050 = arith.addi %iota3A, %add3A_1049 : vector<16xi32>
    %add3A_1051 = arith.constant 0 : i32
    %add3A_1052 = vector.broadcast %add3A_1051 : i32 to vector<16xi32>
    %add3A_1053 = arith.addi %mul3A_1047, %add3A_1052 : vector<16xi32>
    %gather3A_1054 = tpu.vector_load_idx %arg11[%add3A_1053] : memref<24576xf32, #tpu.memory_space<vmem>>[vector<16xi32>], vector<16xf32>,
    %mul3A_1055 = arith.constant 0 : i32
    %mul3A_1056 = vector.broadcast %mul3A_1055 : i32 to vector<16xi32>
    %mul3A_1057 = arith.muli %iota3A, %mul3A_1056 : vector<16xi32>
    %add3A_1058 = arith.constant 0 : i32
    %add3A_1059 = vector.broadcast %add3A_1058 : i32 to vector<16xi32>
    %add3A_1060 = arith.addi %mul3A_1057, %add3A_1059 : vector<16xi32>
    tpu.vector_store_idx %arg12[%add3A_1050, %add3A_1060], %gather3A_1054 : memref<512x16xf32, #tpu.memory_space<vmem>>[vector<16xi32>, vector<16xi32>], vector<16xf32>,
    %add3A_1061 = arith.constant 1 : i32
    %add3A_1062 = vector.broadcast %add3A_1061 : i32 to vector<16xi32>
    %add3A_1063 = arith.addi %mul3A_1047, %add3A_1062 : vector<16xi32>
    %gather3A_1064 = tpu.vector_load_idx %arg11[%add3A_1063] : memref<24576xf32, #tpu.memory_space<vmem>>[vector<16xi32>], vector<16xf32>,
    %mul3A_1065 = arith.constant 0 : i32
    %mul3A_1066 = vector.broadcast %mul3A_1065 : i32 to vector<16xi32>
    %mul3A_1067 = arith.muli %iota3A, %mul3A_1066 : vector<16xi32>
    %add3A_1068 = arith.constant 1 : i32
    %add3A_1069 = vector.broadcast %add3A_1068 : i32 to vector<16xi32>
    %add3A_1070 = arith.addi %mul3A_1067, %add3A_1069 : vector<16xi32>
    tpu.vector_store_idx %arg12[%add3A_1050, %add3A_1070], %gather3A_1064 : memref<512x16xf32, #tpu.memory_space<vmem>>[vector<16xi32>, vector<16xi32>], vector<16xf32>,
    %add3A_1071 = arith.constant 2 : i32
    %add3A_1072 = vector.broadcast %add3A_1071 : i32 to vector<16xi32>
    %add3A_1073 = arith.addi %mul3A_1047, %add3A_1072 : vector<16xi32>
    %gather3A_1074 = tpu.vector_load_idx %arg11[%add3A_1073] : memref<24576xf32, #tpu.memory_space<vmem>>[vector<16xi32>], vector<16xf32>,
    %mul3A_1075 = arith.constant 0 : i32
    %mul3A_1076 = vector.broadcast %mul3A_1075 : i32 to vector<16xi32>
    %mul3A_1077 = arith.muli %iota3A, %mul3A_1076 : vector<16xi32>
    %add3A_1078 = arith.constant 2 : i32
    %add3A_1079 = vector.broadcast %add3A_1078 : i32 to vector<16xi32>
    %add3A_1080 = arith.addi %mul3A_1077, %add3A_1079 : vector<16xi32>
    tpu.vector_store_idx %arg12[%add3A_1050, %add3A_1080], %gather3A_1074 : memref<512x16xf32, #tpu.memory_space<vmem>>[vector<16xi32>, vector<16xi32>], vector<16xf32>,
    %get3A_1081 = arith.constant 400 : index
    %get3A_1082 = tpu.vector_load %arg9[%get3A_1081] {strides = array<i32>} : memref<512xi32, #tpu.memory_space<vmem>>, vector<16xi32>,
    %sub3A_1083 = vector.broadcast %mul3A_82 : i32 to vector<16xi32>
    %sub3A_1084 = arith.subi %get3A_1082, %sub3A_1083 : vector<16xi32>
    %mul3A_1085 = arith.constant 3 : i32
    %mul3A_1086 = vector.broadcast %mul3A_1085 : i32 to vector<16xi32>
    %mul3A_1087 = arith.muli %sub3A_1084, %mul3A_1086 : vector<16xi32>
    %add3A_1088 = arith.constant 400 : i32
    %add3A_1089 = vector.broadcast %add3A_1088 : i32 to vector<16xi32>
    %add3A_1090 = arith.addi %iota3A, %add3A_1089 : vector<16xi32>
    %add3A_1091 = arith.constant 0 : i32
    %add3A_1092 = vector.broadcast %add3A_1091 : i32 to vector<16xi32>
    %add3A_1093 = arith.addi %mul3A_1087, %add3A_1092 : vector<16xi32>
    %gather3A_1094 = tpu.vector_load_idx %arg11[%add3A_1093] : memref<24576xf32, #tpu.memory_space<vmem>>[vector<16xi32>], vector<16xf32>,
    %mul3A_1095 = arith.constant 0 : i32
    %mul3A_1096 = vector.broadcast %mul3A_1095 : i32 to vector<16xi32>
    %mul3A_1097 = arith.muli %iota3A, %mul3A_1096 : vector<16xi32>
    %add3A_1098 = arith.constant 0 : i32
    %add3A_1099 = vector.broadcast %add3A_1098 : i32 to vector<16xi32>
    %add3A_1100 = arith.addi %mul3A_1097, %add3A_1099 : vector<16xi32>
    tpu.vector_store_idx %arg12[%add3A_1090, %add3A_1100], %gather3A_1094 : memref<512x16xf32, #tpu.memory_space<vmem>>[vector<16xi32>, vector<16xi32>], vector<16xf32>,
    %add3A_1101 = arith.constant 1 : i32
    %add3A_1102 = vector.broadcast %add3A_1101 : i32 to vector<16xi32>
    %add3A_1103 = arith.addi %mul3A_1087, %add3A_1102 : vector<16xi32>
    %gather3A_1104 = tpu.vector_load_idx %arg11[%add3A_1103] : memref<24576xf32, #tpu.memory_space<vmem>>[vector<16xi32>], vector<16xf32>,
    %mul3A_1105 = arith.constant 0 : i32
    %mul3A_1106 = vector.broadcast %mul3A_1105 : i32 to vector<16xi32>
    %mul3A_1107 = arith.muli %iota3A, %mul3A_1106 : vector<16xi32>
    %add3A_1108 = arith.constant 1 : i32
    %add3A_1109 = vector.broadcast %add3A_1108 : i32 to vector<16xi32>
    %add3A_1110 = arith.addi %mul3A_1107, %add3A_1109 : vector<16xi32>
    tpu.vector_store_idx %arg12[%add3A_1090, %add3A_1110], %gather3A_1104 : memref<512x16xf32, #tpu.memory_space<vmem>>[vector<16xi32>, vector<16xi32>], vector<16xf32>,
    %add3A_1111 = arith.constant 2 : i32
    %add3A_1112 = vector.broadcast %add3A_1111 : i32 to vector<16xi32>
    %add3A_1113 = arith.addi %mul3A_1087, %add3A_1112 : vector<16xi32>
    %gather3A_1114 = tpu.vector_load_idx %arg11[%add3A_1113] : memref<24576xf32, #tpu.memory_space<vmem>>[vector<16xi32>], vector<16xf32>,
    %mul3A_1115 = arith.constant 0 : i32
    %mul3A_1116 = vector.broadcast %mul3A_1115 : i32 to vector<16xi32>
    %mul3A_1117 = arith.muli %iota3A, %mul3A_1116 : vector<16xi32>
    %add3A_1118 = arith.constant 2 : i32
    %add3A_1119 = vector.broadcast %add3A_1118 : i32 to vector<16xi32>
    %add3A_1120 = arith.addi %mul3A_1117, %add3A_1119 : vector<16xi32>
    tpu.vector_store_idx %arg12[%add3A_1090, %add3A_1120], %gather3A_1114 : memref<512x16xf32, #tpu.memory_space<vmem>>[vector<16xi32>, vector<16xi32>], vector<16xf32>,
    %get3A_1121 = arith.constant 416 : index
    %get3A_1122 = tpu.vector_load %arg9[%get3A_1121] {strides = array<i32>} : memref<512xi32, #tpu.memory_space<vmem>>, vector<16xi32>,
    %sub3A_1123 = vector.broadcast %mul3A_82 : i32 to vector<16xi32>
    %sub3A_1124 = arith.subi %get3A_1122, %sub3A_1123 : vector<16xi32>
    %mul3A_1125 = arith.constant 3 : i32
    %mul3A_1126 = vector.broadcast %mul3A_1125 : i32 to vector<16xi32>
    %mul3A_1127 = arith.muli %sub3A_1124, %mul3A_1126 : vector<16xi32>
    %add3A_1128 = arith.constant 416 : i32
    %add3A_1129 = vector.broadcast %add3A_1128 : i32 to vector<16xi32>
    %add3A_1130 = arith.addi %iota3A, %add3A_1129 : vector<16xi32>
    %add3A_1131 = arith.constant 0 : i32
    %add3A_1132 = vector.broadcast %add3A_1131 : i32 to vector<16xi32>
    %add3A_1133 = arith.addi %mul3A_1127, %add3A_1132 : vector<16xi32>
    %gather3A_1134 = tpu.vector_load_idx %arg11[%add3A_1133] : memref<24576xf32, #tpu.memory_space<vmem>>[vector<16xi32>], vector<16xf32>,
    %mul3A_1135 = arith.constant 0 : i32
    %mul3A_1136 = vector.broadcast %mul3A_1135 : i32 to vector<16xi32>
    %mul3A_1137 = arith.muli %iota3A, %mul3A_1136 : vector<16xi32>
    %add3A_1138 = arith.constant 0 : i32
    %add3A_1139 = vector.broadcast %add3A_1138 : i32 to vector<16xi32>
    %add3A_1140 = arith.addi %mul3A_1137, %add3A_1139 : vector<16xi32>
    tpu.vector_store_idx %arg12[%add3A_1130, %add3A_1140], %gather3A_1134 : memref<512x16xf32, #tpu.memory_space<vmem>>[vector<16xi32>, vector<16xi32>], vector<16xf32>,
    %add3A_1141 = arith.constant 1 : i32
    %add3A_1142 = vector.broadcast %add3A_1141 : i32 to vector<16xi32>
    %add3A_1143 = arith.addi %mul3A_1127, %add3A_1142 : vector<16xi32>
    %gather3A_1144 = tpu.vector_load_idx %arg11[%add3A_1143] : memref<24576xf32, #tpu.memory_space<vmem>>[vector<16xi32>], vector<16xf32>,
    %mul3A_1145 = arith.constant 0 : i32
    %mul3A_1146 = vector.broadcast %mul3A_1145 : i32 to vector<16xi32>
    %mul3A_1147 = arith.muli %iota3A, %mul3A_1146 : vector<16xi32>
    %add3A_1148 = arith.constant 1 : i32
    %add3A_1149 = vector.broadcast %add3A_1148 : i32 to vector<16xi32>
    %add3A_1150 = arith.addi %mul3A_1147, %add3A_1149 : vector<16xi32>
    tpu.vector_store_idx %arg12[%add3A_1130, %add3A_1150], %gather3A_1144 : memref<512x16xf32, #tpu.memory_space<vmem>>[vector<16xi32>, vector<16xi32>], vector<16xf32>,
    %add3A_1151 = arith.constant 2 : i32
    %add3A_1152 = vector.broadcast %add3A_1151 : i32 to vector<16xi32>
    %add3A_1153 = arith.addi %mul3A_1127, %add3A_1152 : vector<16xi32>
    %gather3A_1154 = tpu.vector_load_idx %arg11[%add3A_1153] : memref<24576xf32, #tpu.memory_space<vmem>>[vector<16xi32>], vector<16xf32>,
    %mul3A_1155 = arith.constant 0 : i32
    %mul3A_1156 = vector.broadcast %mul3A_1155 : i32 to vector<16xi32>
    %mul3A_1157 = arith.muli %iota3A, %mul3A_1156 : vector<16xi32>
    %add3A_1158 = arith.constant 2 : i32
    %add3A_1159 = vector.broadcast %add3A_1158 : i32 to vector<16xi32>
    %add3A_1160 = arith.addi %mul3A_1157, %add3A_1159 : vector<16xi32>
    tpu.vector_store_idx %arg12[%add3A_1130, %add3A_1160], %gather3A_1154 : memref<512x16xf32, #tpu.memory_space<vmem>>[vector<16xi32>, vector<16xi32>], vector<16xf32>,
    %get3A_1161 = arith.constant 432 : index
    %get3A_1162 = tpu.vector_load %arg9[%get3A_1161] {strides = array<i32>} : memref<512xi32, #tpu.memory_space<vmem>>, vector<16xi32>,
    %sub3A_1163 = vector.broadcast %mul3A_82 : i32 to vector<16xi32>
    %sub3A_1164 = arith.subi %get3A_1162, %sub3A_1163 : vector<16xi32>
    %mul3A_1165 = arith.constant 3 : i32
    %mul3A_1166 = vector.broadcast %mul3A_1165 : i32 to vector<16xi32>
    %mul3A_1167 = arith.muli %sub3A_1164, %mul3A_1166 : vector<16xi32>
    %add3A_1168 = arith.constant 432 : i32
    %add3A_1169 = vector.broadcast %add3A_1168 : i32 to vector<16xi32>
    %add3A_1170 = arith.addi %iota3A, %add3A_1169 : vector<16xi32>
    %add3A_1171 = arith.constant 0 : i32
    %add3A_1172 = vector.broadcast %add3A_1171 : i32 to vector<16xi32>
    %add3A_1173 = arith.addi %mul3A_1167, %add3A_1172 : vector<16xi32>
    %gather3A_1174 = tpu.vector_load_idx %arg11[%add3A_1173] : memref<24576xf32, #tpu.memory_space<vmem>>[vector<16xi32>], vector<16xf32>,
    %mul3A_1175 = arith.constant 0 : i32
    %mul3A_1176 = vector.broadcast %mul3A_1175 : i32 to vector<16xi32>
    %mul3A_1177 = arith.muli %iota3A, %mul3A_1176 : vector<16xi32>
    %add3A_1178 = arith.constant 0 : i32
    %add3A_1179 = vector.broadcast %add3A_1178 : i32 to vector<16xi32>
    %add3A_1180 = arith.addi %mul3A_1177, %add3A_1179 : vector<16xi32>
    tpu.vector_store_idx %arg12[%add3A_1170, %add3A_1180], %gather3A_1174 : memref<512x16xf32, #tpu.memory_space<vmem>>[vector<16xi32>, vector<16xi32>], vector<16xf32>,
    %add3A_1181 = arith.constant 1 : i32
    %add3A_1182 = vector.broadcast %add3A_1181 : i32 to vector<16xi32>
    %add3A_1183 = arith.addi %mul3A_1167, %add3A_1182 : vector<16xi32>
    %gather3A_1184 = tpu.vector_load_idx %arg11[%add3A_1183] : memref<24576xf32, #tpu.memory_space<vmem>>[vector<16xi32>], vector<16xf32>,
    %mul3A_1185 = arith.constant 0 : i32
    %mul3A_1186 = vector.broadcast %mul3A_1185 : i32 to vector<16xi32>
    %mul3A_1187 = arith.muli %iota3A, %mul3A_1186 : vector<16xi32>
    %add3A_1188 = arith.constant 1 : i32
    %add3A_1189 = vector.broadcast %add3A_1188 : i32 to vector<16xi32>
    %add3A_1190 = arith.addi %mul3A_1187, %add3A_1189 : vector<16xi32>
    tpu.vector_store_idx %arg12[%add3A_1170, %add3A_1190], %gather3A_1184 : memref<512x16xf32, #tpu.memory_space<vmem>>[vector<16xi32>, vector<16xi32>], vector<16xf32>,
    %add3A_1191 = arith.constant 2 : i32
    %add3A_1192 = vector.broadcast %add3A_1191 : i32 to vector<16xi32>
    %add3A_1193 = arith.addi %mul3A_1167, %add3A_1192 : vector<16xi32>
    %gather3A_1194 = tpu.vector_load_idx %arg11[%add3A_1193] : memref<24576xf32, #tpu.memory_space<vmem>>[vector<16xi32>], vector<16xf32>,
    %mul3A_1195 = arith.constant 0 : i32
    %mul3A_1196 = vector.broadcast %mul3A_1195 : i32 to vector<16xi32>
    %mul3A_1197 = arith.muli %iota3A, %mul3A_1196 : vector<16xi32>
    %add3A_1198 = arith.constant 2 : i32
    %add3A_1199 = vector.broadcast %add3A_1198 : i32 to vector<16xi32>
    %add3A_1200 = arith.addi %mul3A_1197, %add3A_1199 : vector<16xi32>
    tpu.vector_store_idx %arg12[%add3A_1170, %add3A_1200], %gather3A_1194 : memref<512x16xf32, #tpu.memory_space<vmem>>[vector<16xi32>, vector<16xi32>], vector<16xf32>,
    %get3A_1201 = arith.constant 448 : index
    %get3A_1202 = tpu.vector_load %arg9[%get3A_1201] {strides = array<i32>} : memref<512xi32, #tpu.memory_space<vmem>>, vector<16xi32>,
    %sub3A_1203 = vector.broadcast %mul3A_82 : i32 to vector<16xi32>
    %sub3A_1204 = arith.subi %get3A_1202, %sub3A_1203 : vector<16xi32>
    %mul3A_1205 = arith.constant 3 : i32
    %mul3A_1206 = vector.broadcast %mul3A_1205 : i32 to vector<16xi32>
    %mul3A_1207 = arith.muli %sub3A_1204, %mul3A_1206 : vector<16xi32>
    %add3A_1208 = arith.constant 448 : i32
    %add3A_1209 = vector.broadcast %add3A_1208 : i32 to vector<16xi32>
    %add3A_1210 = arith.addi %iota3A, %add3A_1209 : vector<16xi32>
    %add3A_1211 = arith.constant 0 : i32
    %add3A_1212 = vector.broadcast %add3A_1211 : i32 to vector<16xi32>
    %add3A_1213 = arith.addi %mul3A_1207, %add3A_1212 : vector<16xi32>
    %gather3A_1214 = tpu.vector_load_idx %arg11[%add3A_1213] : memref<24576xf32, #tpu.memory_space<vmem>>[vector<16xi32>], vector<16xf32>,
    %mul3A_1215 = arith.constant 0 : i32
    %mul3A_1216 = vector.broadcast %mul3A_1215 : i32 to vector<16xi32>
    %mul3A_1217 = arith.muli %iota3A, %mul3A_1216 : vector<16xi32>
    %add3A_1218 = arith.constant 0 : i32
    %add3A_1219 = vector.broadcast %add3A_1218 : i32 to vector<16xi32>
    %add3A_1220 = arith.addi %mul3A_1217, %add3A_1219 : vector<16xi32>
    tpu.vector_store_idx %arg12[%add3A_1210, %add3A_1220], %gather3A_1214 : memref<512x16xf32, #tpu.memory_space<vmem>>[vector<16xi32>, vector<16xi32>], vector<16xf32>,
    %add3A_1221 = arith.constant 1 : i32
    %add3A_1222 = vector.broadcast %add3A_1221 : i32 to vector<16xi32>
    %add3A_1223 = arith.addi %mul3A_1207, %add3A_1222 : vector<16xi32>
    %gather3A_1224 = tpu.vector_load_idx %arg11[%add3A_1223] : memref<24576xf32, #tpu.memory_space<vmem>>[vector<16xi32>], vector<16xf32>,
    %mul3A_1225 = arith.constant 0 : i32
    %mul3A_1226 = vector.broadcast %mul3A_1225 : i32 to vector<16xi32>
    %mul3A_1227 = arith.muli %iota3A, %mul3A_1226 : vector<16xi32>
    %add3A_1228 = arith.constant 1 : i32
    %add3A_1229 = vector.broadcast %add3A_1228 : i32 to vector<16xi32>
    %add3A_1230 = arith.addi %mul3A_1227, %add3A_1229 : vector<16xi32>
    tpu.vector_store_idx %arg12[%add3A_1210, %add3A_1230], %gather3A_1224 : memref<512x16xf32, #tpu.memory_space<vmem>>[vector<16xi32>, vector<16xi32>], vector<16xf32>,
    %add3A_1231 = arith.constant 2 : i32
    %add3A_1232 = vector.broadcast %add3A_1231 : i32 to vector<16xi32>
    %add3A_1233 = arith.addi %mul3A_1207, %add3A_1232 : vector<16xi32>
    %gather3A_1234 = tpu.vector_load_idx %arg11[%add3A_1233] : memref<24576xf32, #tpu.memory_space<vmem>>[vector<16xi32>], vector<16xf32>,
    %mul3A_1235 = arith.constant 0 : i32
    %mul3A_1236 = vector.broadcast %mul3A_1235 : i32 to vector<16xi32>
    %mul3A_1237 = arith.muli %iota3A, %mul3A_1236 : vector<16xi32>
    %add3A_1238 = arith.constant 2 : i32
    %add3A_1239 = vector.broadcast %add3A_1238 : i32 to vector<16xi32>
    %add3A_1240 = arith.addi %mul3A_1237, %add3A_1239 : vector<16xi32>
    tpu.vector_store_idx %arg12[%add3A_1210, %add3A_1240], %gather3A_1234 : memref<512x16xf32, #tpu.memory_space<vmem>>[vector<16xi32>, vector<16xi32>], vector<16xf32>,
    %get3A_1241 = arith.constant 464 : index
    %get3A_1242 = tpu.vector_load %arg9[%get3A_1241] {strides = array<i32>} : memref<512xi32, #tpu.memory_space<vmem>>, vector<16xi32>,
    %sub3A_1243 = vector.broadcast %mul3A_82 : i32 to vector<16xi32>
    %sub3A_1244 = arith.subi %get3A_1242, %sub3A_1243 : vector<16xi32>
    %mul3A_1245 = arith.constant 3 : i32
    %mul3A_1246 = vector.broadcast %mul3A_1245 : i32 to vector<16xi32>
    %mul3A_1247 = arith.muli %sub3A_1244, %mul3A_1246 : vector<16xi32>
    %add3A_1248 = arith.constant 464 : i32
    %add3A_1249 = vector.broadcast %add3A_1248 : i32 to vector<16xi32>
    %add3A_1250 = arith.addi %iota3A, %add3A_1249 : vector<16xi32>
    %add3A_1251 = arith.constant 0 : i32
    %add3A_1252 = vector.broadcast %add3A_1251 : i32 to vector<16xi32>
    %add3A_1253 = arith.addi %mul3A_1247, %add3A_1252 : vector<16xi32>
    %gather3A_1254 = tpu.vector_load_idx %arg11[%add3A_1253] : memref<24576xf32, #tpu.memory_space<vmem>>[vector<16xi32>], vector<16xf32>,
    %mul3A_1255 = arith.constant 0 : i32
    %mul3A_1256 = vector.broadcast %mul3A_1255 : i32 to vector<16xi32>
    %mul3A_1257 = arith.muli %iota3A, %mul3A_1256 : vector<16xi32>
    %add3A_1258 = arith.constant 0 : i32
    %add3A_1259 = vector.broadcast %add3A_1258 : i32 to vector<16xi32>
    %add3A_1260 = arith.addi %mul3A_1257, %add3A_1259 : vector<16xi32>
    tpu.vector_store_idx %arg12[%add3A_1250, %add3A_1260], %gather3A_1254 : memref<512x16xf32, #tpu.memory_space<vmem>>[vector<16xi32>, vector<16xi32>], vector<16xf32>,
    %add3A_1261 = arith.constant 1 : i32
    %add3A_1262 = vector.broadcast %add3A_1261 : i32 to vector<16xi32>
    %add3A_1263 = arith.addi %mul3A_1247, %add3A_1262 : vector<16xi32>
    %gather3A_1264 = tpu.vector_load_idx %arg11[%add3A_1263] : memref<24576xf32, #tpu.memory_space<vmem>>[vector<16xi32>], vector<16xf32>,
    %mul3A_1265 = arith.constant 0 : i32
    %mul3A_1266 = vector.broadcast %mul3A_1265 : i32 to vector<16xi32>
    %mul3A_1267 = arith.muli %iota3A, %mul3A_1266 : vector<16xi32>
    %add3A_1268 = arith.constant 1 : i32
    %add3A_1269 = vector.broadcast %add3A_1268 : i32 to vector<16xi32>
    %add3A_1270 = arith.addi %mul3A_1267, %add3A_1269 : vector<16xi32>
    tpu.vector_store_idx %arg12[%add3A_1250, %add3A_1270], %gather3A_1264 : memref<512x16xf32, #tpu.memory_space<vmem>>[vector<16xi32>, vector<16xi32>], vector<16xf32>,
    %add3A_1271 = arith.constant 2 : i32
    %add3A_1272 = vector.broadcast %add3A_1271 : i32 to vector<16xi32>
    %add3A_1273 = arith.addi %mul3A_1247, %add3A_1272 : vector<16xi32>
    %gather3A_1274 = tpu.vector_load_idx %arg11[%add3A_1273] : memref<24576xf32, #tpu.memory_space<vmem>>[vector<16xi32>], vector<16xf32>,
    %mul3A_1275 = arith.constant 0 : i32
    %mul3A_1276 = vector.broadcast %mul3A_1275 : i32 to vector<16xi32>
    %mul3A_1277 = arith.muli %iota3A, %mul3A_1276 : vector<16xi32>
    %add3A_1278 = arith.constant 2 : i32
    %add3A_1279 = vector.broadcast %add3A_1278 : i32 to vector<16xi32>
    %add3A_1280 = arith.addi %mul3A_1277, %add3A_1279 : vector<16xi32>
    tpu.vector_store_idx %arg12[%add3A_1250, %add3A_1280], %gather3A_1274 : memref<512x16xf32, #tpu.memory_space<vmem>>[vector<16xi32>, vector<16xi32>], vector<16xf32>,
    %get3A_1281 = arith.constant 480 : index
    %get3A_1282 = tpu.vector_load %arg9[%get3A_1281] {strides = array<i32>} : memref<512xi32, #tpu.memory_space<vmem>>, vector<16xi32>,
    %sub3A_1283 = vector.broadcast %mul3A_82 : i32 to vector<16xi32>
    %sub3A_1284 = arith.subi %get3A_1282, %sub3A_1283 : vector<16xi32>
    %mul3A_1285 = arith.constant 3 : i32
    %mul3A_1286 = vector.broadcast %mul3A_1285 : i32 to vector<16xi32>
    %mul3A_1287 = arith.muli %sub3A_1284, %mul3A_1286 : vector<16xi32>
    %add3A_1288 = arith.constant 480 : i32
    %add3A_1289 = vector.broadcast %add3A_1288 : i32 to vector<16xi32>
    %add3A_1290 = arith.addi %iota3A, %add3A_1289 : vector<16xi32>
    %add3A_1291 = arith.constant 0 : i32
    %add3A_1292 = vector.broadcast %add3A_1291 : i32 to vector<16xi32>
    %add3A_1293 = arith.addi %mul3A_1287, %add3A_1292 : vector<16xi32>
    %gather3A_1294 = tpu.vector_load_idx %arg11[%add3A_1293] : memref<24576xf32, #tpu.memory_space<vmem>>[vector<16xi32>], vector<16xf32>,
    %mul3A_1295 = arith.constant 0 : i32
    %mul3A_1296 = vector.broadcast %mul3A_1295 : i32 to vector<16xi32>
    %mul3A_1297 = arith.muli %iota3A, %mul3A_1296 : vector<16xi32>
    %add3A_1298 = arith.constant 0 : i32
    %add3A_1299 = vector.broadcast %add3A_1298 : i32 to vector<16xi32>
    %add3A_1300 = arith.addi %mul3A_1297, %add3A_1299 : vector<16xi32>
    tpu.vector_store_idx %arg12[%add3A_1290, %add3A_1300], %gather3A_1294 : memref<512x16xf32, #tpu.memory_space<vmem>>[vector<16xi32>, vector<16xi32>], vector<16xf32>,
    %add3A_1301 = arith.constant 1 : i32
    %add3A_1302 = vector.broadcast %add3A_1301 : i32 to vector<16xi32>
    %add3A_1303 = arith.addi %mul3A_1287, %add3A_1302 : vector<16xi32>
    %gather3A_1304 = tpu.vector_load_idx %arg11[%add3A_1303] : memref<24576xf32, #tpu.memory_space<vmem>>[vector<16xi32>], vector<16xf32>,
    %mul3A_1305 = arith.constant 0 : i32
    %mul3A_1306 = vector.broadcast %mul3A_1305 : i32 to vector<16xi32>
    %mul3A_1307 = arith.muli %iota3A, %mul3A_1306 : vector<16xi32>
    %add3A_1308 = arith.constant 1 : i32
    %add3A_1309 = vector.broadcast %add3A_1308 : i32 to vector<16xi32>
    %add3A_1310 = arith.addi %mul3A_1307, %add3A_1309 : vector<16xi32>
    tpu.vector_store_idx %arg12[%add3A_1290, %add3A_1310], %gather3A_1304 : memref<512x16xf32, #tpu.memory_space<vmem>>[vector<16xi32>, vector<16xi32>], vector<16xf32>,
    %add3A_1311 = arith.constant 2 : i32
    %add3A_1312 = vector.broadcast %add3A_1311 : i32 to vector<16xi32>
    %add3A_1313 = arith.addi %mul3A_1287, %add3A_1312 : vector<16xi32>
    %gather3A_1314 = tpu.vector_load_idx %arg11[%add3A_1313] : memref<24576xf32, #tpu.memory_space<vmem>>[vector<16xi32>], vector<16xf32>,
    %mul3A_1315 = arith.constant 0 : i32
    %mul3A_1316 = vector.broadcast %mul3A_1315 : i32 to vector<16xi32>
    %mul3A_1317 = arith.muli %iota3A, %mul3A_1316 : vector<16xi32>
    %add3A_1318 = arith.constant 2 : i32
    %add3A_1319 = vector.broadcast %add3A_1318 : i32 to vector<16xi32>
    %add3A_1320 = arith.addi %mul3A_1317, %add3A_1319 : vector<16xi32>
    tpu.vector_store_idx %arg12[%add3A_1290, %add3A_1320], %gather3A_1314 : memref<512x16xf32, #tpu.memory_space<vmem>>[vector<16xi32>, vector<16xi32>], vector<16xf32>,
    %get3A_1321 = arith.constant 496 : index
    %get3A_1322 = tpu.vector_load %arg9[%get3A_1321] {strides = array<i32>} : memref<512xi32, #tpu.memory_space<vmem>>, vector<16xi32>,
    %sub3A_1323 = vector.broadcast %mul3A_82 : i32 to vector<16xi32>
    %sub3A_1324 = arith.subi %get3A_1322, %sub3A_1323 : vector<16xi32>
    %mul3A_1325 = arith.constant 3 : i32
    %mul3A_1326 = vector.broadcast %mul3A_1325 : i32 to vector<16xi32>
    %mul3A_1327 = arith.muli %sub3A_1324, %mul3A_1326 : vector<16xi32>
    %add3A_1328 = arith.constant 496 : i32
    %add3A_1329 = vector.broadcast %add3A_1328 : i32 to vector<16xi32>
    %add3A_1330 = arith.addi %iota3A, %add3A_1329 : vector<16xi32>
    %add3A_1331 = arith.constant 0 : i32
    %add3A_1332 = vector.broadcast %add3A_1331 : i32 to vector<16xi32>
    %add3A_1333 = arith.addi %mul3A_1327, %add3A_1332 : vector<16xi32>
    %gather3A_1334 = tpu.vector_load_idx %arg11[%add3A_1333] : memref<24576xf32, #tpu.memory_space<vmem>>[vector<16xi32>], vector<16xf32>,
    %mul3A_1335 = arith.constant 0 : i32
    %mul3A_1336 = vector.broadcast %mul3A_1335 : i32 to vector<16xi32>
    %mul3A_1337 = arith.muli %iota3A, %mul3A_1336 : vector<16xi32>
    %add3A_1338 = arith.constant 0 : i32
    %add3A_1339 = vector.broadcast %add3A_1338 : i32 to vector<16xi32>
    %add3A_1340 = arith.addi %mul3A_1337, %add3A_1339 : vector<16xi32>
    tpu.vector_store_idx %arg12[%add3A_1330, %add3A_1340], %gather3A_1334 : memref<512x16xf32, #tpu.memory_space<vmem>>[vector<16xi32>, vector<16xi32>], vector<16xf32>,
    %add3A_1341 = arith.constant 1 : i32
    %add3A_1342 = vector.broadcast %add3A_1341 : i32 to vector<16xi32>
    %add3A_1343 = arith.addi %mul3A_1327, %add3A_1342 : vector<16xi32>
    %gather3A_1344 = tpu.vector_load_idx %arg11[%add3A_1343] : memref<24576xf32, #tpu.memory_space<vmem>>[vector<16xi32>], vector<16xf32>,
    %mul3A_1345 = arith.constant 0 : i32
    %mul3A_1346 = vector.broadcast %mul3A_1345 : i32 to vector<16xi32>
    %mul3A_1347 = arith.muli %iota3A, %mul3A_1346 : vector<16xi32>
    %add3A_1348 = arith.constant 1 : i32
    %add3A_1349 = vector.broadcast %add3A_1348 : i32 to vector<16xi32>
    %add3A_1350 = arith.addi %mul3A_1347, %add3A_1349 : vector<16xi32>
    tpu.vector_store_idx %arg12[%add3A_1330, %add3A_1350], %gather3A_1344 : memref<512x16xf32, #tpu.memory_space<vmem>>[vector<16xi32>, vector<16xi32>], vector<16xf32>,
    %add3A_1351 = arith.constant 2 : i32
    %add3A_1352 = vector.broadcast %add3A_1351 : i32 to vector<16xi32>
    %add3A_1353 = arith.addi %mul3A_1327, %add3A_1352 : vector<16xi32>
    %gather3A_1354 = tpu.vector_load_idx %arg11[%add3A_1353] : memref<24576xf32, #tpu.memory_space<vmem>>[vector<16xi32>], vector<16xf32>,
    %mul3A_1355 = arith.constant 0 : i32
    %mul3A_1356 = vector.broadcast %mul3A_1355 : i32 to vector<16xi32>
    %mul3A_1357 = arith.muli %iota3A, %mul3A_1356 : vector<16xi32>
    %add3A_1358 = arith.constant 2 : i32
    %add3A_1359 = vector.broadcast %add3A_1358 : i32 to vector<16xi32>
    %add3A_1360 = arith.addi %mul3A_1357, %add3A_1359 : vector<16xi32>
    tpu.vector_store_idx %arg12[%add3A_1330, %add3A_1360], %gather3A_1354 : memref<512x16xf32, #tpu.memory_space<vmem>>[vector<16xi32>, vector<16xi32>], vector<16xf32>,
    %dma_wait3A_1361 = arith.constant 2 : i32
    %dma_wait3A_1362 = arith.constant 0 : i32
    %dma_wait3A_1363 = arith.constant 0 : i32
    %dma_wait3A_1364 = tpu.memref_slice %arg10[%dma_wait3A_1362, %dma_wait3A_1363] : memref<256x128xf32, #tpu.memory_space<vmem>> -> memref<128x128xf32, #tpu.memory_space<vmem>>
    %dma_wait3A_1365 = arith.constant 0 : i32
    %dma_wait3A_1366 = tpu.memref_slice %arg8[%dma_wait3A_1361, %dma_wait3A_1365] : memref<4x128xi32, #tpu.memory_space<vmem>> -> memref<1x128xi32, #tpu.memory_space<vmem>>
    %dma_wait3A_1367 = tpu.memref_squeeze %dma_wait3A_1366 : memref<1x128xi32, #tpu.memory_space<vmem>> -> memref<128xi32, #tpu.memory_space<vmem>>
    %dma_wait3A_1368 = arith.constant 0 : i32
    %dma_wait3A_1369 = arith.constant 0 : i32
    %dma_wait3A_1370 = tpu.memref_slice %arg4[%dma_wait3A_1368, %dma_wait3A_1369] : memref<32768x128xf32, #tpu.memory_space<hbm>> -> memref<32768x128xf32, #tpu.memory_space<hbm>>
    tpu.wait_indirect_dma semaphore(%arg13 : memref<!tpu.dma_semaphore, #tpu.memory_space<semaphore_mem>>) src(%dma_wait3A_1370 : memref<32768x128xf32, #tpu.memory_space<hbm>>) dst(%dma_wait3A_1364 : memref<128x128xf32, #tpu.memory_space<vmem>>)
    %dma_wait3A_1371 = arith.constant 3 : i32
    %dma_wait3A_1372 = arith.constant 128 : i32
    %dma_wait3A_1373 = arith.constant 0 : i32
    %dma_wait3A_1374 = tpu.memref_slice %arg10[%dma_wait3A_1372, %dma_wait3A_1373] : memref<256x128xf32, #tpu.memory_space<vmem>> -> memref<128x128xf32, #tpu.memory_space<vmem>>
    %dma_wait3A_1375 = arith.constant 0 : i32
    %dma_wait3A_1376 = tpu.memref_slice %arg8[%dma_wait3A_1371, %dma_wait3A_1375] : memref<4x128xi32, #tpu.memory_space<vmem>> -> memref<1x128xi32, #tpu.memory_space<vmem>>
    %dma_wait3A_1377 = tpu.memref_squeeze %dma_wait3A_1376 : memref<1x128xi32, #tpu.memory_space<vmem>> -> memref<128xi32, #tpu.memory_space<vmem>>
    %dma_wait3A_1378 = arith.constant 0 : i32
    %dma_wait3A_1379 = arith.constant 0 : i32
    %dma_wait3A_1380 = tpu.memref_slice %arg4[%dma_wait3A_1378, %dma_wait3A_1379] : memref<32768x128xf32, #tpu.memory_space<hbm>> -> memref<32768x128xf32, #tpu.memory_space<hbm>>
    tpu.wait_indirect_dma semaphore(%arg13 : memref<!tpu.dma_semaphore, #tpu.memory_space<semaphore_mem>>) src(%dma_wait3A_1380 : memref<32768x128xf32, #tpu.memory_space<hbm>>) dst(%dma_wait3A_1374 : memref<128x128xf32, #tpu.memory_space<vmem>>)
    %add3A_1381 = arith.constant 256 : i32
    %add3A_1382 = arith.addi %mul3A_2, %add3A_1381 : i32
    "tpu.region"() ({
      %run_scoped3A = tpu.sem_alloc : memref<!tpu.dma_semaphore, #tpu.memory_space<semaphore_mem>>
      %dma_start3A_1383 = arith.constant 0 : i32
      %dma_start3A_1384 = tpu.memref_slice %arg6[%add3A_1382, %dma_start3A_1383] : memref<16384x128xf32, #tpu.memory_space<hbm>> -> memref<256x128xf32, #tpu.memory_space<hbm>>
      %dma_start3A_1385 = arith.constant 0 : i32
      %dma_start3A_1386 = tpu.memref_slice %arg6[%add3A_1382, %dma_start3A_1385] : memref<16384x128xf32, #tpu.memory_space<hbm>> -> memref<256x128xf32, #tpu.memory_space<hbm>>
      tpu.enqueue_dma source(%arg10 : memref<256x128xf32, #tpu.memory_space<vmem>>) target(%dma_start3A_1386 : memref<256x128xf32, #tpu.memory_space<hbm>>) target_semaphore(%run_scoped3A : memref<!tpu.dma_semaphore, #tpu.memory_space<semaphore_mem>>)
      %dma_wait3A_1387 = arith.constant 0 : i32
      %dma_wait3A_1388 = tpu.memref_slice %arg6[%add3A_1382, %dma_wait3A_1387] : memref<16384x128xf32, #tpu.memory_space<hbm>> -> memref<256x128xf32, #tpu.memory_space<hbm>>
      %dma_wait3A_1389 = arith.constant 0 : i32
      %dma_wait3A_1390 = tpu.memref_slice %arg6[%add3A_1382, %dma_wait3A_1389] : memref<16384x128xf32, #tpu.memory_space<hbm>> -> memref<256x128xf32, #tpu.memory_space<hbm>>
      tpu.wait_dma2 semaphore(%run_scoped3A : memref<!tpu.dma_semaphore, #tpu.memory_space<semaphore_mem>>) src(%arg10 : memref<256x128xf32, #tpu.memory_space<vmem>>) dst(%dma_wait3A_1390 : memref<256x128xf32, #tpu.memory_space<hbm>>)
      tpu.yield
    }) : () -> ()
    "tpu.region"() ({
      %run_scoped3A = tpu.sem_alloc : memref<!tpu.dma_semaphore, #tpu.memory_space<semaphore_mem>>
      %dma_start3A_1383 = arith.constant 0 : i32
      %dma_start3A_1384 = tpu.memref_slice %arg7[%mul3A_2, %dma_start3A_1383] : memref<16384x16xf32, #tpu.memory_space<hbm>> -> memref<512x16xf32, #tpu.memory_space<hbm>>
      %dma_start3A_1385 = arith.constant 0 : i32
      %dma_start3A_1386 = tpu.memref_slice %arg7[%mul3A_2, %dma_start3A_1385] : memref<16384x16xf32, #tpu.memory_space<hbm>> -> memref<512x16xf32, #tpu.memory_space<hbm>>
      tpu.enqueue_dma source(%arg12 : memref<512x16xf32, #tpu.memory_space<vmem>>) target(%dma_start3A_1386 : memref<512x16xf32, #tpu.memory_space<hbm>>) target_semaphore(%run_scoped3A : memref<!tpu.dma_semaphore, #tpu.memory_space<semaphore_mem>>)
      %dma_wait3A_1387 = arith.constant 0 : i32
      %dma_wait3A_1388 = tpu.memref_slice %arg7[%mul3A_2, %dma_wait3A_1387] : memref<16384x16xf32, #tpu.memory_space<hbm>> -> memref<512x16xf32, #tpu.memory_space<hbm>>
      %dma_wait3A_1389 = arith.constant 0 : i32
      %dma_wait3A_1390 = tpu.memref_slice %arg7[%mul3A_2, %dma_wait3A_1389] : memref<16384x16xf32, #tpu.memory_space<hbm>> -> memref<512x16xf32, #tpu.memory_space<hbm>>
      tpu.wait_dma2 semaphore(%run_scoped3A : memref<!tpu.dma_semaphore, #tpu.memory_space<semaphore_mem>>) src(%arg12 : memref<512x16xf32, #tpu.memory_space<vmem>>) dst(%dma_wait3A_1390 : memref<512x16xf32, #tpu.memory_space<hbm>>)
      tpu.yield
    }) : () -> ()
    return
  }
}

module attributes {stable_mosaic.version = 14 : i64} {
  func.func @_knn_body(%arg0: i32, %arg1: i32, %arg2: memref<1x128x8xf32, #tpu.memory_space<vmem>>, %arg3: memref<1x8x8192xf32, #tpu.memory_space<vmem>>, %arg4: memref<1x128x16xi32, #tpu.memory_space<vmem>>) attributes {dimension_semantics = [#tpu.dimension_semantics<arbitrary>, #tpu.dimension_semantics<arbitrary>], iteration_bounds = array<i64: 4, 2>, scalar_prefetch = 0 : i64, scratch_operands = 0 : i64, tpu.core_type = #tpu.core_type<tc>, window_params = [{transform_indices = @transform_0, window_bounds = array<i64: 1, 128, 8>}, {transform_indices = @transform_1, window_bounds = array<i64: 1, 8, 8192>}, {transform_indices = @transform_2, window_bounds = array<i64: 1, 128, 16>}]} {
    %get3A = arith.constant 0 : index
    %get3A_0 = arith.constant 0 : index
    %get3A_1 = arith.constant 0 : index
    %get3A_2 = vector.load %arg2[%get3A, %get3A_0, %get3A_1] : memref<1x128x8xf32, #tpu.memory_space<vmem>>, vector<1x128x8xf32>
    %get3A_3 = vector.shape_cast %get3A_2 : vector<1x128x8xf32> to vector<128x8xf32>
    %get3A_4 = arith.constant 0 : index
    %get3A_5 = arith.constant 0 : index
    %get3A_6 = arith.constant 0 : index
    %get3A_7 = vector.load %arg3[%get3A_4, %get3A_5, %get3A_6] : memref<1x8x8192xf32, #tpu.memory_space<vmem>>, vector<1x8x8192xf32>
    %get3A_8 = vector.shape_cast %get3A_7 : vector<1x8x8192xf32> to vector<8x8192xf32>
    %broadcast_in_dim3A = arith.constant 0.000000e+00 : f32
    %broadcast_in_dim3A_9 = vector.broadcast %broadcast_in_dim3A : f32 to vector<128x8192xf32>
    %slice3A = vector.extract_strided_slice %get3A_3 {offsets = [0, 0], sizes = [128, 1], strides = [1, 1]} : vector<128x8xf32> to vector<128x1xf32>
    %slice3A_10 = vector.extract_strided_slice %get3A_8 {offsets = [0, 0], sizes = [1, 8192], strides = [1, 1]} : vector<8x8192xf32> to vector<1x8192xf32>
    %sub3A = vector.broadcast %slice3A : vector<128x1xf32> to vector<128x8192xf32>
    %sub3A_11 = vector.broadcast %slice3A_10 : vector<1x8192xf32> to vector<128x8192xf32>
    %sub3A_12 = arith.subf %sub3A, %sub3A_11 : vector<128x8192xf32>
    %mul3A = arith.mulf %sub3A_12, %sub3A_12 : vector<128x8192xf32>
    %add3A = arith.addf %broadcast_in_dim3A_9, %mul3A : vector<128x8192xf32>
    %slice3A_13 = vector.extract_strided_slice %get3A_3 {offsets = [0, 1], sizes = [128, 1], strides = [1, 1]} : vector<128x8xf32> to vector<128x1xf32>
    %slice3A_14 = vector.extract_strided_slice %get3A_8 {offsets = [1, 0], sizes = [1, 8192], strides = [1, 1]} : vector<8x8192xf32> to vector<1x8192xf32>
    %sub3A_15 = vector.broadcast %slice3A_13 : vector<128x1xf32> to vector<128x8192xf32>
    %sub3A_16 = vector.broadcast %slice3A_14 : vector<1x8192xf32> to vector<128x8192xf32>
    %sub3A_17 = arith.subf %sub3A_15, %sub3A_16 : vector<128x8192xf32>
    %mul3A_18 = arith.mulf %sub3A_17, %sub3A_17 : vector<128x8192xf32>
    %add3A_19 = arith.addf %add3A, %mul3A_18 : vector<128x8192xf32>
    %slice3A_20 = vector.extract_strided_slice %get3A_3 {offsets = [0, 2], sizes = [128, 1], strides = [1, 1]} : vector<128x8xf32> to vector<128x1xf32>
    %slice3A_21 = vector.extract_strided_slice %get3A_8 {offsets = [2, 0], sizes = [1, 8192], strides = [1, 1]} : vector<8x8192xf32> to vector<1x8192xf32>
    %sub3A_22 = vector.broadcast %slice3A_20 : vector<128x1xf32> to vector<128x8192xf32>
    %sub3A_23 = vector.broadcast %slice3A_21 : vector<1x8192xf32> to vector<128x8192xf32>
    %sub3A_24 = arith.subf %sub3A_22, %sub3A_23 : vector<128x8192xf32>
    %mul3A_25 = arith.mulf %sub3A_24, %sub3A_24 : vector<128x8192xf32>
    %add3A_26 = arith.addf %add3A_19, %mul3A_25 : vector<128x8192xf32>
    %iota3A = tpu.iota {dimensions = array<i32: 1>} : vector<128x2048xi32>
    %slice3A_27 = vector.extract_strided_slice %add3A_26 {offsets = [0, 0], sizes = [128, 2048], strides = [1, 1]} : vector<128x8192xf32> to vector<128x2048xf32>
    %slice3A_28 = vector.extract_strided_slice %add3A_26 {offsets = [0, 2048], sizes = [128, 2048], strides = [1, 1]} : vector<128x8192xf32> to vector<128x2048xf32>
    %slice3A_29 = vector.extract_strided_slice %add3A_26 {offsets = [0, 4096], sizes = [128, 2048], strides = [1, 1]} : vector<128x8192xf32> to vector<128x2048xf32>
    %slice3A_30 = vector.extract_strided_slice %add3A_26 {offsets = [0, 6144], sizes = [128, 2048], strides = [1, 1]} : vector<128x8192xf32> to vector<128x2048xf32>
    %add3A_31 = arith.constant 0 : i32
    %add3A_32 = vector.broadcast %add3A_31 : i32 to vector<128x2048xi32>
    %add3A_33 = arith.addi %iota3A, %add3A_32 : vector<128x2048xi32>
    %add3A_34 = arith.constant 2048 : i32
    %add3A_35 = vector.broadcast %add3A_34 : i32 to vector<128x2048xi32>
    %add3A_36 = arith.addi %iota3A, %add3A_35 : vector<128x2048xi32>
    %add3A_37 = arith.constant 4096 : i32
    %add3A_38 = vector.broadcast %add3A_37 : i32 to vector<128x2048xi32>
    %add3A_39 = arith.addi %iota3A, %add3A_38 : vector<128x2048xi32>
    %add3A_40 = arith.constant 6144 : i32
    %add3A_41 = vector.broadcast %add3A_40 : i32 to vector<128x2048xi32>
    %add3A_42 = arith.addi %iota3A, %add3A_41 : vector<128x2048xi32>
    %lt3A = arith.cmpf olt, %slice3A_28, %slice3A_27 : vector<128x2048xf32>
    %select_n3A = arith.select %lt3A, %slice3A_28, %slice3A_27 : vector<128x2048xi1>, vector<128x2048xf32>
    %select_n3A_43 = arith.select %lt3A, %slice3A_27, %slice3A_28 : vector<128x2048xi1>, vector<128x2048xf32>
    %select_n3A_44 = arith.select %lt3A, %add3A_36, %add3A_33 : vector<128x2048xi1>, vector<128x2048xi32>
    %select_n3A_45 = arith.select %lt3A, %add3A_33, %add3A_36 : vector<128x2048xi1>, vector<128x2048xi32>
    %lt3A_46 = arith.cmpf olt, %slice3A_30, %slice3A_29 : vector<128x2048xf32>
    %select_n3A_47 = arith.select %lt3A_46, %slice3A_30, %slice3A_29 : vector<128x2048xi1>, vector<128x2048xf32>
    %select_n3A_48 = arith.select %lt3A_46, %slice3A_29, %slice3A_30 : vector<128x2048xi1>, vector<128x2048xf32>
    %select_n3A_49 = arith.select %lt3A_46, %add3A_42, %add3A_39 : vector<128x2048xi1>, vector<128x2048xi32>
    %select_n3A_50 = arith.select %lt3A_46, %add3A_39, %add3A_42 : vector<128x2048xi1>, vector<128x2048xi32>
    %lt3A_51 = arith.cmpf olt, %select_n3A_47, %select_n3A : vector<128x2048xf32>
    %select_n3A_52 = arith.select %lt3A_51, %select_n3A_47, %select_n3A : vector<128x2048xi1>, vector<128x2048xf32>
    %select_n3A_53 = arith.select %lt3A_51, %select_n3A, %select_n3A_47 : vector<128x2048xi1>, vector<128x2048xf32>
    %select_n3A_54 = arith.select %lt3A_51, %select_n3A_49, %select_n3A_44 : vector<128x2048xi1>, vector<128x2048xi32>
    %select_n3A_55 = arith.select %lt3A_51, %select_n3A_44, %select_n3A_49 : vector<128x2048xi1>, vector<128x2048xi32>
    %lt3A_56 = arith.cmpf olt, %select_n3A_48, %select_n3A_43 : vector<128x2048xf32>
    %select_n3A_57 = arith.select %lt3A_56, %select_n3A_48, %select_n3A_43 : vector<128x2048xi1>, vector<128x2048xf32>
    %select_n3A_58 = arith.select %lt3A_56, %select_n3A_43, %select_n3A_48 : vector<128x2048xi1>, vector<128x2048xf32>
    %select_n3A_59 = arith.select %lt3A_56, %select_n3A_50, %select_n3A_45 : vector<128x2048xi1>, vector<128x2048xi32>
    %select_n3A_60 = arith.select %lt3A_56, %select_n3A_45, %select_n3A_50 : vector<128x2048xi1>, vector<128x2048xi32>
    %lt3A_61 = arith.cmpf olt, %select_n3A_53, %select_n3A_57 : vector<128x2048xf32>
    %select_n3A_62 = arith.select %lt3A_61, %select_n3A_53, %select_n3A_57 : vector<128x2048xi1>, vector<128x2048xf32>
    %select_n3A_63 = arith.select %lt3A_61, %select_n3A_57, %select_n3A_53 : vector<128x2048xi1>, vector<128x2048xf32>
    %select_n3A_64 = arith.select %lt3A_61, %select_n3A_55, %select_n3A_59 : vector<128x2048xi1>, vector<128x2048xi32>
    %select_n3A_65 = arith.select %lt3A_61, %select_n3A_59, %select_n3A_55 : vector<128x2048xi1>, vector<128x2048xi32>
    %reduce_min3A = arith.constant dense<0x7F800000> : vector<128xf32>
    %reduce_min3A_66 = vector.multi_reduction <minimumf>, %select_n3A_52, %reduce_min3A [1] : vector<128x2048xf32> to vector<128xf32>
    %broadcast_in_dim3A_67 = vector.shape_cast %reduce_min3A_66 : vector<128xf32> to vector<128x1xf32>
    %le3A = vector.broadcast %broadcast_in_dim3A_67 : vector<128x1xf32> to vector<128x2048xf32>
    %le3A_68 = arith.cmpf ole, %select_n3A_52, %le3A : vector<128x2048xf32>
    %jit3A = arith.constant 8192 : i32
    %broadcast_in_dim3A_69 = vector.broadcast %jit3A : i32 to vector<128x2048xi32>
    %select_n3A_70 = arith.select %le3A_68, %select_n3A_54, %broadcast_in_dim3A_69 : vector<128x2048xi1>, vector<128x2048xi32>
    %reduce_min3A_71 = arith.constant dense<2147483647> : vector<128xi32>
    %reduce_min3A_72 = vector.multi_reduction <minsi>, %select_n3A_70, %reduce_min3A_71 [1] : vector<128x2048xi32> to vector<128xi32>
    %broadcast_in_dim3A_73 = vector.shape_cast %reduce_min3A_72 : vector<128xi32> to vector<128x1xi32>
    %select_n3A_74 = arith.select %le3A_68, %select_n3A_62, %select_n3A_52 : vector<128x2048xi1>, vector<128x2048xf32>
    %select_n3A_75 = arith.select %le3A_68, %select_n3A_64, %select_n3A_54 : vector<128x2048xi1>, vector<128x2048xi32>
    %select_n3A_76 = arith.select %le3A_68, %select_n3A_63, %select_n3A_62 : vector<128x2048xi1>, vector<128x2048xf32>
    %select_n3A_77 = arith.select %le3A_68, %select_n3A_65, %select_n3A_64 : vector<128x2048xi1>, vector<128x2048xi32>
    %select_n3A_78 = arith.select %le3A_68, %select_n3A_58, %select_n3A_63 : vector<128x2048xi1>, vector<128x2048xf32>
    %select_n3A_79 = arith.select %le3A_68, %select_n3A_60, %select_n3A_65 : vector<128x2048xi1>, vector<128x2048xi32>
    %jit3A_80 = arith.constant 3.400000e+38 : f32
    %broadcast_in_dim3A_81 = vector.broadcast %jit3A_80 : f32 to vector<128x2048xf32>
    %select_n3A_82 = arith.select %le3A_68, %broadcast_in_dim3A_81, %select_n3A_58 : vector<128x2048xi1>, vector<128x2048xf32>
    %reduce_min3A_83 = arith.constant dense<0x7F800000> : vector<128xf32>
    %reduce_min3A_84 = vector.multi_reduction <minimumf>, %select_n3A_74, %reduce_min3A_83 [1] : vector<128x2048xf32> to vector<128xf32>
    %broadcast_in_dim3A_85 = vector.shape_cast %reduce_min3A_84 : vector<128xf32> to vector<128x1xf32>
    %le3A_86 = vector.broadcast %broadcast_in_dim3A_85 : vector<128x1xf32> to vector<128x2048xf32>
    %le3A_87 = arith.cmpf ole, %select_n3A_74, %le3A_86 : vector<128x2048xf32>
    %jit3A_88 = arith.constant 8192 : i32
    %broadcast_in_dim3A_89 = vector.broadcast %jit3A_88 : i32 to vector<128x2048xi32>
    %select_n3A_90 = arith.select %le3A_87, %select_n3A_75, %broadcast_in_dim3A_89 : vector<128x2048xi1>, vector<128x2048xi32>
    %reduce_min3A_91 = arith.constant dense<2147483647> : vector<128xi32>
    %reduce_min3A_92 = vector.multi_reduction <minsi>, %select_n3A_90, %reduce_min3A_91 [1] : vector<128x2048xi32> to vector<128xi32>
    %broadcast_in_dim3A_93 = vector.shape_cast %reduce_min3A_92 : vector<128xi32> to vector<128x1xi32>
    %select_n3A_94 = arith.select %le3A_87, %select_n3A_76, %select_n3A_74 : vector<128x2048xi1>, vector<128x2048xf32>
    %select_n3A_95 = arith.select %le3A_87, %select_n3A_77, %select_n3A_75 : vector<128x2048xi1>, vector<128x2048xi32>
    %select_n3A_96 = arith.select %le3A_87, %select_n3A_78, %select_n3A_76 : vector<128x2048xi1>, vector<128x2048xf32>
    %select_n3A_97 = arith.select %le3A_87, %select_n3A_79, %select_n3A_77 : vector<128x2048xi1>, vector<128x2048xi32>
    %select_n3A_98 = arith.select %le3A_87, %select_n3A_82, %select_n3A_78 : vector<128x2048xi1>, vector<128x2048xf32>
    %select_n3A_99 = arith.select %le3A_87, %select_n3A_60, %select_n3A_79 : vector<128x2048xi1>, vector<128x2048xi32>
    %jit3A_100 = arith.constant 3.400000e+38 : f32
    %broadcast_in_dim3A_101 = vector.broadcast %jit3A_100 : f32 to vector<128x2048xf32>
    %select_n3A_102 = arith.select %le3A_87, %broadcast_in_dim3A_101, %select_n3A_82 : vector<128x2048xi1>, vector<128x2048xf32>
    %reduce_min3A_103 = arith.constant dense<0x7F800000> : vector<128xf32>
    %reduce_min3A_104 = vector.multi_reduction <minimumf>, %select_n3A_94, %reduce_min3A_103 [1] : vector<128x2048xf32> to vector<128xf32>
    %broadcast_in_dim3A_105 = vector.shape_cast %reduce_min3A_104 : vector<128xf32> to vector<128x1xf32>
    %le3A_106 = vector.broadcast %broadcast_in_dim3A_105 : vector<128x1xf32> to vector<128x2048xf32>
    %le3A_107 = arith.cmpf ole, %select_n3A_94, %le3A_106 : vector<128x2048xf32>
    %jit3A_108 = arith.constant 8192 : i32
    %broadcast_in_dim3A_109 = vector.broadcast %jit3A_108 : i32 to vector<128x2048xi32>
    %select_n3A_110 = arith.select %le3A_107, %select_n3A_95, %broadcast_in_dim3A_109 : vector<128x2048xi1>, vector<128x2048xi32>
    %reduce_min3A_111 = arith.constant dense<2147483647> : vector<128xi32>
    %reduce_min3A_112 = vector.multi_reduction <minsi>, %select_n3A_110, %reduce_min3A_111 [1] : vector<128x2048xi32> to vector<128xi32>
    %broadcast_in_dim3A_113 = vector.shape_cast %reduce_min3A_112 : vector<128xi32> to vector<128x1xi32>
    %select_n3A_114 = arith.select %le3A_107, %select_n3A_96, %select_n3A_94 : vector<128x2048xi1>, vector<128x2048xf32>
    %select_n3A_115 = arith.select %le3A_107, %select_n3A_97, %select_n3A_95 : vector<128x2048xi1>, vector<128x2048xi32>
    %select_n3A_116 = arith.select %le3A_107, %select_n3A_98, %select_n3A_96 : vector<128x2048xi1>, vector<128x2048xf32>
    %select_n3A_117 = arith.select %le3A_107, %select_n3A_99, %select_n3A_97 : vector<128x2048xi1>, vector<128x2048xi32>
    %select_n3A_118 = arith.select %le3A_107, %select_n3A_102, %select_n3A_98 : vector<128x2048xi1>, vector<128x2048xf32>
    %select_n3A_119 = arith.select %le3A_107, %select_n3A_60, %select_n3A_99 : vector<128x2048xi1>, vector<128x2048xi32>
    %jit3A_120 = arith.constant 3.400000e+38 : f32
    %broadcast_in_dim3A_121 = vector.broadcast %jit3A_120 : f32 to vector<128x2048xf32>
    %select_n3A_122 = arith.select %le3A_107, %broadcast_in_dim3A_121, %select_n3A_102 : vector<128x2048xi1>, vector<128x2048xf32>
    %reduce_min3A_123 = arith.constant dense<0x7F800000> : vector<128xf32>
    %reduce_min3A_124 = vector.multi_reduction <minimumf>, %select_n3A_114, %reduce_min3A_123 [1] : vector<128x2048xf32> to vector<128xf32>
    %broadcast_in_dim3A_125 = vector.shape_cast %reduce_min3A_124 : vector<128xf32> to vector<128x1xf32>
    %le3A_126 = vector.broadcast %broadcast_in_dim3A_125 : vector<128x1xf32> to vector<128x2048xf32>
    %le3A_127 = arith.cmpf ole, %select_n3A_114, %le3A_126 : vector<128x2048xf32>
    %jit3A_128 = arith.constant 8192 : i32
    %broadcast_in_dim3A_129 = vector.broadcast %jit3A_128 : i32 to vector<128x2048xi32>
    %select_n3A_130 = arith.select %le3A_127, %select_n3A_115, %broadcast_in_dim3A_129 : vector<128x2048xi1>, vector<128x2048xi32>
    %reduce_min3A_131 = arith.constant dense<2147483647> : vector<128xi32>
    %reduce_min3A_132 = vector.multi_reduction <minsi>, %select_n3A_130, %reduce_min3A_131 [1] : vector<128x2048xi32> to vector<128xi32>
    %broadcast_in_dim3A_133 = vector.shape_cast %reduce_min3A_132 : vector<128xi32> to vector<128x1xi32>
    %select_n3A_134 = arith.select %le3A_127, %select_n3A_116, %select_n3A_114 : vector<128x2048xi1>, vector<128x2048xf32>
    %select_n3A_135 = arith.select %le3A_127, %select_n3A_117, %select_n3A_115 : vector<128x2048xi1>, vector<128x2048xi32>
    %select_n3A_136 = arith.select %le3A_127, %select_n3A_118, %select_n3A_116 : vector<128x2048xi1>, vector<128x2048xf32>
    %select_n3A_137 = arith.select %le3A_127, %select_n3A_119, %select_n3A_117 : vector<128x2048xi1>, vector<128x2048xi32>
    %select_n3A_138 = arith.select %le3A_127, %select_n3A_122, %select_n3A_118 : vector<128x2048xi1>, vector<128x2048xf32>
    %select_n3A_139 = arith.select %le3A_127, %select_n3A_60, %select_n3A_119 : vector<128x2048xi1>, vector<128x2048xi32>
    %jit3A_140 = arith.constant 3.400000e+38 : f32
    %broadcast_in_dim3A_141 = vector.broadcast %jit3A_140 : f32 to vector<128x2048xf32>
    %select_n3A_142 = arith.select %le3A_127, %broadcast_in_dim3A_141, %select_n3A_122 : vector<128x2048xi1>, vector<128x2048xf32>
    %reduce_min3A_143 = arith.constant dense<0x7F800000> : vector<128xf32>
    %reduce_min3A_144 = vector.multi_reduction <minimumf>, %select_n3A_134, %reduce_min3A_143 [1] : vector<128x2048xf32> to vector<128xf32>
    %broadcast_in_dim3A_145 = vector.shape_cast %reduce_min3A_144 : vector<128xf32> to vector<128x1xf32>
    %le3A_146 = vector.broadcast %broadcast_in_dim3A_145 : vector<128x1xf32> to vector<128x2048xf32>
    %le3A_147 = arith.cmpf ole, %select_n3A_134, %le3A_146 : vector<128x2048xf32>
    %jit3A_148 = arith.constant 8192 : i32
    %broadcast_in_dim3A_149 = vector.broadcast %jit3A_148 : i32 to vector<128x2048xi32>
    %select_n3A_150 = arith.select %le3A_147, %select_n3A_135, %broadcast_in_dim3A_149 : vector<128x2048xi1>, vector<128x2048xi32>
    %reduce_min3A_151 = arith.constant dense<2147483647> : vector<128xi32>
    %reduce_min3A_152 = vector.multi_reduction <minsi>, %select_n3A_150, %reduce_min3A_151 [1] : vector<128x2048xi32> to vector<128xi32>
    %broadcast_in_dim3A_153 = vector.shape_cast %reduce_min3A_152 : vector<128xi32> to vector<128x1xi32>
    %select_n3A_154 = arith.select %le3A_147, %select_n3A_136, %select_n3A_134 : vector<128x2048xi1>, vector<128x2048xf32>
    %select_n3A_155 = arith.select %le3A_147, %select_n3A_137, %select_n3A_135 : vector<128x2048xi1>, vector<128x2048xi32>
    %select_n3A_156 = arith.select %le3A_147, %select_n3A_138, %select_n3A_136 : vector<128x2048xi1>, vector<128x2048xf32>
    %select_n3A_157 = arith.select %le3A_147, %select_n3A_139, %select_n3A_137 : vector<128x2048xi1>, vector<128x2048xi32>
    %select_n3A_158 = arith.select %le3A_147, %select_n3A_142, %select_n3A_138 : vector<128x2048xi1>, vector<128x2048xf32>
    %select_n3A_159 = arith.select %le3A_147, %select_n3A_60, %select_n3A_139 : vector<128x2048xi1>, vector<128x2048xi32>
    %jit3A_160 = arith.constant 3.400000e+38 : f32
    %broadcast_in_dim3A_161 = vector.broadcast %jit3A_160 : f32 to vector<128x2048xf32>
    %select_n3A_162 = arith.select %le3A_147, %broadcast_in_dim3A_161, %select_n3A_142 : vector<128x2048xi1>, vector<128x2048xf32>
    %reduce_min3A_163 = arith.constant dense<0x7F800000> : vector<128xf32>
    %reduce_min3A_164 = vector.multi_reduction <minimumf>, %select_n3A_154, %reduce_min3A_163 [1] : vector<128x2048xf32> to vector<128xf32>
    %broadcast_in_dim3A_165 = vector.shape_cast %reduce_min3A_164 : vector<128xf32> to vector<128x1xf32>
    %le3A_166 = vector.broadcast %broadcast_in_dim3A_165 : vector<128x1xf32> to vector<128x2048xf32>
    %le3A_167 = arith.cmpf ole, %select_n3A_154, %le3A_166 : vector<128x2048xf32>
    %jit3A_168 = arith.constant 8192 : i32
    %broadcast_in_dim3A_169 = vector.broadcast %jit3A_168 : i32 to vector<128x2048xi32>
    %select_n3A_170 = arith.select %le3A_167, %select_n3A_155, %broadcast_in_dim3A_169 : vector<128x2048xi1>, vector<128x2048xi32>
    %reduce_min3A_171 = arith.constant dense<2147483647> : vector<128xi32>
    %reduce_min3A_172 = vector.multi_reduction <minsi>, %select_n3A_170, %reduce_min3A_171 [1] : vector<128x2048xi32> to vector<128xi32>
    %broadcast_in_dim3A_173 = vector.shape_cast %reduce_min3A_172 : vector<128xi32> to vector<128x1xi32>
    %select_n3A_174 = arith.select %le3A_167, %select_n3A_156, %select_n3A_154 : vector<128x2048xi1>, vector<128x2048xf32>
    %select_n3A_175 = arith.select %le3A_167, %select_n3A_157, %select_n3A_155 : vector<128x2048xi1>, vector<128x2048xi32>
    %select_n3A_176 = arith.select %le3A_167, %select_n3A_158, %select_n3A_156 : vector<128x2048xi1>, vector<128x2048xf32>
    %select_n3A_177 = arith.select %le3A_167, %select_n3A_159, %select_n3A_157 : vector<128x2048xi1>, vector<128x2048xi32>
    %select_n3A_178 = arith.select %le3A_167, %select_n3A_162, %select_n3A_158 : vector<128x2048xi1>, vector<128x2048xf32>
    %select_n3A_179 = arith.select %le3A_167, %select_n3A_60, %select_n3A_159 : vector<128x2048xi1>, vector<128x2048xi32>
    %jit3A_180 = arith.constant 3.400000e+38 : f32
    %broadcast_in_dim3A_181 = vector.broadcast %jit3A_180 : f32 to vector<128x2048xf32>
    %select_n3A_182 = arith.select %le3A_167, %broadcast_in_dim3A_181, %select_n3A_162 : vector<128x2048xi1>, vector<128x2048xf32>
    %reduce_min3A_183 = arith.constant dense<0x7F800000> : vector<128xf32>
    %reduce_min3A_184 = vector.multi_reduction <minimumf>, %select_n3A_174, %reduce_min3A_183 [1] : vector<128x2048xf32> to vector<128xf32>
    %broadcast_in_dim3A_185 = vector.shape_cast %reduce_min3A_184 : vector<128xf32> to vector<128x1xf32>
    %le3A_186 = vector.broadcast %broadcast_in_dim3A_185 : vector<128x1xf32> to vector<128x2048xf32>
    %le3A_187 = arith.cmpf ole, %select_n3A_174, %le3A_186 : vector<128x2048xf32>
    %jit3A_188 = arith.constant 8192 : i32
    %broadcast_in_dim3A_189 = vector.broadcast %jit3A_188 : i32 to vector<128x2048xi32>
    %select_n3A_190 = arith.select %le3A_187, %select_n3A_175, %broadcast_in_dim3A_189 : vector<128x2048xi1>, vector<128x2048xi32>
    %reduce_min3A_191 = arith.constant dense<2147483647> : vector<128xi32>
    %reduce_min3A_192 = vector.multi_reduction <minsi>, %select_n3A_190, %reduce_min3A_191 [1] : vector<128x2048xi32> to vector<128xi32>
    %broadcast_in_dim3A_193 = vector.shape_cast %reduce_min3A_192 : vector<128xi32> to vector<128x1xi32>
    %select_n3A_194 = arith.select %le3A_187, %select_n3A_176, %select_n3A_174 : vector<128x2048xi1>, vector<128x2048xf32>
    %select_n3A_195 = arith.select %le3A_187, %select_n3A_177, %select_n3A_175 : vector<128x2048xi1>, vector<128x2048xi32>
    %select_n3A_196 = arith.select %le3A_187, %select_n3A_178, %select_n3A_176 : vector<128x2048xi1>, vector<128x2048xf32>
    %select_n3A_197 = arith.select %le3A_187, %select_n3A_179, %select_n3A_177 : vector<128x2048xi1>, vector<128x2048xi32>
    %select_n3A_198 = arith.select %le3A_187, %select_n3A_182, %select_n3A_178 : vector<128x2048xi1>, vector<128x2048xf32>
    %select_n3A_199 = arith.select %le3A_187, %select_n3A_60, %select_n3A_179 : vector<128x2048xi1>, vector<128x2048xi32>
    %jit3A_200 = arith.constant 3.400000e+38 : f32
    %broadcast_in_dim3A_201 = vector.broadcast %jit3A_200 : f32 to vector<128x2048xf32>
    %select_n3A_202 = arith.select %le3A_187, %broadcast_in_dim3A_201, %select_n3A_182 : vector<128x2048xi1>, vector<128x2048xf32>
    %reduce_min3A_203 = arith.constant dense<0x7F800000> : vector<128xf32>
    %reduce_min3A_204 = vector.multi_reduction <minimumf>, %select_n3A_194, %reduce_min3A_203 [1] : vector<128x2048xf32> to vector<128xf32>
    %broadcast_in_dim3A_205 = vector.shape_cast %reduce_min3A_204 : vector<128xf32> to vector<128x1xf32>
    %le3A_206 = vector.broadcast %broadcast_in_dim3A_205 : vector<128x1xf32> to vector<128x2048xf32>
    %le3A_207 = arith.cmpf ole, %select_n3A_194, %le3A_206 : vector<128x2048xf32>
    %jit3A_208 = arith.constant 8192 : i32
    %broadcast_in_dim3A_209 = vector.broadcast %jit3A_208 : i32 to vector<128x2048xi32>
    %select_n3A_210 = arith.select %le3A_207, %select_n3A_195, %broadcast_in_dim3A_209 : vector<128x2048xi1>, vector<128x2048xi32>
    %reduce_min3A_211 = arith.constant dense<2147483647> : vector<128xi32>
    %reduce_min3A_212 = vector.multi_reduction <minsi>, %select_n3A_210, %reduce_min3A_211 [1] : vector<128x2048xi32> to vector<128xi32>
    %broadcast_in_dim3A_213 = vector.shape_cast %reduce_min3A_212 : vector<128xi32> to vector<128x1xi32>
    %select_n3A_214 = arith.select %le3A_207, %select_n3A_196, %select_n3A_194 : vector<128x2048xi1>, vector<128x2048xf32>
    %select_n3A_215 = arith.select %le3A_207, %select_n3A_197, %select_n3A_195 : vector<128x2048xi1>, vector<128x2048xi32>
    %select_n3A_216 = arith.select %le3A_207, %select_n3A_198, %select_n3A_196 : vector<128x2048xi1>, vector<128x2048xf32>
    %select_n3A_217 = arith.select %le3A_207, %select_n3A_199, %select_n3A_197 : vector<128x2048xi1>, vector<128x2048xi32>
    %select_n3A_218 = arith.select %le3A_207, %select_n3A_202, %select_n3A_198 : vector<128x2048xi1>, vector<128x2048xf32>
    %select_n3A_219 = arith.select %le3A_207, %select_n3A_60, %select_n3A_199 : vector<128x2048xi1>, vector<128x2048xi32>
    %jit3A_220 = arith.constant 3.400000e+38 : f32
    %broadcast_in_dim3A_221 = vector.broadcast %jit3A_220 : f32 to vector<128x2048xf32>
    %select_n3A_222 = arith.select %le3A_207, %broadcast_in_dim3A_221, %select_n3A_202 : vector<128x2048xi1>, vector<128x2048xf32>
    %reduce_min3A_223 = arith.constant dense<0x7F800000> : vector<128xf32>
    %reduce_min3A_224 = vector.multi_reduction <minimumf>, %select_n3A_214, %reduce_min3A_223 [1] : vector<128x2048xf32> to vector<128xf32>
    %broadcast_in_dim3A_225 = vector.shape_cast %reduce_min3A_224 : vector<128xf32> to vector<128x1xf32>
    %le3A_226 = vector.broadcast %broadcast_in_dim3A_225 : vector<128x1xf32> to vector<128x2048xf32>
    %le3A_227 = arith.cmpf ole, %select_n3A_214, %le3A_226 : vector<128x2048xf32>
    %jit3A_228 = arith.constant 8192 : i32
    %broadcast_in_dim3A_229 = vector.broadcast %jit3A_228 : i32 to vector<128x2048xi32>
    %select_n3A_230 = arith.select %le3A_227, %select_n3A_215, %broadcast_in_dim3A_229 : vector<128x2048xi1>, vector<128x2048xi32>
    %reduce_min3A_231 = arith.constant dense<2147483647> : vector<128xi32>
    %reduce_min3A_232 = vector.multi_reduction <minsi>, %select_n3A_230, %reduce_min3A_231 [1] : vector<128x2048xi32> to vector<128xi32>
    %broadcast_in_dim3A_233 = vector.shape_cast %reduce_min3A_232 : vector<128xi32> to vector<128x1xi32>
    %select_n3A_234 = arith.select %le3A_227, %select_n3A_216, %select_n3A_214 : vector<128x2048xi1>, vector<128x2048xf32>
    %select_n3A_235 = arith.select %le3A_227, %select_n3A_217, %select_n3A_215 : vector<128x2048xi1>, vector<128x2048xi32>
    %select_n3A_236 = arith.select %le3A_227, %select_n3A_218, %select_n3A_216 : vector<128x2048xi1>, vector<128x2048xf32>
    %select_n3A_237 = arith.select %le3A_227, %select_n3A_219, %select_n3A_217 : vector<128x2048xi1>, vector<128x2048xi32>
    %select_n3A_238 = arith.select %le3A_227, %select_n3A_222, %select_n3A_218 : vector<128x2048xi1>, vector<128x2048xf32>
    %select_n3A_239 = arith.select %le3A_227, %select_n3A_60, %select_n3A_219 : vector<128x2048xi1>, vector<128x2048xi32>
    %jit3A_240 = arith.constant 3.400000e+38 : f32
    %broadcast_in_dim3A_241 = vector.broadcast %jit3A_240 : f32 to vector<128x2048xf32>
    %select_n3A_242 = arith.select %le3A_227, %broadcast_in_dim3A_241, %select_n3A_222 : vector<128x2048xi1>, vector<128x2048xf32>
    %reduce_min3A_243 = arith.constant dense<0x7F800000> : vector<128xf32>
    %reduce_min3A_244 = vector.multi_reduction <minimumf>, %select_n3A_234, %reduce_min3A_243 [1] : vector<128x2048xf32> to vector<128xf32>
    %broadcast_in_dim3A_245 = vector.shape_cast %reduce_min3A_244 : vector<128xf32> to vector<128x1xf32>
    %le3A_246 = vector.broadcast %broadcast_in_dim3A_245 : vector<128x1xf32> to vector<128x2048xf32>
    %le3A_247 = arith.cmpf ole, %select_n3A_234, %le3A_246 : vector<128x2048xf32>
    %jit3A_248 = arith.constant 8192 : i32
    %broadcast_in_dim3A_249 = vector.broadcast %jit3A_248 : i32 to vector<128x2048xi32>
    %select_n3A_250 = arith.select %le3A_247, %select_n3A_235, %broadcast_in_dim3A_249 : vector<128x2048xi1>, vector<128x2048xi32>
    %reduce_min3A_251 = arith.constant dense<2147483647> : vector<128xi32>
    %reduce_min3A_252 = vector.multi_reduction <minsi>, %select_n3A_250, %reduce_min3A_251 [1] : vector<128x2048xi32> to vector<128xi32>
    %broadcast_in_dim3A_253 = vector.shape_cast %reduce_min3A_252 : vector<128xi32> to vector<128x1xi32>
    %select_n3A_254 = arith.select %le3A_247, %select_n3A_236, %select_n3A_234 : vector<128x2048xi1>, vector<128x2048xf32>
    %select_n3A_255 = arith.select %le3A_247, %select_n3A_237, %select_n3A_235 : vector<128x2048xi1>, vector<128x2048xi32>
    %select_n3A_256 = arith.select %le3A_247, %select_n3A_238, %select_n3A_236 : vector<128x2048xi1>, vector<128x2048xf32>
    %select_n3A_257 = arith.select %le3A_247, %select_n3A_239, %select_n3A_237 : vector<128x2048xi1>, vector<128x2048xi32>
    %select_n3A_258 = arith.select %le3A_247, %select_n3A_242, %select_n3A_238 : vector<128x2048xi1>, vector<128x2048xf32>
    %select_n3A_259 = arith.select %le3A_247, %select_n3A_60, %select_n3A_239 : vector<128x2048xi1>, vector<128x2048xi32>
    %jit3A_260 = arith.constant 3.400000e+38 : f32
    %broadcast_in_dim3A_261 = vector.broadcast %jit3A_260 : f32 to vector<128x2048xf32>
    %select_n3A_262 = arith.select %le3A_247, %broadcast_in_dim3A_261, %select_n3A_242 : vector<128x2048xi1>, vector<128x2048xf32>
    %reduce_min3A_263 = arith.constant dense<0x7F800000> : vector<128xf32>
    %reduce_min3A_264 = vector.multi_reduction <minimumf>, %select_n3A_254, %reduce_min3A_263 [1] : vector<128x2048xf32> to vector<128xf32>
    %broadcast_in_dim3A_265 = vector.shape_cast %reduce_min3A_264 : vector<128xf32> to vector<128x1xf32>
    %le3A_266 = vector.broadcast %broadcast_in_dim3A_265 : vector<128x1xf32> to vector<128x2048xf32>
    %le3A_267 = arith.cmpf ole, %select_n3A_254, %le3A_266 : vector<128x2048xf32>
    %jit3A_268 = arith.constant 8192 : i32
    %broadcast_in_dim3A_269 = vector.broadcast %jit3A_268 : i32 to vector<128x2048xi32>
    %select_n3A_270 = arith.select %le3A_267, %select_n3A_255, %broadcast_in_dim3A_269 : vector<128x2048xi1>, vector<128x2048xi32>
    %reduce_min3A_271 = arith.constant dense<2147483647> : vector<128xi32>
    %reduce_min3A_272 = vector.multi_reduction <minsi>, %select_n3A_270, %reduce_min3A_271 [1] : vector<128x2048xi32> to vector<128xi32>
    %broadcast_in_dim3A_273 = vector.shape_cast %reduce_min3A_272 : vector<128xi32> to vector<128x1xi32>
    %select_n3A_274 = arith.select %le3A_267, %select_n3A_256, %select_n3A_254 : vector<128x2048xi1>, vector<128x2048xf32>
    %select_n3A_275 = arith.select %le3A_267, %select_n3A_257, %select_n3A_255 : vector<128x2048xi1>, vector<128x2048xi32>
    %select_n3A_276 = arith.select %le3A_267, %select_n3A_258, %select_n3A_256 : vector<128x2048xi1>, vector<128x2048xf32>
    %select_n3A_277 = arith.select %le3A_267, %select_n3A_259, %select_n3A_257 : vector<128x2048xi1>, vector<128x2048xi32>
    %select_n3A_278 = arith.select %le3A_267, %select_n3A_262, %select_n3A_258 : vector<128x2048xi1>, vector<128x2048xf32>
    %select_n3A_279 = arith.select %le3A_267, %select_n3A_60, %select_n3A_259 : vector<128x2048xi1>, vector<128x2048xi32>
    %jit3A_280 = arith.constant 3.400000e+38 : f32
    %broadcast_in_dim3A_281 = vector.broadcast %jit3A_280 : f32 to vector<128x2048xf32>
    %select_n3A_282 = arith.select %le3A_267, %broadcast_in_dim3A_281, %select_n3A_262 : vector<128x2048xi1>, vector<128x2048xf32>
    %reduce_min3A_283 = arith.constant dense<0x7F800000> : vector<128xf32>
    %reduce_min3A_284 = vector.multi_reduction <minimumf>, %select_n3A_274, %reduce_min3A_283 [1] : vector<128x2048xf32> to vector<128xf32>
    %broadcast_in_dim3A_285 = vector.shape_cast %reduce_min3A_284 : vector<128xf32> to vector<128x1xf32>
    %le3A_286 = vector.broadcast %broadcast_in_dim3A_285 : vector<128x1xf32> to vector<128x2048xf32>
    %le3A_287 = arith.cmpf ole, %select_n3A_274, %le3A_286 : vector<128x2048xf32>
    %jit3A_288 = arith.constant 8192 : i32
    %broadcast_in_dim3A_289 = vector.broadcast %jit3A_288 : i32 to vector<128x2048xi32>
    %select_n3A_290 = arith.select %le3A_287, %select_n3A_275, %broadcast_in_dim3A_289 : vector<128x2048xi1>, vector<128x2048xi32>
    %reduce_min3A_291 = arith.constant dense<2147483647> : vector<128xi32>
    %reduce_min3A_292 = vector.multi_reduction <minsi>, %select_n3A_290, %reduce_min3A_291 [1] : vector<128x2048xi32> to vector<128xi32>
    %broadcast_in_dim3A_293 = vector.shape_cast %reduce_min3A_292 : vector<128xi32> to vector<128x1xi32>
    %select_n3A_294 = arith.select %le3A_287, %select_n3A_276, %select_n3A_274 : vector<128x2048xi1>, vector<128x2048xf32>
    %select_n3A_295 = arith.select %le3A_287, %select_n3A_277, %select_n3A_275 : vector<128x2048xi1>, vector<128x2048xi32>
    %select_n3A_296 = arith.select %le3A_287, %select_n3A_278, %select_n3A_276 : vector<128x2048xi1>, vector<128x2048xf32>
    %select_n3A_297 = arith.select %le3A_287, %select_n3A_279, %select_n3A_277 : vector<128x2048xi1>, vector<128x2048xi32>
    %select_n3A_298 = arith.select %le3A_287, %select_n3A_282, %select_n3A_278 : vector<128x2048xi1>, vector<128x2048xf32>
    %select_n3A_299 = arith.select %le3A_287, %select_n3A_60, %select_n3A_279 : vector<128x2048xi1>, vector<128x2048xi32>
    %jit3A_300 = arith.constant 3.400000e+38 : f32
    %broadcast_in_dim3A_301 = vector.broadcast %jit3A_300 : f32 to vector<128x2048xf32>
    %select_n3A_302 = arith.select %le3A_287, %broadcast_in_dim3A_301, %select_n3A_282 : vector<128x2048xi1>, vector<128x2048xf32>
    %reduce_min3A_303 = arith.constant dense<0x7F800000> : vector<128xf32>
    %reduce_min3A_304 = vector.multi_reduction <minimumf>, %select_n3A_294, %reduce_min3A_303 [1] : vector<128x2048xf32> to vector<128xf32>
    %broadcast_in_dim3A_305 = vector.shape_cast %reduce_min3A_304 : vector<128xf32> to vector<128x1xf32>
    %le3A_306 = vector.broadcast %broadcast_in_dim3A_305 : vector<128x1xf32> to vector<128x2048xf32>
    %le3A_307 = arith.cmpf ole, %select_n3A_294, %le3A_306 : vector<128x2048xf32>
    %jit3A_308 = arith.constant 8192 : i32
    %broadcast_in_dim3A_309 = vector.broadcast %jit3A_308 : i32 to vector<128x2048xi32>
    %select_n3A_310 = arith.select %le3A_307, %select_n3A_295, %broadcast_in_dim3A_309 : vector<128x2048xi1>, vector<128x2048xi32>
    %reduce_min3A_311 = arith.constant dense<2147483647> : vector<128xi32>
    %reduce_min3A_312 = vector.multi_reduction <minsi>, %select_n3A_310, %reduce_min3A_311 [1] : vector<128x2048xi32> to vector<128xi32>
    %broadcast_in_dim3A_313 = vector.shape_cast %reduce_min3A_312 : vector<128xi32> to vector<128x1xi32>
    %select_n3A_314 = arith.select %le3A_307, %select_n3A_296, %select_n3A_294 : vector<128x2048xi1>, vector<128x2048xf32>
    %select_n3A_315 = arith.select %le3A_307, %select_n3A_297, %select_n3A_295 : vector<128x2048xi1>, vector<128x2048xi32>
    %select_n3A_316 = arith.select %le3A_307, %select_n3A_298, %select_n3A_296 : vector<128x2048xi1>, vector<128x2048xf32>
    %select_n3A_317 = arith.select %le3A_307, %select_n3A_299, %select_n3A_297 : vector<128x2048xi1>, vector<128x2048xi32>
    %select_n3A_318 = arith.select %le3A_307, %select_n3A_302, %select_n3A_298 : vector<128x2048xi1>, vector<128x2048xf32>
    %select_n3A_319 = arith.select %le3A_307, %select_n3A_60, %select_n3A_299 : vector<128x2048xi1>, vector<128x2048xi32>
    %reduce_min3A_320 = arith.constant dense<0x7F800000> : vector<128xf32>
    %reduce_min3A_321 = vector.multi_reduction <minimumf>, %select_n3A_314, %reduce_min3A_320 [1] : vector<128x2048xf32> to vector<128xf32>
    %broadcast_in_dim3A_322 = vector.shape_cast %reduce_min3A_321 : vector<128xf32> to vector<128x1xf32>
    %le3A_323 = vector.broadcast %broadcast_in_dim3A_322 : vector<128x1xf32> to vector<128x2048xf32>
    %le3A_324 = arith.cmpf ole, %select_n3A_314, %le3A_323 : vector<128x2048xf32>
    %jit3A_325 = arith.constant 8192 : i32
    %broadcast_in_dim3A_326 = vector.broadcast %jit3A_325 : i32 to vector<128x2048xi32>
    %select_n3A_327 = arith.select %le3A_324, %select_n3A_315, %broadcast_in_dim3A_326 : vector<128x2048xi1>, vector<128x2048xi32>
    %reduce_min3A_328 = arith.constant dense<2147483647> : vector<128xi32>
    %reduce_min3A_329 = vector.multi_reduction <minsi>, %select_n3A_327, %reduce_min3A_328 [1] : vector<128x2048xi32> to vector<128xi32>
    %broadcast_in_dim3A_330 = vector.shape_cast %reduce_min3A_329 : vector<128xi32> to vector<128x1xi32>
    %select_n3A_331 = arith.select %le3A_324, %select_n3A_316, %select_n3A_314 : vector<128x2048xi1>, vector<128x2048xf32>
    %select_n3A_332 = arith.select %le3A_324, %select_n3A_317, %select_n3A_315 : vector<128x2048xi1>, vector<128x2048xi32>
    %select_n3A_333 = arith.select %le3A_324, %select_n3A_318, %select_n3A_316 : vector<128x2048xi1>, vector<128x2048xf32>
    %select_n3A_334 = arith.select %le3A_324, %select_n3A_319, %select_n3A_317 : vector<128x2048xi1>, vector<128x2048xi32>
    %reduce_min3A_335 = arith.constant dense<0x7F800000> : vector<128xf32>
    %reduce_min3A_336 = vector.multi_reduction <minimumf>, %select_n3A_331, %reduce_min3A_335 [1] : vector<128x2048xf32> to vector<128xf32>
    %broadcast_in_dim3A_337 = vector.shape_cast %reduce_min3A_336 : vector<128xf32> to vector<128x1xf32>
    %le3A_338 = vector.broadcast %broadcast_in_dim3A_337 : vector<128x1xf32> to vector<128x2048xf32>
    %le3A_339 = arith.cmpf ole, %select_n3A_331, %le3A_338 : vector<128x2048xf32>
    %jit3A_340 = arith.constant 8192 : i32
    %broadcast_in_dim3A_341 = vector.broadcast %jit3A_340 : i32 to vector<128x2048xi32>
    %select_n3A_342 = arith.select %le3A_339, %select_n3A_332, %broadcast_in_dim3A_341 : vector<128x2048xi1>, vector<128x2048xi32>
    %reduce_min3A_343 = arith.constant dense<2147483647> : vector<128xi32>
    %reduce_min3A_344 = vector.multi_reduction <minsi>, %select_n3A_342, %reduce_min3A_343 [1] : vector<128x2048xi32> to vector<128xi32>
    %broadcast_in_dim3A_345 = vector.shape_cast %reduce_min3A_344 : vector<128xi32> to vector<128x1xi32>
    %select_n3A_346 = arith.select %le3A_339, %select_n3A_333, %select_n3A_331 : vector<128x2048xi1>, vector<128x2048xf32>
    %select_n3A_347 = arith.select %le3A_339, %select_n3A_334, %select_n3A_332 : vector<128x2048xi1>, vector<128x2048xi32>
    %reduce_min3A_348 = arith.constant dense<0x7F800000> : vector<128xf32>
    %reduce_min3A_349 = vector.multi_reduction <minimumf>, %select_n3A_346, %reduce_min3A_348 [1] : vector<128x2048xf32> to vector<128xf32>
    %broadcast_in_dim3A_350 = vector.shape_cast %reduce_min3A_349 : vector<128xf32> to vector<128x1xf32>
    %le3A_351 = vector.broadcast %broadcast_in_dim3A_350 : vector<128x1xf32> to vector<128x2048xf32>
    %le3A_352 = arith.cmpf ole, %select_n3A_346, %le3A_351 : vector<128x2048xf32>
    %jit3A_353 = arith.constant 8192 : i32
    %broadcast_in_dim3A_354 = vector.broadcast %jit3A_353 : i32 to vector<128x2048xi32>
    %select_n3A_355 = arith.select %le3A_352, %select_n3A_347, %broadcast_in_dim3A_354 : vector<128x2048xi1>, vector<128x2048xi32>
    %reduce_min3A_356 = arith.constant dense<2147483647> : vector<128xi32>
    %reduce_min3A_357 = vector.multi_reduction <minsi>, %select_n3A_355, %reduce_min3A_356 [1] : vector<128x2048xi32> to vector<128xi32>
    %broadcast_in_dim3A_358 = vector.shape_cast %reduce_min3A_357 : vector<128xi32> to vector<128x1xi32>
    %concatenate3A = tpu.concatenate %broadcast_in_dim3A_73, %broadcast_in_dim3A_93, %broadcast_in_dim3A_113, %broadcast_in_dim3A_133, %broadcast_in_dim3A_153, %broadcast_in_dim3A_173, %broadcast_in_dim3A_193, %broadcast_in_dim3A_213, %broadcast_in_dim3A_233, %broadcast_in_dim3A_253, %broadcast_in_dim3A_273, %broadcast_in_dim3A_293, %broadcast_in_dim3A_313, %broadcast_in_dim3A_330, %broadcast_in_dim3A_345, %broadcast_in_dim3A_358 in 1 : vector<128x1xi32>, vector<128x1xi32>, vector<128x1xi32>, vector<128x1xi32>, vector<128x1xi32>, vector<128x1xi32>, vector<128x1xi32>, vector<128x1xi32>, vector<128x1xi32>, vector<128x1xi32>, vector<128x1xi32>, vector<128x1xi32>, vector<128x1xi32>, vector<128x1xi32>, vector<128x1xi32>, vector<128x1xi32> -> vector<128x16xi32>
    %swap3A = arith.constant 0 : index
    %swap3A_359 = arith.constant 0 : index
    %swap3A_360 = arith.constant 0 : index
    %swap3A_361 = vector.load %arg4[%swap3A, %swap3A_359, %swap3A_360] : memref<1x128x16xi32, #tpu.memory_space<vmem>>, vector<1x128x16xi32>
    %swap3A_362 = vector.shape_cast %swap3A_361 : vector<1x128x16xi32> to vector<128x16xi32>
    %swap3A_363 = vector.shape_cast %concatenate3A : vector<128x16xi32> to vector<1x128x16xi32>
    tpu.vector_store %arg4[%swap3A, %swap3A_359, %swap3A_360], %swap3A_363 {strides = array<i32>} : memref<1x128x16xi32, #tpu.memory_space<vmem>>, vector<1x128x16xi32>,
    return
  }
  func.func @transform_0(%arg0: i32, %arg1: i32) -> (i32, i32, i32) {
    %c0_i32 = arith.constant 0 : i32
    %c0_i32_0 = arith.constant 0 : i32
    return %arg0, %arg1, %c0_i32 : i32, i32, i32
  }
  func.func @transform_1(%arg0: i32, %arg1: i32) -> (i32, i32, i32) {
    %c0_i32 = arith.constant 0 : i32
    %c0_i32_0 = arith.constant 0 : i32
    %c0_i32_1 = arith.constant 0 : i32
    return %arg0, %c0_i32, %c0_i32_0 : i32, i32, i32
  }
  func.func @transform_2(%arg0: i32, %arg1: i32) -> (i32, i32, i32) {
    %c0_i32 = arith.constant 0 : i32
    %c0_i32_0 = arith.constant 0 : i32
    return %arg0, %arg1, %c0_i32 : i32, i32, i32
  }
}

module attributes {stable_mosaic.version = 14 : i64} {
  func.func @_pel_body(%arg0: i32, %arg1: i32, %arg2: memref<1x64x16xf32, #tpu.memory_space<vmem>>, %arg3: memref<1x256x16xf32, #tpu.memory_space<vmem>>, %arg4: memref<16x64xf32, #tpu.memory_space<vmem>>, %arg5: memref<1x64xf32, #tpu.memory_space<vmem>>, %arg6: memref<64x128xf32, #tpu.memory_space<vmem>>, %arg7: memref<1x128xf32, #tpu.memory_space<vmem>>, %arg8: memref<128x128xf32, #tpu.memory_space<vmem>>, %arg9: memref<1x128xf32, #tpu.memory_space<vmem>>, %arg10: memref<1x64x128xf32, #tpu.memory_space<vmem>>) attributes {dimension_semantics = [#tpu.dimension_semantics<arbitrary>, #tpu.dimension_semantics<arbitrary>], iteration_bounds = array<i64: 4, 4>, scalar_prefetch = 0 : i64, scratch_operands = 0 : i64, tpu.core_type = #tpu.core_type<tc>, window_params = [{transform_indices = @transform_0, window_bounds = array<i64: 1, 64, 16>}, {transform_indices = @transform_1, window_bounds = array<i64: 1, 256, 16>}, {pipeline_mode = #tpu.pipeline_mode<synchronous>, transform_indices = @transform_2, window_bounds = array<i64: 16, 64>}, {pipeline_mode = #tpu.pipeline_mode<synchronous>, transform_indices = @transform_3, window_bounds = array<i64: 1, 64>}, {pipeline_mode = #tpu.pipeline_mode<synchronous>, transform_indices = @transform_4, window_bounds = array<i64: 64, 128>}, {pipeline_mode = #tpu.pipeline_mode<synchronous>, transform_indices = @transform_5, window_bounds = array<i64: 1, 128>}, {pipeline_mode = #tpu.pipeline_mode<synchronous>, transform_indices = @transform_6, window_bounds = array<i64: 128, 128>}, {pipeline_mode = #tpu.pipeline_mode<synchronous>, transform_indices = @transform_7, window_bounds = array<i64: 1, 128>}, {transform_indices = @transform_8, window_bounds = array<i64: 1, 64, 128>}]} {
    %get3A = arith.constant 0 : index
    %get3A_0 = arith.constant 0 : index
    %get3A_1 = arith.constant 0 : index
    %get3A_2 = vector.load %arg2[%get3A, %get3A_0, %get3A_1] : memref<1x64x16xf32, #tpu.memory_space<vmem>>, vector<1x64x16xf32>
    %get3A_3 = vector.shape_cast %get3A_2 : vector<1x64x16xf32> to vector<64x16xf32>
    %get3A_4 = arith.constant 0 : index
    %get3A_5 = arith.constant 0 : index
    %get3A_6 = vector.load %arg4[%get3A_4, %get3A_5] : memref<16x64xf32, #tpu.memory_space<vmem>>, vector<16x64xf32>
    %dot_general3A = arith.constant dense<0.000000e+00> : vector<64x64xf32>
    %dot_general3A_7 = tpu.matmul %get3A_3, %get3A_6, %dot_general3A {dimension_numbers = #tpu.dot_dimension_numbers<[1], [0], [0], [1], [0, 0, 1, 1], [], []>, transpose_lhs_hint = false} : vector<64x16xf32>, vector<16x64xf32>, vector<64x64xf32> -> vector<64x64xf32>
    %get3A_8 = arith.constant 0 : index
    %get3A_9 = arith.constant 0 : index
    %get3A_10 = arith.constant 0 : index
    %get3A_11 = vector.load %arg3[%get3A_8, %get3A_9, %get3A_10] : memref<1x256x16xf32, #tpu.memory_space<vmem>>, vector<1x256x16xf32>
    %get3A_12 = vector.shape_cast %get3A_11 : vector<1x256x16xf32> to vector<256x16xf32>
    %get3A_13 = arith.constant 0 : index
    %get3A_14 = arith.constant 0 : index
    %get3A_15 = vector.load %arg4[%get3A_13, %get3A_14] : memref<16x64xf32, #tpu.memory_space<vmem>>, vector<16x64xf32>
    %dot_general3A_16 = arith.constant dense<0.000000e+00> : vector<256x64xf32>
    %dot_general3A_17 = tpu.matmul %get3A_12, %get3A_15, %dot_general3A_16 {dimension_numbers = #tpu.dot_dimension_numbers<[1], [0], [0], [1], [0, 0, 1, 1], [], []>, transpose_lhs_hint = false} : vector<256x16xf32>, vector<16x64xf32>, vector<256x64xf32> -> vector<256x64xf32>
    %broadcast_in_dim3A = vector.shape_cast %dot_general3A_7 : vector<64x64xf32> to vector<64x1x64xf32>
    %broadcast_in_dim3A_18 = vector.shape_cast %dot_general3A_17 : vector<256x64xf32> to vector<1x256x64xf32>
    %sub3A = vector.broadcast %broadcast_in_dim3A : vector<64x1x64xf32> to vector<64x256x64xf32>
    %sub3A_19 = vector.broadcast %broadcast_in_dim3A_18 : vector<1x256x64xf32> to vector<64x256x64xf32>
    %sub3A_20 = arith.subf %sub3A, %sub3A_19 : vector<64x256x64xf32>
    %get3A_21 = arith.constant 0 : index
    %get3A_22 = arith.constant 0 : index
    %get3A_23 = vector.load %arg5[%get3A_21, %get3A_22] : memref<1x64xf32, #tpu.memory_space<vmem>>, vector<1x64xf32>
    %broadcast_in_dim3A_24 = vector.shape_cast %get3A_23 : vector<1x64xf32> to vector<1x1x64xf32>
    %add3A = vector.broadcast %broadcast_in_dim3A_24 : vector<1x1x64xf32> to vector<64x256x64xf32>
    %add3A_25 = arith.addf %sub3A_20, %add3A : vector<64x256x64xf32>
    %max3A = arith.constant 0.000000e+00 : f32
    %max3A_26 = vector.broadcast %max3A : f32 to vector<64x256x64xf32>
    %max3A_27 = arith.maximumf %add3A_25, %max3A_26 : vector<64x256x64xf32>
    %reshape3A = vector.shape_cast %max3A_27 : vector<64x256x64xf32> to vector<16384x64xf32>
    %get3A_28 = arith.constant 0 : index
    %get3A_29 = arith.constant 0 : index
    %get3A_30 = vector.load %arg6[%get3A_28, %get3A_29] : memref<64x128xf32, #tpu.memory_space<vmem>>, vector<64x128xf32>
    %dot_general3A_31 = arith.constant dense<0.000000e+00> : vector<16384x128xf32>
    %dot_general3A_32 = tpu.matmul %reshape3A, %get3A_30, %dot_general3A_31 {dimension_numbers = #tpu.dot_dimension_numbers<[1], [0], [0], [1], [0, 0, 1, 1], [], []>, transpose_lhs_hint = false} : vector<16384x64xf32>, vector<64x128xf32>, vector<16384x128xf32> -> vector<16384x128xf32>
    %get3A_33 = arith.constant 0 : index
    %get3A_34 = arith.constant 0 : index
    %get3A_35 = vector.load %arg7[%get3A_33, %get3A_34] : memref<1x128xf32, #tpu.memory_space<vmem>>, vector<1x128xf32>
    %add3A_36 = vector.broadcast %get3A_35 : vector<1x128xf32> to vector<16384x128xf32>
    %add3A_37 = arith.addf %dot_general3A_32, %add3A_36 : vector<16384x128xf32>
    %max3A_38 = arith.constant 0.000000e+00 : f32
    %max3A_39 = vector.broadcast %max3A_38 : f32 to vector<16384x128xf32>
    %max3A_40 = arith.maximumf %add3A_37, %max3A_39 : vector<16384x128xf32>
    %reshape3A_41 = vector.shape_cast %max3A_40 : vector<16384x128xf32> to vector<64x256x128xf32>
    %reduce_sum3A = arith.constant dense<0.000000e+00> : vector<64x128xf32>
    %reduce_sum3A_42 = vector.multi_reduction <add>, %reshape3A_41, %reduce_sum3A [1] : vector<64x256x128xf32> to vector<64x128xf32>
    %div3A = arith.constant 2.560000e+02 : f32
    %div3A_43 = vector.broadcast %div3A : f32 to vector<64x128xf32>
    %div3A_44 = arith.divf %reduce_sum3A_42, %div3A_43 : vector<64x128xf32>
    %get3A_45 = arith.constant 0 : index
    %get3A_46 = arith.constant 0 : index
    %get3A_47 = vector.load %arg8[%get3A_45, %get3A_46] : memref<128x128xf32, #tpu.memory_space<vmem>>, vector<128x128xf32>
    %dot_general3A_48 = arith.constant dense<0.000000e+00> : vector<64x128xf32>
    %dot_general3A_49 = tpu.matmul %div3A_44, %get3A_47, %dot_general3A_48 {dimension_numbers = #tpu.dot_dimension_numbers<[1], [0], [0], [1], [0, 0, 1, 1], [], []>, transpose_lhs_hint = false} : vector<64x128xf32>, vector<128x128xf32>, vector<64x128xf32> -> vector<64x128xf32>
    %get3A_50 = arith.constant 0 : index
    %get3A_51 = arith.constant 0 : index
    %get3A_52 = vector.load %arg9[%get3A_50, %get3A_51] : memref<1x128xf32, #tpu.memory_space<vmem>>, vector<1x128xf32>
    %add3A_53 = vector.broadcast %get3A_52 : vector<1x128xf32> to vector<64x128xf32>
    %add3A_54 = arith.addf %dot_general3A_49, %add3A_53 : vector<64x128xf32>
    %swap3A = arith.constant 0 : index
    %swap3A_55 = arith.constant 0 : index
    %swap3A_56 = arith.constant 0 : index
    %swap3A_57 = vector.load %arg10[%swap3A, %swap3A_55, %swap3A_56] : memref<1x64x128xf32, #tpu.memory_space<vmem>>, vector<1x64x128xf32>
    %swap3A_58 = vector.shape_cast %swap3A_57 : vector<1x64x128xf32> to vector<64x128xf32>
    %swap3A_59 = vector.shape_cast %add3A_54 : vector<64x128xf32> to vector<1x64x128xf32>
    tpu.vector_store %arg10[%swap3A, %swap3A_55, %swap3A_56], %swap3A_59 {strides = array<i32>} : memref<1x64x128xf32, #tpu.memory_space<vmem>>, vector<1x64x128xf32>,
    return
  }
  func.func @transform_0(%arg0: i32, %arg1: i32) -> (i32, i32, i32) {
    %c0_i32 = arith.constant 0 : i32
    %c0_i32_0 = arith.constant 0 : i32
    return %arg0, %arg1, %c0_i32 : i32, i32, i32
  }
  func.func @transform_1(%arg0: i32, %arg1: i32) -> (i32, i32, i32) {
    %c0_i32 = arith.constant 0 : i32
    %c0_i32_0 = arith.constant 0 : i32
    %c0_i32_1 = arith.constant 0 : i32
    return %arg0, %c0_i32, %c0_i32_0 : i32, i32, i32
  }
  func.func @transform_2(%arg0: i32, %arg1: i32) -> (i32, i32) {
    %c0_i32 = arith.constant 0 : i32
    %c0_i32_0 = arith.constant 0 : i32
    %c0_i32_1 = arith.constant 0 : i32
    return %c0_i32, %c0_i32_0 : i32, i32
  }
  func.func @transform_3(%arg0: i32, %arg1: i32) -> (i32, i32) {
    %c0_i32 = arith.constant 0 : i32
    %c0_i32_0 = arith.constant 0 : i32
    %c0_i32_1 = arith.constant 0 : i32
    return %c0_i32, %c0_i32_0 : i32, i32
  }
  func.func @transform_4(%arg0: i32, %arg1: i32) -> (i32, i32) {
    %c0_i32 = arith.constant 0 : i32
    %c0_i32_0 = arith.constant 0 : i32
    %c0_i32_1 = arith.constant 0 : i32
    return %c0_i32, %c0_i32_0 : i32, i32
  }
  func.func @transform_5(%arg0: i32, %arg1: i32) -> (i32, i32) {
    %c0_i32 = arith.constant 0 : i32
    %c0_i32_0 = arith.constant 0 : i32
    %c0_i32_1 = arith.constant 0 : i32
    return %c0_i32, %c0_i32_0 : i32, i32
  }
  func.func @transform_6(%arg0: i32, %arg1: i32) -> (i32, i32) {
    %c0_i32 = arith.constant 0 : i32
    %c0_i32_0 = arith.constant 0 : i32
    %c0_i32_1 = arith.constant 0 : i32
    return %c0_i32, %c0_i32_0 : i32, i32
  }
  func.func @transform_7(%arg0: i32, %arg1: i32) -> (i32, i32) {
    %c0_i32 = arith.constant 0 : i32
    %c0_i32_0 = arith.constant 0 : i32
    %c0_i32_1 = arith.constant 0 : i32
    return %c0_i32, %c0_i32_0 : i32, i32
  }
  func.func @transform_8(%arg0: i32, %arg1: i32) -> (i32, i32, i32) {
    %c0_i32 = arith.constant 0 : i32
    %c0_i32_0 = arith.constant 0 : i32
    return %arg0, %arg1, %c0_i32 : i32, i32, i32
  }
}

module attributes {stable_mosaic.version = 14 : i64} {
  func.func @_q_body(%arg0: memref<1024x128xf32, #tpu.memory_space<vmem>>, %arg1: memref<128x128xf32, #tpu.memory_space<vmem>>, %arg2: memref<1x128xf32, #tpu.memory_space<vmem>>, %arg3: memref<1x128xf32, #tpu.memory_space<vmem>>, %arg4: memref<1x128xf32, #tpu.memory_space<vmem>>, %arg5: memref<128x128xf32, #tpu.memory_space<vmem>>, %arg6: memref<1x128xf32, #tpu.memory_space<vmem>>, %arg7: memref<1024x128xf32, #tpu.memory_space<vmem>>) attributes {dimension_semantics = [], scalar_prefetch = 0 : i64, scratch_operands = 0 : i64, tpu.core_type = #tpu.core_type<tc>} {
    %get3A = arith.constant 0 : index
    %get3A_0 = arith.constant 0 : index
    %get3A_1 = vector.load %arg0[%get3A, %get3A_0] : memref<1024x128xf32, #tpu.memory_space<vmem>>, vector<1024x128xf32>
    %get3A_2 = arith.constant 0 : index
    %get3A_3 = arith.constant 0 : index
    %get3A_4 = vector.load %arg1[%get3A_2, %get3A_3] : memref<128x128xf32, #tpu.memory_space<vmem>>, vector<128x128xf32>
    %dot_general3A = arith.constant dense<0.000000e+00> : vector<1024x128xf32>
    %dot_general3A_5 = tpu.matmul %get3A_1, %get3A_4, %dot_general3A {dimension_numbers = #tpu.dot_dimension_numbers<[1], [0], [0], [1], [0, 0, 1, 1], [], []>, transpose_lhs_hint = false} : vector<1024x128xf32>, vector<128x128xf32>, vector<1024x128xf32> -> vector<1024x128xf32>
    %get3A_6 = arith.constant 0 : index
    %get3A_7 = arith.constant 0 : index
    %get3A_8 = vector.load %arg2[%get3A_6, %get3A_7] : memref<1x128xf32, #tpu.memory_space<vmem>>, vector<1x128xf32>
    %add3A = vector.broadcast %get3A_8 : vector<1x128xf32> to vector<1024x128xf32>
    %add3A_9 = arith.addf %dot_general3A_5, %add3A : vector<1024x128xf32>
    %get3A_10 = arith.constant 0 : index
    %get3A_11 = arith.constant 0 : index
    %get3A_12 = vector.load %arg3[%get3A_10, %get3A_11] : memref<1x128xf32, #tpu.memory_space<vmem>>, vector<1x128xf32>
    %get3A_13 = arith.constant 0 : index
    %get3A_14 = arith.constant 0 : index
    %get3A_15 = vector.load %arg4[%get3A_13, %get3A_14] : memref<1x128xf32, #tpu.memory_space<vmem>>, vector<1x128xf32>
    %reduce_sum3A = arith.constant dense<0.000000e+00> : vector<128xf32>
    %reduce_sum3A_16 = vector.multi_reduction <add>, %add3A_9, %reduce_sum3A [0] : vector<1024x128xf32> to vector<128xf32>
    %broadcast_in_dim3A = vector.shape_cast %reduce_sum3A_16 : vector<128xf32> to vector<1x128xf32>
    %div3A = arith.constant 1.024000e+03 : f32
    %div3A_17 = vector.broadcast %div3A : f32 to vector<1x128xf32>
    %div3A_18 = arith.divf %broadcast_in_dim3A, %div3A_17 : vector<1x128xf32>
    %sub3A = vector.broadcast %div3A_18 : vector<1x128xf32> to vector<1024x128xf32>
    %sub3A_19 = arith.subf %add3A_9, %sub3A : vector<1024x128xf32>
    %integer_pow3A = arith.mulf %sub3A_19, %sub3A_19 : vector<1024x128xf32>
    %reduce_sum3A_20 = arith.constant dense<0.000000e+00> : vector<128xf32>
    %reduce_sum3A_21 = vector.multi_reduction <add>, %integer_pow3A, %reduce_sum3A_20 [0] : vector<1024x128xf32> to vector<128xf32>
    %broadcast_in_dim3A_22 = vector.shape_cast %reduce_sum3A_21 : vector<128xf32> to vector<1x128xf32>
    %div3A_23 = arith.constant 1.024000e+03 : f32
    %div3A_24 = vector.broadcast %div3A_23 : f32 to vector<1x128xf32>
    %div3A_25 = arith.divf %broadcast_in_dim3A_22, %div3A_24 : vector<1x128xf32>
    %sub3A_26 = vector.broadcast %div3A_18 : vector<1x128xf32> to vector<1024x128xf32>
    %sub3A_27 = arith.subf %add3A_9, %sub3A_26 : vector<1024x128xf32>
    %add3A_28 = arith.constant 9.99999974E-6 : f32
    %add3A_29 = vector.broadcast %add3A_28 : f32 to vector<1x128xf32>
    %add3A_30 = arith.addf %div3A_25, %add3A_29 : vector<1x128xf32>
    %sqrt3A = math.sqrt %add3A_30 : vector<1x128xf32>
    %div3A_31 = vector.broadcast %sqrt3A : vector<1x128xf32> to vector<1024x128xf32>
    %div3A_32 = arith.divf %sub3A_27, %div3A_31 : vector<1024x128xf32>
    %mul3A = vector.broadcast %get3A_12 : vector<1x128xf32> to vector<1024x128xf32>
    %mul3A_33 = arith.mulf %div3A_32, %mul3A : vector<1024x128xf32>
    %add3A_34 = vector.broadcast %get3A_15 : vector<1x128xf32> to vector<1024x128xf32>
    %add3A_35 = arith.addf %mul3A_33, %add3A_34 : vector<1024x128xf32>
    %max3A = arith.constant 0.000000e+00 : f32
    %max3A_36 = vector.broadcast %max3A : f32 to vector<1024x128xf32>
    %max3A_37 = arith.maximumf %add3A_35, %max3A_36 : vector<1024x128xf32>
    %get3A_38 = arith.constant 0 : index
    %get3A_39 = arith.constant 0 : index
    %get3A_40 = vector.load %arg5[%get3A_38, %get3A_39] : memref<128x128xf32, #tpu.memory_space<vmem>>, vector<128x128xf32>
    %dot_general3A_41 = arith.constant dense<0.000000e+00> : vector<1024x128xf32>
    %dot_general3A_42 = tpu.matmul %max3A_37, %get3A_40, %dot_general3A_41 {dimension_numbers = #tpu.dot_dimension_numbers<[1], [0], [0], [1], [0, 0, 1, 1], [], []>, transpose_lhs_hint = false} : vector<1024x128xf32>, vector<128x128xf32>, vector<1024x128xf32> -> vector<1024x128xf32>
    %get3A_43 = arith.constant 0 : index
    %get3A_44 = arith.constant 0 : index
    %get3A_45 = vector.load %arg6[%get3A_43, %get3A_44] : memref<1x128xf32, #tpu.memory_space<vmem>>, vector<1x128xf32>
    %add3A_46 = vector.broadcast %get3A_45 : vector<1x128xf32> to vector<1024x128xf32>
    %add3A_47 = arith.addf %dot_general3A_42, %add3A_46 : vector<1024x128xf32>
    %swap3A = arith.constant 0 : index
    %swap3A_48 = arith.constant 0 : index
    %swap3A_49 = vector.load %arg7[%swap3A, %swap3A_48] : memref<1024x128xf32, #tpu.memory_space<vmem>>, vector<1024x128xf32>
    tpu.vector_store %arg7[%swap3A, %swap3A_48], %add3A_47 {strides = array<i32>} : memref<1024x128xf32, #tpu.memory_space<vmem>>, vector<1024x128xf32>,
    return
  }
}

module attributes {stable_mosaic.version = 14 : i64} {
  func.func @_nb_body(%arg0: i32, %arg1: memref<2048x16xf32, #tpu.memory_space<vmem>>, %arg2: memref<2048x128xf32, #tpu.memory_space<vmem>>, %arg3: memref<128x16xf32, #tpu.memory_space<vmem>>, %arg4: memref<128x128xf32, #tpu.memory_space<vmem>>, %arg5: memref<3x64xf32, #tpu.memory_space<vmem>>, %arg6: memref<1x64xf32, #tpu.memory_space<vmem>>, %arg7: memref<64x128xf32, #tpu.memory_space<vmem>>, %arg8: memref<1x128xf32, #tpu.memory_space<vmem>>, %arg9: memref<128x128xf32, #tpu.memory_space<vmem>>, %arg10: memref<1x128xf32, #tpu.memory_space<vmem>>, %arg11: memref<256x128xf32, #tpu.memory_space<vmem>>, %arg12: memref<1x128xf32, #tpu.memory_space<vmem>>, %arg13: memref<128x128xf32, #tpu.memory_space<vmem>>, %arg14: memref<1x128xf32, #tpu.memory_space<vmem>>, %arg15: memref<2048x128xf32, #tpu.memory_space<vmem>>, %arg16: memref<128x16xf32, #tpu.memory_space<vmem>>, %arg17: memref<128x16xf32, #tpu.memory_space<vmem>>) attributes {dimension_semantics = [#tpu.dimension_semantics<arbitrary>], iteration_bounds = array<i64: 8>, scalar_prefetch = 0 : i64, scratch_operands = 0 : i64, tpu.core_type = #tpu.core_type<tc>, window_params = [{transform_indices = @transform_0, window_bounds = array<i64: 2048, 16>}, {transform_indices = @transform_1, window_bounds = array<i64: 2048, 128>}, {transform_indices = @transform_2, window_bounds = array<i64: 128, 16>}, {transform_indices = @transform_3, window_bounds = array<i64: 128, 128>}, {pipeline_mode = #tpu.pipeline_mode<synchronous>, transform_indices = @transform_4, window_bounds = array<i64: 3, 64>}, {pipeline_mode = #tpu.pipeline_mode<synchronous>, transform_indices = @transform_5, window_bounds = array<i64: 1, 64>}, {pipeline_mode = #tpu.pipeline_mode<synchronous>, transform_indices = @transform_6, window_bounds = array<i64: 64, 128>}, {pipeline_mode = #tpu.pipeline_mode<synchronous>, transform_indices = @transform_7, window_bounds = array<i64: 1, 128>}, {pipeline_mode = #tpu.pipeline_mode<synchronous>, transform_indices = @transform_8, window_bounds = array<i64: 128, 128>}, {pipeline_mode = #tpu.pipeline_mode<synchronous>, transform_indices = @transform_9, window_bounds = array<i64: 1, 128>}, {pipeline_mode = #tpu.pipeline_mode<synchronous>, transform_indices = @transform_10, window_bounds = array<i64: 256, 128>}, {pipeline_mode = #tpu.pipeline_mode<synchronous>, transform_indices = @transform_11, window_bounds = array<i64: 1, 128>}, {pipeline_mode = #tpu.pipeline_mode<synchronous>, transform_indices = @transform_12, window_bounds = array<i64: 128, 128>}, {pipeline_mode = #tpu.pipeline_mode<synchronous>, transform_indices = @transform_13, window_bounds = array<i64: 1, 128>}, {transform_indices = @transform_14, window_bounds = array<i64: 2048, 128>}, {transform_indices = @transform_15, window_bounds = array<i64: 128, 16>}, {transform_indices = @transform_16, window_bounds = array<i64: 128, 16>}]} {
    %get3A = arith.constant 0 : index
    %get3A_0 = arith.constant 0 : index
    %get3A_1 = vector.load %arg3[%get3A, %get3A_0] : memref<128x16xf32, #tpu.memory_space<vmem>>, vector<128x16xf32>
    %slice3A = vector.extract_strided_slice %get3A_1 {offsets = [0, 0], sizes = [128, 3], strides = [1, 1]} : vector<128x16xf32> to vector<128x3xf32>
    %get3A_2 = arith.constant 0 : index
    %get3A_3 = arith.constant 0 : index
    %get3A_4 = vector.load %arg1[%get3A_2, %get3A_3] : memref<2048x16xf32, #tpu.memory_space<vmem>>, vector<2048x16xf32>
    %slice3A_5 = vector.extract_strided_slice %get3A_4 {offsets = [0, 0], sizes = [2048, 3], strides = [1, 1]} : vector<2048x16xf32> to vector<2048x3xf32>
    %reshape3A = vector.shape_cast %slice3A_5 : vector<2048x3xf32> to vector<128x16x3xf32>
    %broadcast_in_dim3A = vector.shape_cast %slice3A : vector<128x3xf32> to vector<128x1x3xf32>
    %sub3A = vector.broadcast %broadcast_in_dim3A : vector<128x1x3xf32> to vector<128x16x3xf32>
    %sub3A_6 = arith.subf %sub3A, %reshape3A : vector<128x16x3xf32>
    %reshape3A_7 = vector.shape_cast %sub3A_6 : vector<128x16x3xf32> to vector<2048x3xf32>
    %get3A_8 = arith.constant 0 : index
    %get3A_9 = arith.constant 0 : index
    %get3A_10 = vector.load %arg5[%get3A_8, %get3A_9] : memref<3x64xf32, #tpu.memory_space<vmem>>, vector<3x64xf32>
    %dot_general3A = arith.constant dense<0.000000e+00> : vector<2048x64xf32>
    %dot_general3A_11 = tpu.matmul %reshape3A_7, %get3A_10, %dot_general3A {dimension_numbers = #tpu.dot_dimension_numbers<[1], [0], [0], [1], [0, 0, 1, 1], [], []>, transpose_lhs_hint = false} : vector<2048x3xf32>, vector<3x64xf32>, vector<2048x64xf32> -> vector<2048x64xf32>
    %get3A_12 = arith.constant 0 : index
    %get3A_13 = arith.constant 0 : index
    %get3A_14 = vector.load %arg6[%get3A_12, %get3A_13] : memref<1x64xf32, #tpu.memory_space<vmem>>, vector<1x64xf32>
    %add3A = vector.broadcast %get3A_14 : vector<1x64xf32> to vector<2048x64xf32>
    %add3A_15 = arith.addf %dot_general3A_11, %add3A : vector<2048x64xf32>
    %max3A = arith.constant 0.000000e+00 : f32
    %max3A_16 = vector.broadcast %max3A : f32 to vector<2048x64xf32>
    %max3A_17 = arith.maximumf %add3A_15, %max3A_16 : vector<2048x64xf32>
    %get3A_18 = arith.constant 0 : index
    %get3A_19 = arith.constant 0 : index
    %get3A_20 = vector.load %arg7[%get3A_18, %get3A_19] : memref<64x128xf32, #tpu.memory_space<vmem>>, vector<64x128xf32>
    %dot_general3A_21 = arith.constant dense<0.000000e+00> : vector<2048x128xf32>
    %dot_general3A_22 = tpu.matmul %max3A_17, %get3A_20, %dot_general3A_21 {dimension_numbers = #tpu.dot_dimension_numbers<[1], [0], [0], [1], [0, 0, 1, 1], [], []>, transpose_lhs_hint = false} : vector<2048x64xf32>, vector<64x128xf32>, vector<2048x128xf32> -> vector<2048x128xf32>
    %get3A_23 = arith.constant 0 : index
    %get3A_24 = arith.constant 0 : index
    %get3A_25 = vector.load %arg8[%get3A_23, %get3A_24] : memref<1x128xf32, #tpu.memory_space<vmem>>, vector<1x128xf32>
    %add3A_26 = vector.broadcast %get3A_25 : vector<1x128xf32> to vector<2048x128xf32>
    %add3A_27 = arith.addf %dot_general3A_22, %add3A_26 : vector<2048x128xf32>
    %max3A_28 = arith.constant 0.000000e+00 : f32
    %max3A_29 = vector.broadcast %max3A_28 : f32 to vector<2048x128xf32>
    %max3A_30 = arith.maximumf %add3A_27, %max3A_29 : vector<2048x128xf32>
    %get3A_31 = arith.constant 0 : index
    %get3A_32 = arith.constant 0 : index
    %get3A_33 = vector.load %arg9[%get3A_31, %get3A_32] : memref<128x128xf32, #tpu.memory_space<vmem>>, vector<128x128xf32>
    %dot_general3A_34 = arith.constant dense<0.000000e+00> : vector<2048x128xf32>
    %dot_general3A_35 = tpu.matmul %max3A_30, %get3A_33, %dot_general3A_34 {dimension_numbers = #tpu.dot_dimension_numbers<[1], [0], [0], [1], [0, 0, 1, 1], [], []>, transpose_lhs_hint = false} : vector<2048x128xf32>, vector<128x128xf32>, vector<2048x128xf32> -> vector<2048x128xf32>
    %get3A_36 = arith.constant 0 : index
    %get3A_37 = arith.constant 0 : index
    %get3A_38 = vector.load %arg10[%get3A_36, %get3A_37] : memref<1x128xf32, #tpu.memory_space<vmem>>, vector<1x128xf32>
    %add3A_39 = vector.broadcast %get3A_38 : vector<1x128xf32> to vector<2048x128xf32>
    %add3A_40 = arith.addf %dot_general3A_35, %add3A_39 : vector<2048x128xf32>
    %get3A_41 = arith.constant 0 : index
    %get3A_42 = arith.constant 0 : index
    %get3A_43 = vector.load %arg2[%get3A_41, %get3A_42] : memref<2048x128xf32, #tpu.memory_space<vmem>>, vector<2048x128xf32>
    %get3A_44 = arith.constant 0 : index
    %get3A_45 = arith.constant 0 : index
    %get3A_46 = vector.load %arg11[%get3A_44, %get3A_45] : memref<256x128xf32, #tpu.memory_space<vmem>>, vector<128x128xf32>
    %dot_general3A_47 = arith.constant dense<0.000000e+00> : vector<2048x128xf32>
    %dot_general3A_48 = tpu.matmul %get3A_43, %get3A_46, %dot_general3A_47 {dimension_numbers = #tpu.dot_dimension_numbers<[1], [0], [0], [1], [0, 0, 1, 1], [], []>, transpose_lhs_hint = false} : vector<2048x128xf32>, vector<128x128xf32>, vector<2048x128xf32> -> vector<2048x128xf32>
    %get3A_49 = arith.constant 128 : index
    %get3A_50 = arith.constant 0 : index
    %get3A_51 = vector.load %arg11[%get3A_49, %get3A_50] : memref<256x128xf32, #tpu.memory_space<vmem>>, vector<128x128xf32>
    %dot_general3A_52 = arith.constant dense<0.000000e+00> : vector<2048x128xf32>
    %dot_general3A_53 = tpu.matmul %add3A_40, %get3A_51, %dot_general3A_52 {dimension_numbers = #tpu.dot_dimension_numbers<[1], [0], [0], [1], [0, 0, 1, 1], [], []>, transpose_lhs_hint = false} : vector<2048x128xf32>, vector<128x128xf32>, vector<2048x128xf32> -> vector<2048x128xf32>
    %add3A_54 = arith.addf %dot_general3A_48, %dot_general3A_53 : vector<2048x128xf32>
    %get3A_55 = arith.constant 0 : index
    %get3A_56 = arith.constant 0 : index
    %get3A_57 = vector.load %arg12[%get3A_55, %get3A_56] : memref<1x128xf32, #tpu.memory_space<vmem>>, vector<1x128xf32>
    %add3A_58 = vector.broadcast %get3A_57 : vector<1x128xf32> to vector<2048x128xf32>
    %add3A_59 = arith.addf %add3A_54, %add3A_58 : vector<2048x128xf32>
    %max3A_60 = arith.constant 0.000000e+00 : f32
    %max3A_61 = vector.broadcast %max3A_60 : f32 to vector<2048x128xf32>
    %max3A_62 = arith.maximumf %add3A_59, %max3A_61 : vector<2048x128xf32>
    %get3A_63 = arith.constant 0 : index
    %get3A_64 = arith.constant 0 : index
    %get3A_65 = vector.load %arg13[%get3A_63, %get3A_64] : memref<128x128xf32, #tpu.memory_space<vmem>>, vector<128x128xf32>
    %dot_general3A_66 = arith.constant dense<0.000000e+00> : vector<2048x128xf32>
    %dot_general3A_67 = tpu.matmul %max3A_62, %get3A_65, %dot_general3A_66 {dimension_numbers = #tpu.dot_dimension_numbers<[1], [0], [0], [1], [0, 0, 1, 1], [], []>, transpose_lhs_hint = false} : vector<2048x128xf32>, vector<128x128xf32>, vector<2048x128xf32> -> vector<2048x128xf32>
    %get3A_68 = arith.constant 0 : index
    %get3A_69 = arith.constant 0 : index
    %get3A_70 = vector.load %arg14[%get3A_68, %get3A_69] : memref<1x128xf32, #tpu.memory_space<vmem>>, vector<1x128xf32>
    %add3A_71 = vector.broadcast %get3A_70 : vector<1x128xf32> to vector<2048x128xf32>
    %add3A_72 = arith.addf %dot_general3A_67, %add3A_71 : vector<2048x128xf32>
    %swap3A = arith.constant 0 : index
    %swap3A_73 = arith.constant 0 : index
    %swap3A_74 = vector.load %arg15[%swap3A, %swap3A_73] : memref<2048x128xf32, #tpu.memory_space<vmem>>, vector<2048x128xf32>
    tpu.vector_store %arg15[%swap3A, %swap3A_73], %add3A_72 {strides = array<i32>} : memref<2048x128xf32, #tpu.memory_space<vmem>>, vector<2048x128xf32>,
    %reshape3A_75 = vector.shape_cast %add3A_72 : vector<2048x128xf32> to vector<128x16x128xf32>
    %get3A_76 = arith.constant 0 : index
    %get3A_77 = arith.constant 0 : index
    %get3A_78 = vector.load %arg4[%get3A_76, %get3A_77] : memref<128x128xf32, #tpu.memory_space<vmem>>, vector<128x128xf32>
    %broadcast_in_dim3A_79 = vector.shape_cast %get3A_78 : vector<128x128xf32> to vector<128x1x128xf32>
    %mul3A = vector.broadcast %broadcast_in_dim3A_79 : vector<128x1x128xf32> to vector<128x16x128xf32>
    %mul3A_80 = arith.mulf %mul3A, %reshape3A_75 : vector<128x16x128xf32>
    %reduce_sum3A = arith.constant dense<0.000000e+00> : vector<128x16xf32>
    %reduce_sum3A_81 = vector.multi_reduction <add>, %mul3A_80, %reduce_sum3A [2] : vector<128x16x128xf32> to vector<128x16xf32>
    %swap3A_82 = arith.constant 0 : index
    %swap3A_83 = arith.constant 0 : index
    %swap3A_84 = vector.load %arg16[%swap3A_82, %swap3A_83] : memref<128x16xf32, #tpu.memory_space<vmem>>, vector<128x16xf32>
    tpu.vector_store %arg16[%swap3A_82, %swap3A_83], %reduce_sum3A_81 {strides = array<i32>} : memref<128x16xf32, #tpu.memory_space<vmem>>, vector<128x16xf32>,
    %mul3A_85 = arith.mulf %reshape3A_75, %reshape3A_75 : vector<128x16x128xf32>
    %reduce_sum3A_86 = arith.constant dense<0.000000e+00> : vector<128x16xf32>
    %reduce_sum3A_87 = vector.multi_reduction <add>, %mul3A_85, %reduce_sum3A_86 [2] : vector<128x16x128xf32> to vector<128x16xf32>
    %sqrt3A = math.sqrt %reduce_sum3A_87 : vector<128x16xf32>
    %max3A_88 = arith.constant 9.99999993E-9 : f32
    %max3A_89 = vector.broadcast %max3A_88 : f32 to vector<128x16xf32>
    %max3A_90 = arith.maximumf %sqrt3A, %max3A_89 : vector<128x16xf32>
    %swap3A_91 = arith.constant 0 : index
    %swap3A_92 = arith.constant 0 : index
    %swap3A_93 = vector.load %arg17[%swap3A_91, %swap3A_92] : memref<128x16xf32, #tpu.memory_space<vmem>>, vector<128x16xf32>
    tpu.vector_store %arg17[%swap3A_91, %swap3A_92], %max3A_90 {strides = array<i32>} : memref<128x16xf32, #tpu.memory_space<vmem>>, vector<128x16xf32>,
    return
  }
  func.func @transform_0(%arg0: i32) -> (i32, i32) {
    %c0_i32 = arith.constant 0 : i32
    %c0_i32_0 = arith.constant 0 : i32
    return %arg0, %c0_i32 : i32, i32
  }
  func.func @transform_1(%arg0: i32) -> (i32, i32) {
    %c0_i32 = arith.constant 0 : i32
    %c0_i32_0 = arith.constant 0 : i32
    return %arg0, %c0_i32 : i32, i32
  }
  func.func @transform_2(%arg0: i32) -> (i32, i32) {
    %c0_i32 = arith.constant 0 : i32
    %c0_i32_0 = arith.constant 0 : i32
    return %arg0, %c0_i32 : i32, i32
  }
  func.func @transform_3(%arg0: i32) -> (i32, i32) {
    %c0_i32 = arith.constant 0 : i32
    %c0_i32_0 = arith.constant 0 : i32
    return %arg0, %c0_i32 : i32, i32
  }
  func.func @transform_4(%arg0: i32) -> (i32, i32) {
    %c0_i32 = arith.constant 0 : i32
    %c0_i32_0 = arith.constant 0 : i32
    %c0_i32_1 = arith.constant 0 : i32
    return %c0_i32, %c0_i32_0 : i32, i32
  }
  func.func @transform_5(%arg0: i32) -> (i32, i32) {
    %c0_i32 = arith.constant 0 : i32
    %c0_i32_0 = arith.constant 0 : i32
    %c0_i32_1 = arith.constant 0 : i32
    return %c0_i32, %c0_i32_0 : i32, i32
  }
  func.func @transform_6(%arg0: i32) -> (i32, i32) {
    %c0_i32 = arith.constant 0 : i32
    %c0_i32_0 = arith.constant 0 : i32
    %c0_i32_1 = arith.constant 0 : i32
    return %c0_i32, %c0_i32_0 : i32, i32
  }
  func.func @transform_7(%arg0: i32) -> (i32, i32) {
    %c0_i32 = arith.constant 0 : i32
    %c0_i32_0 = arith.constant 0 : i32
    %c0_i32_1 = arith.constant 0 : i32
    return %c0_i32, %c0_i32_0 : i32, i32
  }
  func.func @transform_8(%arg0: i32) -> (i32, i32) {
    %c0_i32 = arith.constant 0 : i32
    %c0_i32_0 = arith.constant 0 : i32
    %c0_i32_1 = arith.constant 0 : i32
    return %c0_i32, %c0_i32_0 : i32, i32
  }
  func.func @transform_9(%arg0: i32) -> (i32, i32) {
    %c0_i32 = arith.constant 0 : i32
    %c0_i32_0 = arith.constant 0 : i32
    %c0_i32_1 = arith.constant 0 : i32
    return %c0_i32, %c0_i32_0 : i32, i32
  }
  func.func @transform_10(%arg0: i32) -> (i32, i32) {
    %c0_i32 = arith.constant 0 : i32
    %c0_i32_0 = arith.constant 0 : i32
    %c0_i32_1 = arith.constant 0 : i32
    return %c0_i32, %c0_i32_0 : i32, i32
  }
  func.func @transform_11(%arg0: i32) -> (i32, i32) {
    %c0_i32 = arith.constant 0 : i32
    %c0_i32_0 = arith.constant 0 : i32
    %c0_i32_1 = arith.constant 0 : i32
    return %c0_i32, %c0_i32_0 : i32, i32
  }
  func.func @transform_12(%arg0: i32) -> (i32, i32) {
    %c0_i32 = arith.constant 0 : i32
    %c0_i32_0 = arith.constant 0 : i32
    %c0_i32_1 = arith.constant 0 : i32
    return %c0_i32, %c0_i32_0 : i32, i32
  }
  func.func @transform_13(%arg0: i32) -> (i32, i32) {
    %c0_i32 = arith.constant 0 : i32
    %c0_i32_0 = arith.constant 0 : i32
    %c0_i32_1 = arith.constant 0 : i32
    return %c0_i32, %c0_i32_0 : i32, i32
  }
  func.func @transform_14(%arg0: i32) -> (i32, i32) {
    %c0_i32 = arith.constant 0 : i32
    %c0_i32_0 = arith.constant 0 : i32
    return %arg0, %c0_i32 : i32, i32
  }
  func.func @transform_15(%arg0: i32) -> (i32, i32) {
    %c0_i32 = arith.constant 0 : i32
    %c0_i32_0 = arith.constant 0 : i32
    return %arg0, %c0_i32 : i32, i32
  }
  func.func @transform_16(%arg0: i32) -> (i32, i32) {
    %c0_i32 = arith.constant 0 : i32
    %c0_i32_0 = arith.constant 0 : i32
    return %arg0, %c0_i32 : i32, i32
  }
}

module attributes {stable_mosaic.version = 14 : i64} {
  func.func @_afq_body(%arg0: memref<1024x128xf32, #tpu.memory_space<vmem>>, %arg1: memref<1024x128xf32, #tpu.memory_space<vmem>>, %arg2: memref<1024x16xf32, #tpu.memory_space<vmem>>, %arg3: memref<1024x16xf32, #tpu.memory_space<vmem>>, %arg4: memref<16384x128xf32, #tpu.memory_space<vmem>>, %arg5: memref<1024x128xf32, #tpu.memory_space<vmem>>, %arg6: memref<1024x16xf32, #tpu.memory_space<vmem>>, %arg7: memref<16x64xf32, #tpu.memory_space<vmem>>, %arg8: memref<1x64xf32, #tpu.memory_space<vmem>>, %arg9: memref<64x128xf32, #tpu.memory_space<vmem>>, %arg10: memref<1x128xf32, #tpu.memory_space<vmem>>, %arg11: memref<128x128xf32, #tpu.memory_space<vmem>>, %arg12: memref<1x128xf32, #tpu.memory_space<vmem>>, %arg13: memref<384x128xf32, #tpu.memory_space<vmem>>, %arg14: memref<1x128xf32, #tpu.memory_space<vmem>>, %arg15: memref<128x128xf32, #tpu.memory_space<vmem>>, %arg16: memref<1x128xf32, #tpu.memory_space<vmem>>, %arg17: memref<1x128xf32, #tpu.memory_space<vmem>>, %arg18: memref<1x128xf32, #tpu.memory_space<vmem>>, %arg19: memref<1x128xf32, #tpu.memory_space<vmem>>, %arg20: memref<1x128xf32, #tpu.memory_space<vmem>>, %arg21: memref<128x128xf32, #tpu.memory_space<vmem>>, %arg22: memref<1x128xf32, #tpu.memory_space<vmem>>, %arg23: memref<128x128xf32, #tpu.memory_space<vmem>>, %arg24: memref<1x128xf32, #tpu.memory_space<vmem>>, %arg25: memref<128x128xf32, #tpu.memory_space<vmem>>, %arg26: memref<1x128xf32, #tpu.memory_space<vmem>>, %arg27: memref<1x128xf32, #tpu.memory_space<vmem>>, %arg28: memref<1x128xf32, #tpu.memory_space<vmem>>, %arg29: memref<128x128xf32, #tpu.memory_space<vmem>>, %arg30: memref<1x128xf32, #tpu.memory_space<vmem>>, %arg31: memref<1024x128xf32, #tpu.memory_space<vmem>>, %arg32: memref<1024x128xf32, #tpu.memory_space<vmem>>) attributes {dimension_semantics = [], scalar_prefetch = 0 : i64, scratch_operands = 0 : i64, tpu.core_type = #tpu.core_type<tc>} {
    %get3A = arith.constant 0 : index
    %get3A_0 = arith.constant 0 : index
    %get3A_1 = vector.load %arg1[%get3A, %get3A_0] : memref<1024x128xf32, #tpu.memory_space<vmem>>, vector<1024x128xf32>
    %mul3A = arith.mulf %get3A_1, %get3A_1 : vector<1024x128xf32>
    %reduce_sum3A = arith.constant dense<0.000000e+00> : vector<1024xf32>
    %reduce_sum3A_2 = vector.multi_reduction <add>, %mul3A, %reduce_sum3A [1] : vector<1024x128xf32> to vector<1024xf32>
    %broadcast_in_dim3A = vector.shape_cast %reduce_sum3A_2 : vector<1024xf32> to vector<1024x1xf32>
    %sqrt3A = math.sqrt %broadcast_in_dim3A : vector<1024x1xf32>
    %max3A = arith.constant 9.99999993E-9 : f32
    %max3A_3 = vector.broadcast %max3A : f32 to vector<1024x1xf32>
    %max3A_4 = arith.maximumf %sqrt3A, %max3A_3 : vector<1024x1xf32>
    %get3A_5 = arith.constant 0 : index
    %get3A_6 = arith.constant 0 : index
    %get3A_7 = vector.load %arg2[%get3A_5, %get3A_6] : memref<1024x16xf32, #tpu.memory_space<vmem>>, vector<1024x16xf32>
    %get3A_8 = arith.constant 0 : index
    %get3A_9 = arith.constant 0 : index
    %get3A_10 = vector.load %arg3[%get3A_8, %get3A_9] : memref<1024x16xf32, #tpu.memory_space<vmem>>, vector<1024x16xf32>
    %mul3A_11 = vector.broadcast %max3A_4 : vector<1024x1xf32> to vector<1024x16xf32>
    %mul3A_12 = arith.mulf %mul3A_11, %get3A_10 : vector<1024x16xf32>
    %div3A = arith.divf %get3A_7, %mul3A_12 : vector<1024x16xf32>
    %div3A_13 = arith.constant 5.000000e+00 : f32
    %div3A_14 = vector.broadcast %div3A_13 : f32 to vector<1024x16xf32>
    %div3A_15 = arith.divf %div3A, %div3A_14 : vector<1024x16xf32>
    %reduce_max3A = arith.constant dense<0xFF800000> : vector<1024xf32>
    %reduce_max3A_16 = vector.multi_reduction <maximumf>, %div3A_15, %reduce_max3A [1] : vector<1024x16xf32> to vector<1024xf32>
    %broadcast_in_dim3A_17 = vector.shape_cast %reduce_max3A_16 : vector<1024xf32> to vector<1024x1xf32>
    %sub3A = vector.broadcast %broadcast_in_dim3A_17 : vector<1024x1xf32> to vector<1024x16xf32>
    %sub3A_18 = arith.subf %div3A_15, %sub3A : vector<1024x16xf32>
    %exp3A = math.exp %sub3A_18 : vector<1024x16xf32>
    %reduce_sum3A_19 = arith.constant dense<0.000000e+00> : vector<1024xf32>
    %reduce_sum3A_20 = vector.multi_reduction <add>, %exp3A, %reduce_sum3A_19 [1] : vector<1024x16xf32> to vector<1024xf32>
    %broadcast_in_dim3A_21 = vector.shape_cast %reduce_sum3A_20 : vector<1024xf32> to vector<1024x1xf32>
    %div3A_22 = vector.broadcast %broadcast_in_dim3A_21 : vector<1024x1xf32> to vector<1024x16xf32>
    %div3A_23 = arith.divf %exp3A, %div3A_22 : vector<1024x16xf32>
    %get3A_24 = arith.constant 0 : index
    %get3A_25 = arith.constant 0 : index
    %get3A_26 = vector.load %arg4[%get3A_24, %get3A_25] : memref<16384x128xf32, #tpu.memory_space<vmem>>, vector<16384x128xf32>
    %reshape3A = vector.shape_cast %get3A_26 : vector<16384x128xf32> to vector<1024x16x128xf32>
    %broadcast_in_dim3A_27 = vector.shape_cast %div3A_23 : vector<1024x16xf32> to vector<1024x16x1xf32>
    %mul3A_28 = vector.broadcast %broadcast_in_dim3A_27 : vector<1024x16x1xf32> to vector<1024x16x128xf32>
    %mul3A_29 = arith.mulf %mul3A_28, %reshape3A : vector<1024x16x128xf32>
    %reduce_sum3A_30 = arith.constant dense<0.000000e+00> : vector<1024x128xf32>
    %reduce_sum3A_31 = vector.multi_reduction <add>, %mul3A_29, %reduce_sum3A_30 [1] : vector<1024x16x128xf32> to vector<1024x128xf32>
    %get3A_32 = arith.constant 0 : index
    %get3A_33 = arith.constant 0 : index
    %get3A_34 = vector.load %arg0[%get3A_32, %get3A_33] : memref<1024x128xf32, #tpu.memory_space<vmem>>, vector<1024x128xf32>
    %add3A = arith.addf %reduce_sum3A_31, %get3A_34 : vector<1024x128xf32>
    %max3A_35 = arith.constant 0.000000e+00 : f32
    %max3A_36 = vector.broadcast %max3A_35 : f32 to vector<1024x128xf32>
    %max3A_37 = arith.maximumf %add3A, %max3A_36 : vector<1024x128xf32>
    %get3A_38 = arith.constant 0 : index
    %get3A_39 = arith.constant 0 : index
    %get3A_40 = vector.load %arg6[%get3A_38, %get3A_39] : memref<1024x16xf32, #tpu.memory_space<vmem>>, vector<1024x16xf32>
    %get3A_41 = arith.constant 0 : index
    %get3A_42 = arith.constant 0 : index
    %get3A_43 = vector.load %arg7[%get3A_41, %get3A_42] : memref<16x64xf32, #tpu.memory_space<vmem>>, vector<16x64xf32>
    %dot_general3A = arith.constant dense<0.000000e+00> : vector<1024x64xf32>
    %dot_general3A_44 = tpu.matmul %get3A_40, %get3A_43, %dot_general3A {dimension_numbers = #tpu.dot_dimension_numbers<[1], [0], [0], [1], [0, 0, 1, 1], [], []>, transpose_lhs_hint = false} : vector<1024x16xf32>, vector<16x64xf32>, vector<1024x64xf32> -> vector<1024x64xf32>
    %get3A_45 = arith.constant 0 : index
    %get3A_46 = arith.constant 0 : index
    %get3A_47 = vector.load %arg8[%get3A_45, %get3A_46] : memref<1x64xf32, #tpu.memory_space<vmem>>, vector<1x64xf32>
    %add3A_48 = vector.broadcast %get3A_47 : vector<1x64xf32> to vector<1024x64xf32>
    %add3A_49 = arith.addf %dot_general3A_44, %add3A_48 : vector<1024x64xf32>
    %max3A_50 = arith.constant 0.000000e+00 : f32
    %max3A_51 = vector.broadcast %max3A_50 : f32 to vector<1024x64xf32>
    %max3A_52 = arith.maximumf %add3A_49, %max3A_51 : vector<1024x64xf32>
    %get3A_53 = arith.constant 0 : index
    %get3A_54 = arith.constant 0 : index
    %get3A_55 = vector.load %arg9[%get3A_53, %get3A_54] : memref<64x128xf32, #tpu.memory_space<vmem>>, vector<64x128xf32>
    %dot_general3A_56 = arith.constant dense<0.000000e+00> : vector<1024x128xf32>
    %dot_general3A_57 = tpu.matmul %max3A_52, %get3A_55, %dot_general3A_56 {dimension_numbers = #tpu.dot_dimension_numbers<[1], [0], [0], [1], [0, 0, 1, 1], [], []>, transpose_lhs_hint = false} : vector<1024x64xf32>, vector<64x128xf32>, vector<1024x128xf32> -> vector<1024x128xf32>
    %get3A_58 = arith.constant 0 : index
    %get3A_59 = arith.constant 0 : index
    %get3A_60 = vector.load %arg10[%get3A_58, %get3A_59] : memref<1x128xf32, #tpu.memory_space<vmem>>, vector<1x128xf32>
    %add3A_61 = vector.broadcast %get3A_60 : vector<1x128xf32> to vector<1024x128xf32>
    %add3A_62 = arith.addf %dot_general3A_57, %add3A_61 : vector<1024x128xf32>
    %max3A_63 = arith.constant 0.000000e+00 : f32
    %max3A_64 = vector.broadcast %max3A_63 : f32 to vector<1024x128xf32>
    %max3A_65 = arith.maximumf %add3A_62, %max3A_64 : vector<1024x128xf32>
    %get3A_66 = arith.constant 0 : index
    %get3A_67 = arith.constant 0 : index
    %get3A_68 = vector.load %arg11[%get3A_66, %get3A_67] : memref<128x128xf32, #tpu.memory_space<vmem>>, vector<128x128xf32>
    %dot_general3A_69 = arith.constant dense<0.000000e+00> : vector<1024x128xf32>
    %dot_general3A_70 = tpu.matmul %max3A_65, %get3A_68, %dot_general3A_69 {dimension_numbers = #tpu.dot_dimension_numbers<[1], [0], [0], [1], [0, 0, 1, 1], [], []>, transpose_lhs_hint = false} : vector<1024x128xf32>, vector<128x128xf32>, vector<1024x128xf32> -> vector<1024x128xf32>
    %get3A_71 = arith.constant 0 : index
    %get3A_72 = arith.constant 0 : index
    %get3A_73 = vector.load %arg12[%get3A_71, %get3A_72] : memref<1x128xf32, #tpu.memory_space<vmem>>, vector<1x128xf32>
    %add3A_74 = vector.broadcast %get3A_73 : vector<1x128xf32> to vector<1024x128xf32>
    %add3A_75 = arith.addf %dot_general3A_70, %add3A_74 : vector<1024x128xf32>
    %get3A_76 = arith.constant 0 : index
    %get3A_77 = arith.constant 0 : index
    %get3A_78 = vector.load %arg5[%get3A_76, %get3A_77] : memref<1024x128xf32, #tpu.memory_space<vmem>>, vector<1024x128xf32>
    %add3A_79 = arith.addf %add3A_75, %get3A_78 : vector<1024x128xf32>
    %reshape3A_80 = vector.shape_cast %max3A_37 : vector<1024x128xf32> to vector<4x256x128xf32>
    %reduce_sum3A_81 = arith.constant dense<0.000000e+00> : vector<4x128xf32>
    %reduce_sum3A_82 = vector.multi_reduction <add>, %reshape3A_80, %reduce_sum3A_81 [1] : vector<4x256x128xf32> to vector<4x128xf32>
    %div3A_83 = arith.constant 2.560000e+02 : f32
    %div3A_84 = vector.broadcast %div3A_83 : f32 to vector<4x128xf32>
    %div3A_85 = arith.divf %reduce_sum3A_82, %div3A_84 : vector<4x128xf32>
    %get3A_86 = arith.constant 128 : index
    %get3A_87 = arith.constant 0 : index
    %get3A_88 = vector.load %arg13[%get3A_86, %get3A_87] : memref<384x128xf32, #tpu.memory_space<vmem>>, vector<128x128xf32>
    %dot_general3A_89 = arith.constant dense<0.000000e+00> : vector<4x128xf32>
    %dot_general3A_90 = tpu.matmul %div3A_85, %get3A_88, %dot_general3A_89 {dimension_numbers = #tpu.dot_dimension_numbers<[1], [0], [0], [1], [0, 0, 1, 1], [], []>, transpose_lhs_hint = false} : vector<4x128xf32>, vector<128x128xf32>, vector<4x128xf32> -> vector<4x128xf32>
    %broadcast_in_dim3A_91 = vector.shape_cast %dot_general3A_90 : vector<4x128xf32> to vector<4x1x128xf32>
    %broadcast_in_dim3A_92 = vector.shape_cast %broadcast_in_dim3A_91 : vector<4x1x128xf32> to vector<4x1x128xf32>
    %broadcast_in_dim3A_93 = vector.broadcast %broadcast_in_dim3A_92 : vector<4x1x128xf32> to vector<4x256x128xf32>
    %reshape3A_94 = vector.shape_cast %broadcast_in_dim3A_93 : vector<4x256x128xf32> to vector<1024x128xf32>
    %get3A_95 = arith.constant 0 : index
    %get3A_96 = arith.constant 0 : index
    %get3A_97 = vector.load %arg13[%get3A_95, %get3A_96] : memref<384x128xf32, #tpu.memory_space<vmem>>, vector<128x128xf32>
    %dot_general3A_98 = arith.constant dense<0.000000e+00> : vector<1024x128xf32>
    %dot_general3A_99 = tpu.matmul %max3A_37, %get3A_97, %dot_general3A_98 {dimension_numbers = #tpu.dot_dimension_numbers<[1], [0], [0], [1], [0, 0, 1, 1], [], []>, transpose_lhs_hint = false} : vector<1024x128xf32>, vector<128x128xf32>, vector<1024x128xf32> -> vector<1024x128xf32>
    %add3A_100 = arith.addf %dot_general3A_99, %reshape3A_94 : vector<1024x128xf32>
    %get3A_101 = arith.constant 256 : index
    %get3A_102 = arith.constant 0 : index
    %get3A_103 = vector.load %arg13[%get3A_101, %get3A_102] : memref<384x128xf32, #tpu.memory_space<vmem>>, vector<128x128xf32>
    %dot_general3A_104 = arith.constant dense<0.000000e+00> : vector<1024x128xf32>
    %dot_general3A_105 = tpu.matmul %add3A_79, %get3A_103, %dot_general3A_104 {dimension_numbers = #tpu.dot_dimension_numbers<[1], [0], [0], [1], [0, 0, 1, 1], [], []>, transpose_lhs_hint = false} : vector<1024x128xf32>, vector<128x128xf32>, vector<1024x128xf32> -> vector<1024x128xf32>
    %add3A_106 = arith.addf %add3A_100, %dot_general3A_105 : vector<1024x128xf32>
    %get3A_107 = arith.constant 0 : index
    %get3A_108 = arith.constant 0 : index
    %get3A_109 = vector.load %arg14[%get3A_107, %get3A_108] : memref<1x128xf32, #tpu.memory_space<vmem>>, vector<1x128xf32>
    %add3A_110 = vector.broadcast %get3A_109 : vector<1x128xf32> to vector<1024x128xf32>
    %add3A_111 = arith.addf %add3A_106, %add3A_110 : vector<1024x128xf32>
    %get3A_112 = arith.constant 0 : index
    %get3A_113 = arith.constant 0 : index
    %get3A_114 = vector.load %arg17[%get3A_112, %get3A_113] : memref<1x128xf32, #tpu.memory_space<vmem>>, vector<1x128xf32>
    %get3A_115 = arith.constant 0 : index
    %get3A_116 = arith.constant 0 : index
    %get3A_117 = vector.load %arg18[%get3A_115, %get3A_116] : memref<1x128xf32, #tpu.memory_space<vmem>>, vector<1x128xf32>
    %reduce_sum3A_118 = arith.constant dense<0.000000e+00> : vector<128xf32>
    %reduce_sum3A_119 = vector.multi_reduction <add>, %add3A_111, %reduce_sum3A_118 [0] : vector<1024x128xf32> to vector<128xf32>
    %broadcast_in_dim3A_120 = vector.shape_cast %reduce_sum3A_119 : vector<128xf32> to vector<1x128xf32>
    %div3A_121 = arith.constant 1.024000e+03 : f32
    %div3A_122 = vector.broadcast %div3A_121 : f32 to vector<1x128xf32>
    %div3A_123 = arith.divf %broadcast_in_dim3A_120, %div3A_122 : vector<1x128xf32>
    %sub3A_124 = vector.broadcast %div3A_123 : vector<1x128xf32> to vector<1024x128xf32>
    %sub3A_125 = arith.subf %add3A_111, %sub3A_124 : vector<1024x128xf32>
    %integer_pow3A = arith.mulf %sub3A_125, %sub3A_125 : vector<1024x128xf32>
    %reduce_sum3A_126 = arith.constant dense<0.000000e+00> : vector<128xf32>
    %reduce_sum3A_127 = vector.multi_reduction <add>, %integer_pow3A, %reduce_sum3A_126 [0] : vector<1024x128xf32> to vector<128xf32>
    %broadcast_in_dim3A_128 = vector.shape_cast %reduce_sum3A_127 : vector<128xf32> to vector<1x128xf32>
    %div3A_129 = arith.constant 1.024000e+03 : f32
    %div3A_130 = vector.broadcast %div3A_129 : f32 to vector<1x128xf32>
    %div3A_131 = arith.divf %broadcast_in_dim3A_128, %div3A_130 : vector<1x128xf32>
    %sub3A_132 = vector.broadcast %div3A_123 : vector<1x128xf32> to vector<1024x128xf32>
    %sub3A_133 = arith.subf %add3A_111, %sub3A_132 : vector<1024x128xf32>
    %add3A_134 = arith.constant 9.99999974E-6 : f32
    %add3A_135 = vector.broadcast %add3A_134 : f32 to vector<1x128xf32>
    %add3A_136 = arith.addf %div3A_131, %add3A_135 : vector<1x128xf32>
    %sqrt3A_137 = math.sqrt %add3A_136 : vector<1x128xf32>
    %div3A_138 = vector.broadcast %sqrt3A_137 : vector<1x128xf32> to vector<1024x128xf32>
    %div3A_139 = arith.divf %sub3A_133, %div3A_138 : vector<1024x128xf32>
    %mul3A_140 = vector.broadcast %get3A_114 : vector<1x128xf32> to vector<1024x128xf32>
    %mul3A_141 = arith.mulf %div3A_139, %mul3A_140 : vector<1024x128xf32>
    %add3A_142 = vector.broadcast %get3A_117 : vector<1x128xf32> to vector<1024x128xf32>
    %add3A_143 = arith.addf %mul3A_141, %add3A_142 : vector<1024x128xf32>
    %max3A_144 = arith.constant 0.000000e+00 : f32
    %max3A_145 = vector.broadcast %max3A_144 : f32 to vector<1024x128xf32>
    %max3A_146 = arith.maximumf %add3A_143, %max3A_145 : vector<1024x128xf32>
    %get3A_147 = arith.constant 0 : index
    %get3A_148 = arith.constant 0 : index
    %get3A_149 = vector.load %arg15[%get3A_147, %get3A_148] : memref<128x128xf32, #tpu.memory_space<vmem>>, vector<128x128xf32>
    %dot_general3A_150 = arith.constant dense<0.000000e+00> : vector<1024x128xf32>
    %dot_general3A_151 = tpu.matmul %max3A_146, %get3A_149, %dot_general3A_150 {dimension_numbers = #tpu.dot_dimension_numbers<[1], [0], [0], [1], [0, 0, 1, 1], [], []>, transpose_lhs_hint = false} : vector<1024x128xf32>, vector<128x128xf32>, vector<1024x128xf32> -> vector<1024x128xf32>
    %get3A_152 = arith.constant 0 : index
    %get3A_153 = arith.constant 0 : index
    %get3A_154 = vector.load %arg16[%get3A_152, %get3A_153] : memref<1x128xf32, #tpu.memory_space<vmem>>, vector<1x128xf32>
    %add3A_155 = vector.broadcast %get3A_154 : vector<1x128xf32> to vector<1024x128xf32>
    %add3A_156 = arith.addf %dot_general3A_151, %add3A_155 : vector<1024x128xf32>
    %get3A_157 = arith.constant 0 : index
    %get3A_158 = arith.constant 0 : index
    %get3A_159 = vector.load %arg19[%get3A_157, %get3A_158] : memref<1x128xf32, #tpu.memory_space<vmem>>, vector<1x128xf32>
    %get3A_160 = arith.constant 0 : index
    %get3A_161 = arith.constant 0 : index
    %get3A_162 = vector.load %arg20[%get3A_160, %get3A_161] : memref<1x128xf32, #tpu.memory_space<vmem>>, vector<1x128xf32>
    %reduce_sum3A_163 = arith.constant dense<0.000000e+00> : vector<128xf32>
    %reduce_sum3A_164 = vector.multi_reduction <add>, %add3A_156, %reduce_sum3A_163 [0] : vector<1024x128xf32> to vector<128xf32>
    %broadcast_in_dim3A_165 = vector.shape_cast %reduce_sum3A_164 : vector<128xf32> to vector<1x128xf32>
    %div3A_166 = arith.constant 1.024000e+03 : f32
    %div3A_167 = vector.broadcast %div3A_166 : f32 to vector<1x128xf32>
    %div3A_168 = arith.divf %broadcast_in_dim3A_165, %div3A_167 : vector<1x128xf32>
    %sub3A_169 = vector.broadcast %div3A_168 : vector<1x128xf32> to vector<1024x128xf32>
    %sub3A_170 = arith.subf %add3A_156, %sub3A_169 : vector<1024x128xf32>
    %integer_pow3A_171 = arith.mulf %sub3A_170, %sub3A_170 : vector<1024x128xf32>
    %reduce_sum3A_172 = arith.constant dense<0.000000e+00> : vector<128xf32>
    %reduce_sum3A_173 = vector.multi_reduction <add>, %integer_pow3A_171, %reduce_sum3A_172 [0] : vector<1024x128xf32> to vector<128xf32>
    %broadcast_in_dim3A_174 = vector.shape_cast %reduce_sum3A_173 : vector<128xf32> to vector<1x128xf32>
    %div3A_175 = arith.constant 1.024000e+03 : f32
    %div3A_176 = vector.broadcast %div3A_175 : f32 to vector<1x128xf32>
    %div3A_177 = arith.divf %broadcast_in_dim3A_174, %div3A_176 : vector<1x128xf32>
    %sub3A_178 = vector.broadcast %div3A_168 : vector<1x128xf32> to vector<1024x128xf32>
    %sub3A_179 = arith.subf %add3A_156, %sub3A_178 : vector<1024x128xf32>
    %add3A_180 = arith.constant 9.99999974E-6 : f32
    %add3A_181 = vector.broadcast %add3A_180 : f32 to vector<1x128xf32>
    %add3A_182 = arith.addf %div3A_177, %add3A_181 : vector<1x128xf32>
    %sqrt3A_183 = math.sqrt %add3A_182 : vector<1x128xf32>
    %div3A_184 = vector.broadcast %sqrt3A_183 : vector<1x128xf32> to vector<1024x128xf32>
    %div3A_185 = arith.divf %sub3A_179, %div3A_184 : vector<1024x128xf32>
    %mul3A_186 = vector.broadcast %get3A_159 : vector<1x128xf32> to vector<1024x128xf32>
    %mul3A_187 = arith.mulf %div3A_185, %mul3A_186 : vector<1024x128xf32>
    %add3A_188 = vector.broadcast %get3A_162 : vector<1x128xf32> to vector<1024x128xf32>
    %add3A_189 = arith.addf %mul3A_187, %add3A_188 : vector<1024x128xf32>
    %max3A_190 = arith.constant 0.000000e+00 : f32
    %max3A_191 = vector.broadcast %max3A_190 : f32 to vector<1024x128xf32>
    %max3A_192 = arith.maximumf %add3A_189, %max3A_191 : vector<1024x128xf32>
    %add3A_193 = arith.addf %max3A_192, %max3A_37 : vector<1024x128xf32>
    %max3A_194 = arith.constant 0.000000e+00 : f32
    %max3A_195 = vector.broadcast %max3A_194 : f32 to vector<1024x128xf32>
    %max3A_196 = arith.maximumf %add3A_193, %max3A_195 : vector<1024x128xf32>
    %get3A_197 = arith.constant 0 : index
    %get3A_198 = arith.constant 0 : index
    %get3A_199 = vector.load %arg21[%get3A_197, %get3A_198] : memref<128x128xf32, #tpu.memory_space<vmem>>, vector<128x128xf32>
    %dot_general3A_200 = arith.constant dense<0.000000e+00> : vector<1024x128xf32>
    %dot_general3A_201 = tpu.matmul %max3A_196, %get3A_199, %dot_general3A_200 {dimension_numbers = #tpu.dot_dimension_numbers<[1], [0], [0], [1], [0, 0, 1, 1], [], []>, transpose_lhs_hint = false} : vector<1024x128xf32>, vector<128x128xf32>, vector<1024x128xf32> -> vector<1024x128xf32>
    %get3A_202 = arith.constant 0 : index
    %get3A_203 = arith.constant 0 : index
    %get3A_204 = vector.load %arg22[%get3A_202, %get3A_203] : memref<1x128xf32, #tpu.memory_space<vmem>>, vector<1x128xf32>
    %add3A_205 = vector.broadcast %get3A_204 : vector<1x128xf32> to vector<1024x128xf32>
    %add3A_206 = arith.addf %dot_general3A_201, %add3A_205 : vector<1024x128xf32>
    %max3A_207 = arith.constant 0.000000e+00 : f32
    %max3A_208 = vector.broadcast %max3A_207 : f32 to vector<1024x128xf32>
    %max3A_209 = arith.maximumf %add3A_206, %max3A_208 : vector<1024x128xf32>
    %get3A_210 = arith.constant 0 : index
    %get3A_211 = arith.constant 0 : index
    %get3A_212 = vector.load %arg23[%get3A_210, %get3A_211] : memref<128x128xf32, #tpu.memory_space<vmem>>, vector<128x128xf32>
    %dot_general3A_213 = arith.constant dense<0.000000e+00> : vector<1024x128xf32>
    %dot_general3A_214 = tpu.matmul %max3A_209, %get3A_212, %dot_general3A_213 {dimension_numbers = #tpu.dot_dimension_numbers<[1], [0], [0], [1], [0, 0, 1, 1], [], []>, transpose_lhs_hint = false} : vector<1024x128xf32>, vector<128x128xf32>, vector<1024x128xf32> -> vector<1024x128xf32>
    %get3A_215 = arith.constant 0 : index
    %get3A_216 = arith.constant 0 : index
    %get3A_217 = vector.load %arg24[%get3A_215, %get3A_216] : memref<1x128xf32, #tpu.memory_space<vmem>>, vector<1x128xf32>
    %add3A_218 = vector.broadcast %get3A_217 : vector<1x128xf32> to vector<1024x128xf32>
    %add3A_219 = arith.addf %dot_general3A_214, %add3A_218 : vector<1024x128xf32>
    %add3A_220 = arith.addf %max3A_196, %add3A_219 : vector<1024x128xf32>
    %max3A_221 = arith.constant 0.000000e+00 : f32
    %max3A_222 = vector.broadcast %max3A_221 : f32 to vector<1024x128xf32>
    %max3A_223 = arith.maximumf %add3A_220, %max3A_222 : vector<1024x128xf32>
    %swap3A = arith.constant 0 : index
    %swap3A_224 = arith.constant 0 : index
    %swap3A_225 = vector.load %arg31[%swap3A, %swap3A_224] : memref<1024x128xf32, #tpu.memory_space<vmem>>, vector<1024x128xf32>
    tpu.vector_store %arg31[%swap3A, %swap3A_224], %max3A_223 {strides = array<i32>} : memref<1024x128xf32, #tpu.memory_space<vmem>>, vector<1024x128xf32>,
    %get3A_226 = arith.constant 0 : index
    %get3A_227 = arith.constant 0 : index
    %get3A_228 = vector.load %arg25[%get3A_226, %get3A_227] : memref<128x128xf32, #tpu.memory_space<vmem>>, vector<128x128xf32>
    %dot_general3A_229 = arith.constant dense<0.000000e+00> : vector<1024x128xf32>
    %dot_general3A_230 = tpu.matmul %max3A_223, %get3A_228, %dot_general3A_229 {dimension_numbers = #tpu.dot_dimension_numbers<[1], [0], [0], [1], [0, 0, 1, 1], [], []>, transpose_lhs_hint = false} : vector<1024x128xf32>, vector<128x128xf32>, vector<1024x128xf32> -> vector<1024x128xf32>
    %get3A_231 = arith.constant 0 : index
    %get3A_232 = arith.constant 0 : index
    %get3A_233 = vector.load %arg26[%get3A_231, %get3A_232] : memref<1x128xf32, #tpu.memory_space<vmem>>, vector<1x128xf32>
    %add3A_234 = vector.broadcast %get3A_233 : vector<1x128xf32> to vector<1024x128xf32>
    %add3A_235 = arith.addf %dot_general3A_230, %add3A_234 : vector<1024x128xf32>
    %get3A_236 = arith.constant 0 : index
    %get3A_237 = arith.constant 0 : index
    %get3A_238 = vector.load %arg27[%get3A_236, %get3A_237] : memref<1x128xf32, #tpu.memory_space<vmem>>, vector<1x128xf32>
    %get3A_239 = arith.constant 0 : index
    %get3A_240 = arith.constant 0 : index
    %get3A_241 = vector.load %arg28[%get3A_239, %get3A_240] : memref<1x128xf32, #tpu.memory_space<vmem>>, vector<1x128xf32>
    %reduce_sum3A_242 = arith.constant dense<0.000000e+00> : vector<128xf32>
    %reduce_sum3A_243 = vector.multi_reduction <add>, %add3A_235, %reduce_sum3A_242 [0] : vector<1024x128xf32> to vector<128xf32>
    %broadcast_in_dim3A_244 = vector.shape_cast %reduce_sum3A_243 : vector<128xf32> to vector<1x128xf32>
    %div3A_245 = arith.constant 1.024000e+03 : f32
    %div3A_246 = vector.broadcast %div3A_245 : f32 to vector<1x128xf32>
    %div3A_247 = arith.divf %broadcast_in_dim3A_244, %div3A_246 : vector<1x128xf32>
    %sub3A_248 = vector.broadcast %div3A_247 : vector<1x128xf32> to vector<1024x128xf32>
    %sub3A_249 = arith.subf %add3A_235, %sub3A_248 : vector<1024x128xf32>
    %integer_pow3A_250 = arith.mulf %sub3A_249, %sub3A_249 : vector<1024x128xf32>
    %reduce_sum3A_251 = arith.constant dense<0.000000e+00> : vector<128xf32>
    %reduce_sum3A_252 = vector.multi_reduction <add>, %integer_pow3A_250, %reduce_sum3A_251 [0] : vector<1024x128xf32> to vector<128xf32>
    %broadcast_in_dim3A_253 = vector.shape_cast %reduce_sum3A_252 : vector<128xf32> to vector<1x128xf32>
    %div3A_254 = arith.constant 1.024000e+03 : f32
    %div3A_255 = vector.broadcast %div3A_254 : f32 to vector<1x128xf32>
    %div3A_256 = arith.divf %broadcast_in_dim3A_253, %div3A_255 : vector<1x128xf32>
    %sub3A_257 = vector.broadcast %div3A_247 : vector<1x128xf32> to vector<1024x128xf32>
    %sub3A_258 = arith.subf %add3A_235, %sub3A_257 : vector<1024x128xf32>
    %add3A_259 = arith.constant 9.99999974E-6 : f32
    %add3A_260 = vector.broadcast %add3A_259 : f32 to vector<1x128xf32>
    %add3A_261 = arith.addf %div3A_256, %add3A_260 : vector<1x128xf32>
    %sqrt3A_262 = math.sqrt %add3A_261 : vector<1x128xf32>
    %div3A_263 = vector.broadcast %sqrt3A_262 : vector<1x128xf32> to vector<1024x128xf32>
    %div3A_264 = arith.divf %sub3A_258, %div3A_263 : vector<1024x128xf32>
    %mul3A_265 = vector.broadcast %get3A_238 : vector<1x128xf32> to vector<1024x128xf32>
    %mul3A_266 = arith.mulf %div3A_264, %mul3A_265 : vector<1024x128xf32>
    %add3A_267 = vector.broadcast %get3A_241 : vector<1x128xf32> to vector<1024x128xf32>
    %add3A_268 = arith.addf %mul3A_266, %add3A_267 : vector<1024x128xf32>
    %max3A_269 = arith.constant 0.000000e+00 : f32
    %max3A_270 = vector.broadcast %max3A_269 : f32 to vector<1024x128xf32>
    %max3A_271 = arith.maximumf %add3A_268, %max3A_270 : vector<1024x128xf32>
    %get3A_272 = arith.constant 0 : index
    %get3A_273 = arith.constant 0 : index
    %get3A_274 = vector.load %arg29[%get3A_272, %get3A_273] : memref<128x128xf32, #tpu.memory_space<vmem>>, vector<128x128xf32>
    %dot_general3A_275 = arith.constant dense<0.000000e+00> : vector<1024x128xf32>
    %dot_general3A_276 = tpu.matmul %max3A_271, %get3A_274, %dot_general3A_275 {dimension_numbers = #tpu.dot_dimension_numbers<[1], [0], [0], [1], [0, 0, 1, 1], [], []>, transpose_lhs_hint = false} : vector<1024x128xf32>, vector<128x128xf32>, vector<1024x128xf32> -> vector<1024x128xf32>
    %get3A_277 = arith.constant 0 : index
    %get3A_278 = arith.constant 0 : index
    %get3A_279 = vector.load %arg30[%get3A_277, %get3A_278] : memref<1x128xf32, #tpu.memory_space<vmem>>, vector<1x128xf32>
    %add3A_280 = vector.broadcast %get3A_279 : vector<1x128xf32> to vector<1024x128xf32>
    %add3A_281 = arith.addf %dot_general3A_276, %add3A_280 : vector<1024x128xf32>
    %swap3A_282 = arith.constant 0 : index
    %swap3A_283 = arith.constant 0 : index
    %swap3A_284 = vector.load %arg32[%swap3A_282, %swap3A_283] : memref<1024x128xf32, #tpu.memory_space<vmem>>, vector<1024x128xf32>
    tpu.vector_store %arg32[%swap3A_282, %swap3A_283], %add3A_281 {strides = array<i32>} : memref<1024x128xf32, #tpu.memory_space<vmem>>, vector<1024x128xf32>,
    return
  }
}

module attributes {stable_mosaic.version = 14 : i64} {
  func.func @_af_body(%arg0: memref<1024x128xf32, #tpu.memory_space<vmem>>, %arg1: memref<1024x128xf32, #tpu.memory_space<vmem>>, %arg2: memref<1024x16xf32, #tpu.memory_space<vmem>>, %arg3: memref<1024x16xf32, #tpu.memory_space<vmem>>, %arg4: memref<16384x128xf32, #tpu.memory_space<vmem>>, %arg5: memref<1024x128xf32, #tpu.memory_space<vmem>>, %arg6: memref<1024x16xf32, #tpu.memory_space<vmem>>, %arg7: memref<16x64xf32, #tpu.memory_space<vmem>>, %arg8: memref<1x64xf32, #tpu.memory_space<vmem>>, %arg9: memref<64x128xf32, #tpu.memory_space<vmem>>, %arg10: memref<1x128xf32, #tpu.memory_space<vmem>>, %arg11: memref<128x128xf32, #tpu.memory_space<vmem>>, %arg12: memref<1x128xf32, #tpu.memory_space<vmem>>, %arg13: memref<384x128xf32, #tpu.memory_space<vmem>>, %arg14: memref<1x128xf32, #tpu.memory_space<vmem>>, %arg15: memref<128x128xf32, #tpu.memory_space<vmem>>, %arg16: memref<1x128xf32, #tpu.memory_space<vmem>>, %arg17: memref<1x128xf32, #tpu.memory_space<vmem>>, %arg18: memref<1x128xf32, #tpu.memory_space<vmem>>, %arg19: memref<1x128xf32, #tpu.memory_space<vmem>>, %arg20: memref<1x128xf32, #tpu.memory_space<vmem>>, %arg21: memref<128x128xf32, #tpu.memory_space<vmem>>, %arg22: memref<1x128xf32, #tpu.memory_space<vmem>>, %arg23: memref<128x128xf32, #tpu.memory_space<vmem>>, %arg24: memref<1x128xf32, #tpu.memory_space<vmem>>, %arg25: memref<1024x128xf32, #tpu.memory_space<vmem>>) attributes {dimension_semantics = [], scalar_prefetch = 0 : i64, scratch_operands = 0 : i64, tpu.core_type = #tpu.core_type<tc>} {
    %get3A = arith.constant 0 : index
    %get3A_0 = arith.constant 0 : index
    %get3A_1 = vector.load %arg1[%get3A, %get3A_0] : memref<1024x128xf32, #tpu.memory_space<vmem>>, vector<1024x128xf32>
    %mul3A = arith.mulf %get3A_1, %get3A_1 : vector<1024x128xf32>
    %reduce_sum3A = arith.constant dense<0.000000e+00> : vector<1024xf32>
    %reduce_sum3A_2 = vector.multi_reduction <add>, %mul3A, %reduce_sum3A [1] : vector<1024x128xf32> to vector<1024xf32>
    %broadcast_in_dim3A = vector.shape_cast %reduce_sum3A_2 : vector<1024xf32> to vector<1024x1xf32>
    %sqrt3A = math.sqrt %broadcast_in_dim3A : vector<1024x1xf32>
    %max3A = arith.constant 9.99999993E-9 : f32
    %max3A_3 = vector.broadcast %max3A : f32 to vector<1024x1xf32>
    %max3A_4 = arith.maximumf %sqrt3A, %max3A_3 : vector<1024x1xf32>
    %get3A_5 = arith.constant 0 : index
    %get3A_6 = arith.constant 0 : index
    %get3A_7 = vector.load %arg2[%get3A_5, %get3A_6] : memref<1024x16xf32, #tpu.memory_space<vmem>>, vector<1024x16xf32>
    %get3A_8 = arith.constant 0 : index
    %get3A_9 = arith.constant 0 : index
    %get3A_10 = vector.load %arg3[%get3A_8, %get3A_9] : memref<1024x16xf32, #tpu.memory_space<vmem>>, vector<1024x16xf32>
    %mul3A_11 = vector.broadcast %max3A_4 : vector<1024x1xf32> to vector<1024x16xf32>
    %mul3A_12 = arith.mulf %mul3A_11, %get3A_10 : vector<1024x16xf32>
    %div3A = arith.divf %get3A_7, %mul3A_12 : vector<1024x16xf32>
    %div3A_13 = arith.constant 5.000000e+00 : f32
    %div3A_14 = vector.broadcast %div3A_13 : f32 to vector<1024x16xf32>
    %div3A_15 = arith.divf %div3A, %div3A_14 : vector<1024x16xf32>
    %reduce_max3A = arith.constant dense<0xFF800000> : vector<1024xf32>
    %reduce_max3A_16 = vector.multi_reduction <maximumf>, %div3A_15, %reduce_max3A [1] : vector<1024x16xf32> to vector<1024xf32>
    %broadcast_in_dim3A_17 = vector.shape_cast %reduce_max3A_16 : vector<1024xf32> to vector<1024x1xf32>
    %sub3A = vector.broadcast %broadcast_in_dim3A_17 : vector<1024x1xf32> to vector<1024x16xf32>
    %sub3A_18 = arith.subf %div3A_15, %sub3A : vector<1024x16xf32>
    %exp3A = math.exp %sub3A_18 : vector<1024x16xf32>
    %reduce_sum3A_19 = arith.constant dense<0.000000e+00> : vector<1024xf32>
    %reduce_sum3A_20 = vector.multi_reduction <add>, %exp3A, %reduce_sum3A_19 [1] : vector<1024x16xf32> to vector<1024xf32>
    %broadcast_in_dim3A_21 = vector.shape_cast %reduce_sum3A_20 : vector<1024xf32> to vector<1024x1xf32>
    %div3A_22 = vector.broadcast %broadcast_in_dim3A_21 : vector<1024x1xf32> to vector<1024x16xf32>
    %div3A_23 = arith.divf %exp3A, %div3A_22 : vector<1024x16xf32>
    %get3A_24 = arith.constant 0 : index
    %get3A_25 = arith.constant 0 : index
    %get3A_26 = vector.load %arg4[%get3A_24, %get3A_25] : memref<16384x128xf32, #tpu.memory_space<vmem>>, vector<16384x128xf32>
    %reshape3A = vector.shape_cast %get3A_26 : vector<16384x128xf32> to vector<1024x16x128xf32>
    %broadcast_in_dim3A_27 = vector.shape_cast %div3A_23 : vector<1024x16xf32> to vector<1024x16x1xf32>
    %mul3A_28 = vector.broadcast %broadcast_in_dim3A_27 : vector<1024x16x1xf32> to vector<1024x16x128xf32>
    %mul3A_29 = arith.mulf %mul3A_28, %reshape3A : vector<1024x16x128xf32>
    %reduce_sum3A_30 = arith.constant dense<0.000000e+00> : vector<1024x128xf32>
    %reduce_sum3A_31 = vector.multi_reduction <add>, %mul3A_29, %reduce_sum3A_30 [1] : vector<1024x16x128xf32> to vector<1024x128xf32>
    %get3A_32 = arith.constant 0 : index
    %get3A_33 = arith.constant 0 : index
    %get3A_34 = vector.load %arg0[%get3A_32, %get3A_33] : memref<1024x128xf32, #tpu.memory_space<vmem>>, vector<1024x128xf32>
    %add3A = arith.addf %reduce_sum3A_31, %get3A_34 : vector<1024x128xf32>
    %max3A_35 = arith.constant 0.000000e+00 : f32
    %max3A_36 = vector.broadcast %max3A_35 : f32 to vector<1024x128xf32>
    %max3A_37 = arith.maximumf %add3A, %max3A_36 : vector<1024x128xf32>
    %get3A_38 = arith.constant 0 : index
    %get3A_39 = arith.constant 0 : index
    %get3A_40 = vector.load %arg6[%get3A_38, %get3A_39] : memref<1024x16xf32, #tpu.memory_space<vmem>>, vector<1024x16xf32>
    %get3A_41 = arith.constant 0 : index
    %get3A_42 = arith.constant 0 : index
    %get3A_43 = vector.load %arg7[%get3A_41, %get3A_42] : memref<16x64xf32, #tpu.memory_space<vmem>>, vector<16x64xf32>
    %dot_general3A = arith.constant dense<0.000000e+00> : vector<1024x64xf32>
    %dot_general3A_44 = tpu.matmul %get3A_40, %get3A_43, %dot_general3A {dimension_numbers = #tpu.dot_dimension_numbers<[1], [0], [0], [1], [0, 0, 1, 1], [], []>, transpose_lhs_hint = false} : vector<1024x16xf32>, vector<16x64xf32>, vector<1024x64xf32> -> vector<1024x64xf32>
    %get3A_45 = arith.constant 0 : index
    %get3A_46 = arith.constant 0 : index
    %get3A_47 = vector.load %arg8[%get3A_45, %get3A_46] : memref<1x64xf32, #tpu.memory_space<vmem>>, vector<1x64xf32>
    %add3A_48 = vector.broadcast %get3A_47 : vector<1x64xf32> to vector<1024x64xf32>
    %add3A_49 = arith.addf %dot_general3A_44, %add3A_48 : vector<1024x64xf32>
    %max3A_50 = arith.constant 0.000000e+00 : f32
    %max3A_51 = vector.broadcast %max3A_50 : f32 to vector<1024x64xf32>
    %max3A_52 = arith.maximumf %add3A_49, %max3A_51 : vector<1024x64xf32>
    %get3A_53 = arith.constant 0 : index
    %get3A_54 = arith.constant 0 : index
    %get3A_55 = vector.load %arg9[%get3A_53, %get3A_54] : memref<64x128xf32, #tpu.memory_space<vmem>>, vector<64x128xf32>
    %dot_general3A_56 = arith.constant dense<0.000000e+00> : vector<1024x128xf32>
    %dot_general3A_57 = tpu.matmul %max3A_52, %get3A_55, %dot_general3A_56 {dimension_numbers = #tpu.dot_dimension_numbers<[1], [0], [0], [1], [0, 0, 1, 1], [], []>, transpose_lhs_hint = false} : vector<1024x64xf32>, vector<64x128xf32>, vector<1024x128xf32> -> vector<1024x128xf32>
    %get3A_58 = arith.constant 0 : index
    %get3A_59 = arith.constant 0 : index
    %get3A_60 = vector.load %arg10[%get3A_58, %get3A_59] : memref<1x128xf32, #tpu.memory_space<vmem>>, vector<1x128xf32>
    %add3A_61 = vector.broadcast %get3A_60 : vector<1x128xf32> to vector<1024x128xf32>
    %add3A_62 = arith.addf %dot_general3A_57, %add3A_61 : vector<1024x128xf32>
    %max3A_63 = arith.constant 0.000000e+00 : f32
    %max3A_64 = vector.broadcast %max3A_63 : f32 to vector<1024x128xf32>
    %max3A_65 = arith.maximumf %add3A_62, %max3A_64 : vector<1024x128xf32>
    %get3A_66 = arith.constant 0 : index
    %get3A_67 = arith.constant 0 : index
    %get3A_68 = vector.load %arg11[%get3A_66, %get3A_67] : memref<128x128xf32, #tpu.memory_space<vmem>>, vector<128x128xf32>
    %dot_general3A_69 = arith.constant dense<0.000000e+00> : vector<1024x128xf32>
    %dot_general3A_70 = tpu.matmul %max3A_65, %get3A_68, %dot_general3A_69 {dimension_numbers = #tpu.dot_dimension_numbers<[1], [0], [0], [1], [0, 0, 1, 1], [], []>, transpose_lhs_hint = false} : vector<1024x128xf32>, vector<128x128xf32>, vector<1024x128xf32> -> vector<1024x128xf32>
    %get3A_71 = arith.constant 0 : index
    %get3A_72 = arith.constant 0 : index
    %get3A_73 = vector.load %arg12[%get3A_71, %get3A_72] : memref<1x128xf32, #tpu.memory_space<vmem>>, vector<1x128xf32>
    %add3A_74 = vector.broadcast %get3A_73 : vector<1x128xf32> to vector<1024x128xf32>
    %add3A_75 = arith.addf %dot_general3A_70, %add3A_74 : vector<1024x128xf32>
    %get3A_76 = arith.constant 0 : index
    %get3A_77 = arith.constant 0 : index
    %get3A_78 = vector.load %arg5[%get3A_76, %get3A_77] : memref<1024x128xf32, #tpu.memory_space<vmem>>, vector<1024x128xf32>
    %add3A_79 = arith.addf %add3A_75, %get3A_78 : vector<1024x128xf32>
    %reshape3A_80 = vector.shape_cast %max3A_37 : vector<1024x128xf32> to vector<4x256x128xf32>
    %reduce_sum3A_81 = arith.constant dense<0.000000e+00> : vector<4x128xf32>
    %reduce_sum3A_82 = vector.multi_reduction <add>, %reshape3A_80, %reduce_sum3A_81 [1] : vector<4x256x128xf32> to vector<4x128xf32>
    %div3A_83 = arith.constant 2.560000e+02 : f32
    %div3A_84 = vector.broadcast %div3A_83 : f32 to vector<4x128xf32>
    %div3A_85 = arith.divf %reduce_sum3A_82, %div3A_84 : vector<4x128xf32>
    %get3A_86 = arith.constant 128 : index
    %get3A_87 = arith.constant 0 : index
    %get3A_88 = vector.load %arg13[%get3A_86, %get3A_87] : memref<384x128xf32, #tpu.memory_space<vmem>>, vector<128x128xf32>
    %dot_general3A_89 = arith.constant dense<0.000000e+00> : vector<4x128xf32>
    %dot_general3A_90 = tpu.matmul %div3A_85, %get3A_88, %dot_general3A_89 {dimension_numbers = #tpu.dot_dimension_numbers<[1], [0], [0], [1], [0, 0, 1, 1], [], []>, transpose_lhs_hint = false} : vector<4x128xf32>, vector<128x128xf32>, vector<4x128xf32> -> vector<4x128xf32>
    %broadcast_in_dim3A_91 = vector.shape_cast %dot_general3A_90 : vector<4x128xf32> to vector<4x1x128xf32>
    %broadcast_in_dim3A_92 = vector.shape_cast %broadcast_in_dim3A_91 : vector<4x1x128xf32> to vector<4x1x128xf32>
    %broadcast_in_dim3A_93 = vector.broadcast %broadcast_in_dim3A_92 : vector<4x1x128xf32> to vector<4x256x128xf32>
    %reshape3A_94 = vector.shape_cast %broadcast_in_dim3A_93 : vector<4x256x128xf32> to vector<1024x128xf32>
    %get3A_95 = arith.constant 0 : index
    %get3A_96 = arith.constant 0 : index
    %get3A_97 = vector.load %arg13[%get3A_95, %get3A_96] : memref<384x128xf32, #tpu.memory_space<vmem>>, vector<128x128xf32>
    %dot_general3A_98 = arith.constant dense<0.000000e+00> : vector<1024x128xf32>
    %dot_general3A_99 = tpu.matmul %max3A_37, %get3A_97, %dot_general3A_98 {dimension_numbers = #tpu.dot_dimension_numbers<[1], [0], [0], [1], [0, 0, 1, 1], [], []>, transpose_lhs_hint = false} : vector<1024x128xf32>, vector<128x128xf32>, vector<1024x128xf32> -> vector<1024x128xf32>
    %add3A_100 = arith.addf %dot_general3A_99, %reshape3A_94 : vector<1024x128xf32>
    %get3A_101 = arith.constant 256 : index
    %get3A_102 = arith.constant 0 : index
    %get3A_103 = vector.load %arg13[%get3A_101, %get3A_102] : memref<384x128xf32, #tpu.memory_space<vmem>>, vector<128x128xf32>
    %dot_general3A_104 = arith.constant dense<0.000000e+00> : vector<1024x128xf32>
    %dot_general3A_105 = tpu.matmul %add3A_79, %get3A_103, %dot_general3A_104 {dimension_numbers = #tpu.dot_dimension_numbers<[1], [0], [0], [1], [0, 0, 1, 1], [], []>, transpose_lhs_hint = false} : vector<1024x128xf32>, vector<128x128xf32>, vector<1024x128xf32> -> vector<1024x128xf32>
    %add3A_106 = arith.addf %add3A_100, %dot_general3A_105 : vector<1024x128xf32>
    %get3A_107 = arith.constant 0 : index
    %get3A_108 = arith.constant 0 : index
    %get3A_109 = vector.load %arg14[%get3A_107, %get3A_108] : memref<1x128xf32, #tpu.memory_space<vmem>>, vector<1x128xf32>
    %add3A_110 = vector.broadcast %get3A_109 : vector<1x128xf32> to vector<1024x128xf32>
    %add3A_111 = arith.addf %add3A_106, %add3A_110 : vector<1024x128xf32>
    %get3A_112 = arith.constant 0 : index
    %get3A_113 = arith.constant 0 : index
    %get3A_114 = vector.load %arg17[%get3A_112, %get3A_113] : memref<1x128xf32, #tpu.memory_space<vmem>>, vector<1x128xf32>
    %get3A_115 = arith.constant 0 : index
    %get3A_116 = arith.constant 0 : index
    %get3A_117 = vector.load %arg18[%get3A_115, %get3A_116] : memref<1x128xf32, #tpu.memory_space<vmem>>, vector<1x128xf32>
    %reduce_sum3A_118 = arith.constant dense<0.000000e+00> : vector<128xf32>
    %reduce_sum3A_119 = vector.multi_reduction <add>, %add3A_111, %reduce_sum3A_118 [0] : vector<1024x128xf32> to vector<128xf32>
    %broadcast_in_dim3A_120 = vector.shape_cast %reduce_sum3A_119 : vector<128xf32> to vector<1x128xf32>
    %div3A_121 = arith.constant 1.024000e+03 : f32
    %div3A_122 = vector.broadcast %div3A_121 : f32 to vector<1x128xf32>
    %div3A_123 = arith.divf %broadcast_in_dim3A_120, %div3A_122 : vector<1x128xf32>
    %sub3A_124 = vector.broadcast %div3A_123 : vector<1x128xf32> to vector<1024x128xf32>
    %sub3A_125 = arith.subf %add3A_111, %sub3A_124 : vector<1024x128xf32>
    %integer_pow3A = arith.mulf %sub3A_125, %sub3A_125 : vector<1024x128xf32>
    %reduce_sum3A_126 = arith.constant dense<0.000000e+00> : vector<128xf32>
    %reduce_sum3A_127 = vector.multi_reduction <add>, %integer_pow3A, %reduce_sum3A_126 [0] : vector<1024x128xf32> to vector<128xf32>
    %broadcast_in_dim3A_128 = vector.shape_cast %reduce_sum3A_127 : vector<128xf32> to vector<1x128xf32>
    %div3A_129 = arith.constant 1.024000e+03 : f32
    %div3A_130 = vector.broadcast %div3A_129 : f32 to vector<1x128xf32>
    %div3A_131 = arith.divf %broadcast_in_dim3A_128, %div3A_130 : vector<1x128xf32>
    %sub3A_132 = vector.broadcast %div3A_123 : vector<1x128xf32> to vector<1024x128xf32>
    %sub3A_133 = arith.subf %add3A_111, %sub3A_132 : vector<1024x128xf32>
    %add3A_134 = arith.constant 9.99999974E-6 : f32
    %add3A_135 = vector.broadcast %add3A_134 : f32 to vector<1x128xf32>
    %add3A_136 = arith.addf %div3A_131, %add3A_135 : vector<1x128xf32>
    %sqrt3A_137 = math.sqrt %add3A_136 : vector<1x128xf32>
    %div3A_138 = vector.broadcast %sqrt3A_137 : vector<1x128xf32> to vector<1024x128xf32>
    %div3A_139 = arith.divf %sub3A_133, %div3A_138 : vector<1024x128xf32>
    %mul3A_140 = vector.broadcast %get3A_114 : vector<1x128xf32> to vector<1024x128xf32>
    %mul3A_141 = arith.mulf %div3A_139, %mul3A_140 : vector<1024x128xf32>
    %add3A_142 = vector.broadcast %get3A_117 : vector<1x128xf32> to vector<1024x128xf32>
    %add3A_143 = arith.addf %mul3A_141, %add3A_142 : vector<1024x128xf32>
    %max3A_144 = arith.constant 0.000000e+00 : f32
    %max3A_145 = vector.broadcast %max3A_144 : f32 to vector<1024x128xf32>
    %max3A_146 = arith.maximumf %add3A_143, %max3A_145 : vector<1024x128xf32>
    %get3A_147 = arith.constant 0 : index
    %get3A_148 = arith.constant 0 : index
    %get3A_149 = vector.load %arg15[%get3A_147, %get3A_148] : memref<128x128xf32, #tpu.memory_space<vmem>>, vector<128x128xf32>
    %dot_general3A_150 = arith.constant dense<0.000000e+00> : vector<1024x128xf32>
    %dot_general3A_151 = tpu.matmul %max3A_146, %get3A_149, %dot_general3A_150 {dimension_numbers = #tpu.dot_dimension_numbers<[1], [0], [0], [1], [0, 0, 1, 1], [], []>, transpose_lhs_hint = false} : vector<1024x128xf32>, vector<128x128xf32>, vector<1024x128xf32> -> vector<1024x128xf32>
    %get3A_152 = arith.constant 0 : index
    %get3A_153 = arith.constant 0 : index
    %get3A_154 = vector.load %arg16[%get3A_152, %get3A_153] : memref<1x128xf32, #tpu.memory_space<vmem>>, vector<1x128xf32>
    %add3A_155 = vector.broadcast %get3A_154 : vector<1x128xf32> to vector<1024x128xf32>
    %add3A_156 = arith.addf %dot_general3A_151, %add3A_155 : vector<1024x128xf32>
    %get3A_157 = arith.constant 0 : index
    %get3A_158 = arith.constant 0 : index
    %get3A_159 = vector.load %arg19[%get3A_157, %get3A_158] : memref<1x128xf32, #tpu.memory_space<vmem>>, vector<1x128xf32>
    %get3A_160 = arith.constant 0 : index
    %get3A_161 = arith.constant 0 : index
    %get3A_162 = vector.load %arg20[%get3A_160, %get3A_161] : memref<1x128xf32, #tpu.memory_space<vmem>>, vector<1x128xf32>
    %reduce_sum3A_163 = arith.constant dense<0.000000e+00> : vector<128xf32>
    %reduce_sum3A_164 = vector.multi_reduction <add>, %add3A_156, %reduce_sum3A_163 [0] : vector<1024x128xf32> to vector<128xf32>
    %broadcast_in_dim3A_165 = vector.shape_cast %reduce_sum3A_164 : vector<128xf32> to vector<1x128xf32>
    %div3A_166 = arith.constant 1.024000e+03 : f32
    %div3A_167 = vector.broadcast %div3A_166 : f32 to vector<1x128xf32>
    %div3A_168 = arith.divf %broadcast_in_dim3A_165, %div3A_167 : vector<1x128xf32>
    %sub3A_169 = vector.broadcast %div3A_168 : vector<1x128xf32> to vector<1024x128xf32>
    %sub3A_170 = arith.subf %add3A_156, %sub3A_169 : vector<1024x128xf32>
    %integer_pow3A_171 = arith.mulf %sub3A_170, %sub3A_170 : vector<1024x128xf32>
    %reduce_sum3A_172 = arith.constant dense<0.000000e+00> : vector<128xf32>
    %reduce_sum3A_173 = vector.multi_reduction <add>, %integer_pow3A_171, %reduce_sum3A_172 [0] : vector<1024x128xf32> to vector<128xf32>
    %broadcast_in_dim3A_174 = vector.shape_cast %reduce_sum3A_173 : vector<128xf32> to vector<1x128xf32>
    %div3A_175 = arith.constant 1.024000e+03 : f32
    %div3A_176 = vector.broadcast %div3A_175 : f32 to vector<1x128xf32>
    %div3A_177 = arith.divf %broadcast_in_dim3A_174, %div3A_176 : vector<1x128xf32>
    %sub3A_178 = vector.broadcast %div3A_168 : vector<1x128xf32> to vector<1024x128xf32>
    %sub3A_179 = arith.subf %add3A_156, %sub3A_178 : vector<1024x128xf32>
    %add3A_180 = arith.constant 9.99999974E-6 : f32
    %add3A_181 = vector.broadcast %add3A_180 : f32 to vector<1x128xf32>
    %add3A_182 = arith.addf %div3A_177, %add3A_181 : vector<1x128xf32>
    %sqrt3A_183 = math.sqrt %add3A_182 : vector<1x128xf32>
    %div3A_184 = vector.broadcast %sqrt3A_183 : vector<1x128xf32> to vector<1024x128xf32>
    %div3A_185 = arith.divf %sub3A_179, %div3A_184 : vector<1024x128xf32>
    %mul3A_186 = vector.broadcast %get3A_159 : vector<1x128xf32> to vector<1024x128xf32>
    %mul3A_187 = arith.mulf %div3A_185, %mul3A_186 : vector<1024x128xf32>
    %add3A_188 = vector.broadcast %get3A_162 : vector<1x128xf32> to vector<1024x128xf32>
    %add3A_189 = arith.addf %mul3A_187, %add3A_188 : vector<1024x128xf32>
    %max3A_190 = arith.constant 0.000000e+00 : f32
    %max3A_191 = vector.broadcast %max3A_190 : f32 to vector<1024x128xf32>
    %max3A_192 = arith.maximumf %add3A_189, %max3A_191 : vector<1024x128xf32>
    %add3A_193 = arith.addf %max3A_192, %max3A_37 : vector<1024x128xf32>
    %max3A_194 = arith.constant 0.000000e+00 : f32
    %max3A_195 = vector.broadcast %max3A_194 : f32 to vector<1024x128xf32>
    %max3A_196 = arith.maximumf %add3A_193, %max3A_195 : vector<1024x128xf32>
    %get3A_197 = arith.constant 0 : index
    %get3A_198 = arith.constant 0 : index
    %get3A_199 = vector.load %arg21[%get3A_197, %get3A_198] : memref<128x128xf32, #tpu.memory_space<vmem>>, vector<128x128xf32>
    %dot_general3A_200 = arith.constant dense<0.000000e+00> : vector<1024x128xf32>
    %dot_general3A_201 = tpu.matmul %max3A_196, %get3A_199, %dot_general3A_200 {dimension_numbers = #tpu.dot_dimension_numbers<[1], [0], [0], [1], [0, 0, 1, 1], [], []>, transpose_lhs_hint = false} : vector<1024x128xf32>, vector<128x128xf32>, vector<1024x128xf32> -> vector<1024x128xf32>
    %get3A_202 = arith.constant 0 : index
    %get3A_203 = arith.constant 0 : index
    %get3A_204 = vector.load %arg22[%get3A_202, %get3A_203] : memref<1x128xf32, #tpu.memory_space<vmem>>, vector<1x128xf32>
    %add3A_205 = vector.broadcast %get3A_204 : vector<1x128xf32> to vector<1024x128xf32>
    %add3A_206 = arith.addf %dot_general3A_201, %add3A_205 : vector<1024x128xf32>
    %max3A_207 = arith.constant 0.000000e+00 : f32
    %max3A_208 = vector.broadcast %max3A_207 : f32 to vector<1024x128xf32>
    %max3A_209 = arith.maximumf %add3A_206, %max3A_208 : vector<1024x128xf32>
    %get3A_210 = arith.constant 0 : index
    %get3A_211 = arith.constant 0 : index
    %get3A_212 = vector.load %arg23[%get3A_210, %get3A_211] : memref<128x128xf32, #tpu.memory_space<vmem>>, vector<128x128xf32>
    %dot_general3A_213 = arith.constant dense<0.000000e+00> : vector<1024x128xf32>
    %dot_general3A_214 = tpu.matmul %max3A_209, %get3A_212, %dot_general3A_213 {dimension_numbers = #tpu.dot_dimension_numbers<[1], [0], [0], [1], [0, 0, 1, 1], [], []>, transpose_lhs_hint = false} : vector<1024x128xf32>, vector<128x128xf32>, vector<1024x128xf32> -> vector<1024x128xf32>
    %get3A_215 = arith.constant 0 : index
    %get3A_216 = arith.constant 0 : index
    %get3A_217 = vector.load %arg24[%get3A_215, %get3A_216] : memref<1x128xf32, #tpu.memory_space<vmem>>, vector<1x128xf32>
    %add3A_218 = vector.broadcast %get3A_217 : vector<1x128xf32> to vector<1024x128xf32>
    %add3A_219 = arith.addf %dot_general3A_214, %add3A_218 : vector<1024x128xf32>
    %add3A_220 = arith.addf %max3A_196, %add3A_219 : vector<1024x128xf32>
    %max3A_221 = arith.constant 0.000000e+00 : f32
    %max3A_222 = vector.broadcast %max3A_221 : f32 to vector<1024x128xf32>
    %max3A_223 = arith.maximumf %add3A_220, %max3A_222 : vector<1024x128xf32>
    %swap3A = arith.constant 0 : index
    %swap3A_224 = arith.constant 0 : index
    %swap3A_225 = vector.load %arg25[%swap3A, %swap3A_224] : memref<1024x128xf32, #tpu.memory_space<vmem>>, vector<1024x128xf32>
    tpu.vector_store %arg25[%swap3A, %swap3A_224], %max3A_223 {strides = array<i32>} : memref<1024x128xf32, #tpu.memory_space<vmem>>, vector<1024x128xf32>,
    return
  }
}

</mosaic_0001>

<sc_bundles>
// kernel: kernel.11.cloned.1.call-start
scs
__scs_entry_jumppad:
0x0: {  	(pc) =	sbr.rel $0x88, $3  }
0x1: {  	(tag) =	ssettag $0x0;
	lr =	simm.s32 $0x1  }
0x2: {  	[smem:$0x3F4D] =	sst lr;
	_ =	strace $0xD0000000  }
0x3: {  	_ = 	snop  }
0x4: {  	_ = 	snop  }
0x5: {  	_ = 	snop  }
0x6: {  	_ = 	snop  }
0x7: {  	_ = 	snop  }
__scs_overlays_trampoline_lowered:
0x8: {  	[smem:$0x3F5C] =	sst s0  }
0x9: {  	[smem:$0x3F5D] =	sst s1  }
0xa: {  	[smem:$0x3F5E] =	sst s2  }
0xb: {  	[smem:$0x3F5F] =	sst s3  }
0xc: {  	[smem:$0x3F60] =	sst s4  }
0xd: {  	[smem:$0x3F61] =	sst s5  }
0xe: {  	[smem:$0x3F62] =	sst s6  }
0xf: {  	[smem:$0x3F63] =	sst s7  }
0x10: {  	[smem:$0x3F64] =	sst s8  }
0x11: {  	[smem:$0x3F65] =	sst s9;
	s0 =	simm.s32 @!p0 $0x0  }
0x12: {  	s1 =	sld [smem:$0x3F4B];
	s0 =	simm.s32 @p0 $0x1  }
0x13: {  	[smem:$0x3F66] =	sst s0;
	s0 =	simm.s32 @!p1 $0x0  }
0x14: {  	s2 =	sld [smem:$0x3F4A];
	s0 =	simm.s32 @p1 $0x1  }
0x15: {  	[smem:$0x3F67] =	sst s0;
	s0 =	simm.s32 @!p2 $0x0  }
0x16: {  	s3 =	sld [smem:$0x3FDB];
	s0 =	simm.s32 @p2 $0x1  }
0x17: {  	s4 =	simm.s32 $0x1BF5;
	[smem:$0x3F69] =	sst s0  }
0x18: {  	s0 =	sld [smem:$0x3F4C];
	_ =	swait.ge [sflag:s4], $0x0  }
0x19: {  	s7 =	sld [smem:$0x3F4D]  }
0x1a: {  	s8 =	sadd.s32 $0xFFFFE003, lr  }
0x1b: {  	s9 =	sadd.s32 $0xFFFFFEF7, lr;
	s5 =	simm.s32 $0xFFFFFFFF;
	p2 =	slt.u32 s8, $0xFFFFF086  }
0x1c: {  	p1 =	slt.u32 s9, $0xF7A;
	s5 =	simm.s32 @!p2 $0x0  }
0x1d: {  	s5 =	simm.s32 @p1 $0x1;
	p0 =	seq.s32 s7, s2  }
0x1e: {  	s7 =	smul.u32 @!p0 $0xF7A, s2;
	p2 =	seq.s32 @!p0 s5, $0x0  }
0x1f: {  	s9 =	smul.u32 $0xF7A, s1;
	s8 =	simm.s32 @!p0 $0x1BF5;
	p2 =	por !p2, p0  }
0x20: {  	[sflag:s8] =	ssyncset.s32 @!p0 $0xFFFFF086;
	s6 =	sadd.s32 @!p0 s3, s7;
	s7 =	simm.s32 @!p0 $0x108  }
0x21: {  	s3 =	sadd.s32 s3, s9;
	s6 =	sadd.s32 @!p0 $0x88, s6;
	s7 =	simm.s32 @p2 $0x1082  }
0x22: {  	[simem:s7], [sflag:s8] =	dma.local @!p0 [hbm:s6], $0xF7A  }
0x23: {  	s9 =	sor.u32 $0xD0000000, s2;
	s6 =	simm.s32 $0x108;
	_ =	swait.ge @!p0 [sflag:s8], $0x0  }
0x24: {  	s3 =	sadd.s32 $0x88, s3;
	s6 =	simm.s32 @!p1 $0x1082;
	[sflag:s4] =	ssyncset.s32 $0xFFFFF086  }
0x25: {  	[simem:s6], [sflag:s4] =	dma.local [hbm:s3], $0xF7A  }
0x26: {  	[smem:$0x3F4D] =	sst s1;
	(tag) =	ssettag s2;
	_ =	strace s9  }
0x27: {  	s1 =	sld [smem:$0x3F5D]  }
0x28: {  	s2 =	sld [smem:$0x3F5E]  }
0x29: {  	s4 =	sld [smem:$0x3F60]  }
0x2a: {  	p0 =	seq.s32 s5, $0x0;
	s5 =	sld [smem:$0x3F61]  }
0x2b: {  	s6 =	sld [smem:$0x3F62]  }
0x2c: {  	s7 =	sld [smem:$0x3F63]  }
0x2d: {  	s3 =	simm.s32 $0x108;
	s8 =	sld [smem:$0x3F64]  }
0x2e: {  	s3 =	simm.s32 @!p0 $0x1082;
	s9 =	sld [smem:$0x3F65]  }
0x2f: {  	lr =	sadd.s32 s0, s3;
	s0 =	sld [smem:$0x3F5C]  }
0x30: {  	s3 =	sld [smem:$0x3F5F]  }
0x31: {  	[smem:$0x3F68] =	sst s10  }
0x32: {  	s10 =	sld [smem:$0x3F66];
	_ =	sdelay $0x3  }
0x33: {  	p0 =	seq.s32 s10, $0x1;
	s10 =	sld [smem:$0x3F68];
	_ =	sdelay $0x3  }
0x34: {  	[smem:$0x3F68] =	sst s10  }
0x35: {  	s10 =	sld [smem:$0x3F67];
	_ =	sdelay $0x3  }
0x36: {  	p1 =	seq.s32 s10, $0x1;
	s10 =	sld [smem:$0x3F68];
	_ =	sdelay $0x3  }
0x37: {  	[smem:$0x3F68] =	sst s10  }
0x38: {  	s10 =	sld [smem:$0x3F69]  }
0x39: {  	_ = 	snop;
	(pc) =	sbr.ind lr, $3  }
0x3a: {  	_ = 	snop  }
0x3b: {  	_ = 	snop  }
0x3c: {  	p2 =	seq.s32 s10, $0x1;
	s10 =	sld [smem:$0x3F68]  }
0x3d: {  	_ =	shalt  }
0x3e: {  	_ =	shalt  }
0x3f: {  	_ =	shalt  }
0x40: {  	_ =	shalt  }
0x41: {  	_ =	shalt  }
0x42: {  	_ =	shalt  }
0x43: {  	_ =	shalt  }
0x44: {  	_ =	shalt  }
0x45: {  	_ =	shalt  }
0x46: {  	_ =	shalt  }
0x47: {  	_ =	shalt  }
0x48: {  	_ =	shalt  }
0x49: {  	_ =	shalt  }
0x4a: {  	_ =	shalt  }
0x4b: {  	_ =	shalt  }
0x4c: {  	_ =	shalt  }
0x4d: {  	_ =	shalt  }
0x4e: {  	_ =	shalt  }
0x4f: {  	_ =	shalt  }
0x50: {  	_ =	shalt  }
0x51: {  	_ =	shalt  }
0x52: {  	_ =	shalt  }
0x53: {  	_ =	shalt  }
0x54: {  	_ =	shalt  }
0x55: {  	_ =	shalt  }
0x56: {  	_ =	shalt  }
0x57: {  	_ =	shalt  }
0x58: {  	_ =	shalt  }
0x59: {  	_ =	shalt  }
0x5a: {  	_ =	shalt  }
0x5b: {  	_ =	shalt  }
0x5c: {  	_ =	shalt  }
0x5d: {  	_ =	shalt  }
0x5e: {  	_ =	shalt  }
0x5f: {  	_ =	shalt  }
0x60: {  	_ =	shalt  }
0x61: {  	_ =	shalt  }
0x62: {  	_ =	shalt  }
0x63: {  	_ =	shalt  }
0x64: {  	_ =	shalt  }
0x65: {  	_ =	shalt  }
0x66: {  	_ =	shalt  }
0x67: {  	_ =	shalt  }
0x68: {  	_ =	shalt  }
0x69: {  	_ =	shalt  }
0x6a: {  	_ =	shalt  }
0x6b: {  	_ =	shalt  }
0x6c: {  	_ =	shalt  }
0x6d: {  	_ =	shalt  }
0x6e: {  	_ =	shalt  }
0x6f: {  	_ =	shalt  }
0x70: {  	_ =	shalt  }
0x71: {  	_ =	shalt  }
0x72: {  	_ =	shalt  }
0x73: {  	_ =	shalt  }
0x74: {  	_ =	shalt  }
0x75: {  	_ =	shalt  }
0x76: {  	_ =	shalt  }
0x77: {  	_ =	shalt  }
0x78: {  	_ =	shalt  }
0x79: {  	_ =	shalt  }
0x7a: {  	_ =	shalt  }
0x7b: {  	_ =	shalt  }
0x7c: {  	_ =	shalt  }
0x7d: {  	_ =	shalt  }
0x7e: {  	_ =	shalt  }
0x7f: {  	_ =	shalt  }
0x80: {  	_ =	shalt  }
0x81: {  	_ =	shalt  }
0x82: {  	_ =	shalt  }
0x83: {  	_ =	shalt  }
0x84: {  	_ =	shalt  }
0x85: {  	_ =	shalt  }
0x86: {  	_ =	shalt  }
0x87: {  	_ =	shalt  }
.Lfunc_end0:
.L_simem_size_0:
called_computation_lowered:
.L_overlay_start_0:
0x88: {  	s2 =	sld [smem:$0x3FD9]  }
0x89: {  	s3 =	sld [smem:$0x3FFE];
	_ =	sdelay $0x1  }
0x8a: {  	s1 =	srdreg.scid  }
0x8b: {  	s0 =	sand.u32 $0x1, s1  }
0x8c: {  	s17 =	sshll.u32 s0, $0xA;
	s2 =	sadd.s32 s3, s2  }
0x8d: {  	s2 =	sadd.s32 s2, s17  }
0x8e: {  	[smem:$0x3F74] =	sst s2  }
0x8f: {  	_ = 	snop  }
0x90: {  	s2 =	sld [smem:$0x3FC7]  }
0x91: {  	s18 =	sld [smem:$0x3FD0];
	(tm) =	ssettm $0x1  }
0x92: {  	s4 =	sld [smem:$0x3FFB];
	_ =	sdelay $0x3  }
0x93: {  	_ =	strace s4  }
0x94: {  	s4 =	sld [smem:$0x3FFC];
	_ =	sdelay $0x3  }
0x95: {  	_ =	strace s4  }
0x96: {  	s4 =	sld [smem:$0x3FFD];
	_ =	sdelay $0x3  }
0x97: {  	_ =	strace s4  }
0x98: {  	_ =	strace $0x8FFFFFFF  }
0x99: {  	s19 =	sld [smem:$0x3FDB];
	_ =	sdelay $0x1  }
0x9a: {  	s5 =	simm.s32 $_scs_section_size  }
0x9b: {  	s6 =	simm.s32 $_size__tile_overlayer_lowered;
	s7 =	simm.s32 $_tile_overlayer_lowered  }
0x9c: {  	s22 =	simm.s32 $0x1BFF;
	s21 =	sshll.u32 s7, $0x1;
	s4 =	sadd.s32 s5, s19  }
0x9d: {  	s8 =	simm.s32 $0x0;
	s20 =	sshll.u32 s6, $0x1;
	s6 =	sadd.s32 s21, s4  }
0x9e: {  	[timem:s8], [sflag:s22] =	dma.local [hbm:s6], s20  }
0x9f: {  	_ =	swait.ge [sflag:s22], s20  }
0xa0: {  	s5 =	ssub.s32 $0x0, s20;
	[sflag:s22] =	ssyncset.done $0x0  }
0xa1: {  	[sflag:s22] =	ssyncadd.s32 s5;
	_ =	sdelay $0x1  }
0xa2: {  	s23 =	simm.s32 $0x1B8B  }
0xa3: {  	_ =	swait.ge [sflag:s23], $0x1  }
0xa4: {  	[sflag:s23] =	ssyncset.done $0x0  }
0xa5: {  	s25 =	simm.s32 $0x1B8E;
	s24 =	sld [smem:$0x3FFE];
	[sflag:s23] =	ssyncadd.s32 $0xFFFFFFFF  }
0xa6: {  	s26 =	simm.s32 $execute0_lowered;
	[smem:$0x3FD2] =	sst s25  }
0xa7: {  	s6 =	sshll.u32 s26, $0x1;
	_ =	strace $0x80000046;
	[dreg:$0x1] =	wrdreg $0xFFFFFFFF  }
0xa8: {  	s28 =	simm.s32 $_size_execute0_lowered;
	s4 =	sadd.s32 s4, s6;
	[dreg:$0x0] =	wrdreg $0x0  }
0xa9: {  	s6 =	sshll.u32 s28, $0x1;
	[dreg:$0x2] =	wrdreg s4  }
0xaa: {  	[dreg:$0x3] =	wrdreg s6  }
0xab: {  	[dreg:$0x4] =	wrdreg $0xC0  }
0xac: {  	_ =	task [dreg:s8], $0x5FFFF  }
0xad: {  	[dreg:$0x1] =	wrdreg $0xFFFFFFFF  }
0xae: {  	[dreg:$0x0] =	wrdreg $0x60  }
0xaf: {  	[dreg:$0x2] =	wrdreg s24  }
0xb0: {  	[dreg:$0x3] =	wrdreg s2  }
0xb1: {  	[dreg:$0x4] =	wrdreg s18  }
0xb2: {  	[dreg:$0x5] =	wrdreg $0x9  }
0xb3: {  	_ =	task.clear_ibuf [dreg:s8], $0x6FFFF;
	_ =	strace $0x90000046  }
0xb4: {  	s29 =	simm.s32 $0x9;
	_ =	strace $0x80000048  }
0xb5: {  	_ =	swait.ge [sflag:s29], $0x1  }
0xb6: {  	[sflag:s29] =	ssyncadd.s32 $0xFFFFFFFF  }
0xb7: {  	_ =	strace $0x90000048  }
0xb8: {  	_ =	sfence  }
0xb9: {  	s30 =	sld [smem:$0x0];
	_ =	sdelay $0x2  }
0xba: {  	s31 =	sshll.u32 s1, $0xD;
	s1 =	sshrl.u32 s1, $0x2  }
0xbb: {  	s3 =	sand.u32 $0x4000, s31;
	s1 =	sadd.s32 s1, s30  }
0xbc: {  	s0 =	sor.u32 s3, s0;
	s1 =	sshll.u32 s1, $0x11  }
0xbd: {  	s0 =	sor.u32 s1, s0  }
0xbe: {  	s0 =	sadd.s32 $0x8F2B, s0  }
0xbf: {  	[sflag:s0] =	ssyncadd.remote.s32 $0x1  }
0xc0: {  	_ =	sfence.sel $0xFFFF  }
0xc1: {  	[dreg:$0x0] =	wrdreg $0xFFFFFFFF;
	(pc) =	sbr.abs _section_cstart, $3  }
0xc2: {  	[dreg:$0x1] =	wrdreg $0xFFFFFFFF  }
0xc3: {  	_ =	task.clear_ibuf [dreg:s8], $0x2FFFF;
	_ =	strace $0x9FFFFFFF  }
0xc4: {  	(tm) =	ssettm $0x7FFFFFFF  }
0xc5: {  	_ =	shalt  }
tec
execute0_lowered:
.L_overlay_start_1:
0x0: {  	(tag) =	ssettag $0x1  }
0x1: {  	s0 =	stileid.u32  }
0x2: {  	v0 =	vlaneseq.u32;
	s4 =	sshrl.u32 s0, $0x2  }
0x3: {  	v0 =	vmul.u32 $0x80, v0;
	s1 =	sshll.u32 s4, $0xD  }
0x4: {  	v1 =	vmov s1  }
0x5: {  	v2 =	vor.u32 $0x1, v0;
	v6 =	vor.u32 $0x802, v0;
	v7 =	vor.u32 $0x1000, v0  }
0x6: {  	v8 =	vor.u32 $0x1001, v0;
	v9 =	vor.u32 $0x1002, v0;
	v10 =	vor.u32 $0x1800, v0  }
0x7: {  	v11 =	vor.u32 $0x1801, v0;
	v12 =	vor.u32 $0x1802, v0;
	v13 =	vor.u32 $0x2000, v0  }
0x8: {  	v14 =	vor.u32 $0x2001, v0;
	v15 =	vor.u32 $0x2002, v0;
	v16 =	vor.u32 $0x2800, v0  }
0x9: {  	v17 =	vor.u32 $0x2801, v0;
	v18 =	vor.u32 $0x2802, v0;
	v19 =	vor.u32 $0x3000, v0  }
0xa: {  	v20 =	vor.u32 $0x3001, v0;
	v21 =	vor.u32 $0x3002, v0;
	v22 =	vor.u32 $0x3800, v0  }
0xb: {  	s5 =	rddreg [dreg:$0x0];
	v23 =	vor.u32 $0x3801, v0;
	v24 =	vor.u32 $0x3802, v0;
	v25 =	vor.u32 $0x4000, v0  }
0xc: {  	s2 =	srdreg.scid;
	s6 =	rddreg [dreg:$0x2];
	v26 =	vor.u32 $0x4001, v0;
	v27 =	vor.u32 $0x4002, v0;
	v28 =	vor.u32 $0x4800, v0  }
0xd: {  	s3 =	simm.s32 $0x0;
	s13 =	simm.s32 $0x400;
	s14 =	simm.s32 $0x4400;
	v29 =	vor.u32 $0x4801, v0;
	v30 =	vor.u32 $0x4802, v0;
	v31 =	vor.u32 $0x5000, v0  }
0xe: {  	s15 =	simm.s32 $0x200;
	s16 =	simm.s32 $0x8400;
	s17 =	simm.s32 $0x1;
	v32 =	vor.u32 $0x5001, v0;
	v33 =	vor.u32 $0x5002, v0;
	v34 =	vor.u32 $0x5800, v0  }
0xf: {  	s18 =	simm.s32 $0x100;
	s19 =	simm.s32 $0x180;
	s20 =	simm.s32 $0xE400;
	v35 =	vor.u32 $0x5801, v0;
	v36 =	vor.u32 $0x5802, v0;
	v37 =	vor.u32 $0x6000, v0  }
0x10: {  	s7 =	sand.u32 $0x1, s2;
	s8 =	sshll.u32 s0, $0x1;
	s2 =	rddreg [dreg:$0x3];
	v38 =	vor.u32 $0x6001, v0;
	v39 =	vor.u32 $0x6002, v0;
	v40 =	vor.u32 $0x6800, v0  }
0x11: {  	[smem:$0x7FF] =	sst s3;
	s10 =	sshll.u32 s0, $0x7;
	s8 =	sor.u32 s7, s8;
	v41 =	vor.u32 $0x6801, v0;
	v42 =	vor.u32 $0x6802, v0;
	v43 =	vor.u32 $0x7000, v0  }
0x12: {  	s10 =	sand.u32 $0x600, s10;
	s28 =	ssub.s32 $0x2, s7;
	s31 =	smul.u32 $0xC00, s4;
	v44 =	vor.u32 $0x7001, v0;
	v45 =	vor.u32 $0x7002, v0;
	v46 =	vor.u32 $0x7800, v0  }
0x13: {  	s1 =	rddreg [dreg:$0x1];
	s9 =	sshll.u32 s8, $0x6;
	s10 =	sadd.s32 s10, s5;
	v47 =	vor.u32 $0x7801, v0;
	v48 =	vor.u32 $0x7802, v0;
	v49 =	vor.u32 $0x8000, v0  }
0x14: {  	s11 =	sshll.u32 s8, $0xD;
	s8 =	sshll.u32 s8, $0x4;
	s30 =	sshrl.u32 s28, $0x1;
	v50 =	vor.u32 $0x8001, v0;
	v51 =	vor.u32 $0x8002, v0;
	v52 =	vor.u32 $0x8800, v0  }
0x15: {  	v53 =	vor.u32 $0x8801, v0;
	v54 =	vor.u32 $0x8802, v0;
	[tilespmem:$0x1FFC0] =	vst v2;
	v2 =	vor.u32 $0x2, v0;
	s9 =	sadd.s32 s9, s5;
	s11 =	sadd.s32 s11, s5;
	s29 =	sand.u32 $0x70, s8  }
0x16: {  	v55 =	vor.u32 $0x9000, v0;
	v56 =	vor.u32 $0x9001, v0;
	s12 =	ssub.s32 s28, s30;
	s6 =	sadd.s32 s6, s31;
	[tilespmem:$0x1FFD0] =	vst v2;
	v2 =	vor.u32 $0x800, v0;
	s7 =	sadd.s32 s29, s10  }
0x17: {  	v57 =	vor.u32 $0x9002, v0;
	s4 =	sadd.s32 $0xBE00, s9;
	s8 =	sadd.s32 $0x4DE00, s11;
	s9 =	sadd.s32 $0xCE00, s11;
	[tilespmem:$0x1FFE0] =	vst v2;
	v2 =	vor.u32 $0x801, v0  }
0x18: {  	v58 =	vor.u32 $0x9800, v0;
	v59 =	vor.u32 $0x9801, v0;
	v60 =	vor.u32 $0x9802, v0;
	s10 =	smax.u32 s12, $0x1;
	s12 =	simm.s32 $0x80;
	s5 =	sadd.s32 $0xC600, s7;
	[tilespmem:$0x1FFF0] =	vst v2  }
0x19: {  	v61 =	vor.u32 $0xA000, v0;
	v62 =	vor.u32 $0xA001, v0;
	v63 =	vor.u32 $0xA002, v0;
	s7 =	sadd.s32 $0x4CE00, s11;
	s11 =	simm.s32 $0x2;
	_ =	strace $0x80000047  }
.LBB2_1:
0x1a: {  	[tilespmem:s3], [sflag:$0x2] =	stream.linear.gather [hbm4b:s4+s3], $0x200, $0x38;
	[tilespmem:$0x1E400] =	vst v63  }
0x1b: {  	_ =	swait.ge [sflag:s11], $0x200  }
0x1c: {  	[sflag:s11] =	ssyncset.done $0x0  }
0x1d: {  	[sflag:s11] =	ssyncadd.s32 $0xFFFFFE00  }
0x1e: {  	[tilespmem:s13], [sflag:$0x1] =	stream.indirect.gather [hbm4b:s1+s12], $0x80, s3, s12, $0xb8;
	[tilespmem:$0x1E400] =	vst v63  }
0x1f: {  	_ = 	snop  }
0x20: {  	[tilespmem:s14], [sflag:$0x1] =	stream.indirect.gather [hbm4b:s1+s12], $0x80, s12, s12, $0xb8;
	[tilespmem:$0x1E400] =	vst v63  }
0x21: {  	_ = 	snop  }
0x22: {  	[tilespmem:s15], [sflag:$0x2] =	stream.strided.gather [hbm4b:s5+s12], $0x200, s13, s12, $0x38;
	[tilespmem:$0x1E400] =	vst v63  }
0x23: {  	_ =	swait.ge [sflag:s11], $0x200  }
0x24: {  	[sflag:s11] =	ssyncset.done $0x0  }
0x25: {  	[sflag:s11] =	ssyncadd.s32 $0xFFFFFE00  }
0x26: {  	[tilespmem:s16], [sflag:$0x2] =	stream.linear.gather [hbm4b:s6+s3], $0x6000, $0x38;
	[tilespmem:$0x1E400] =	vst v63  }
0x27: {  	_ =	swait.ge [sflag:s11], $0x6000  }
0x28: {  	[sflag:s11] =	ssyncset.done $0x0  }
0x29: {  	[sflag:s11] =	ssyncadd.s32 $0xFFFFA000  }
0x2a: {  	_ =	swait.ge [sflag:s17], $0x4000  }
0x2b: {  	[sflag:s17] =	ssyncset.done $0x0  }
0x2c: {  	[sflag:s17] =	ssyncadd.s32 $0xFFFFC000  }
0x2d: {  	_ =	swait.ge [sflag:s17], $0x4000  }
0x2e: {  	[sflag:s17] =	ssyncset.done $0x0  }
0x2f: {  	[sflag:s17] =	ssyncadd.s32 $0xFFFFC000  }
0x30: {  	[hbm4b:s7+s3] =	stream.linear.scatter [tilespmem:s13], [sflag:$0x2], $0x8000, $0x38;
	[tilespmem:$0x1E400] =	vst v63  }
0x31: {  	_ =	swait.ge [sflag:s11], $0x8000  }
0x32: {  	[sflag:s11] =	ssyncset.done $0x0  }
0x33: {  	[sflag:s11] =	ssyncadd.s32 $0xFFFF8000  }
0x34: {  	[tilespmem:s13], [sflag:$0x1] =	stream.indirect.gather [hbm4b:s1+s12], $0x80, s18, s12, $0xb8;
	[tilespmem:$0x1E400] =	vst v63  }
0x35: {  	_ = 	snop  }
0x36: {  	[tilespmem:s14], [sflag:$0x1] =	stream.indirect.gather [hbm4b:s1+s12], $0x80, s19, s12, $0xb8;
	[tilespmem:$0x1E400] =	vst v63  }
0x37: {  	v2 =	vld [tilespmem:$0x200];
	_ =	sdelay $0x4  }
0x38: {  	v2 =	vsub.s32 v2, v1  }
0x39: {  	v2 =	vmul.u32 $0x3, v2;
	_ =	sdelay $0x5  }
0x3a: {  	v3 =	vld.idx.msk [tilespmem:v2+s16+$0x0], $0xffff  }
0x3b: {  	v4 =	vadd.s32 $0x1, v2;
	_ =	sdelay $0x3  }
0x3c: {  	[tilespmem:v0+s20+$0x0] =	vst.idx.msk $0xffff, v3  }
0x3d: {  	v3 =	vld.idx.msk [tilespmem:v4+s16+$0x0], $0xffff  }
0x3e: {  	v4 =	vld [tilespmem:$0x1FFC0];
	_ =	sdelay $0x5  }
0x3f: {  	v2 =	vadd.s32 $0x2, v2;
	_ =	sdelay $0x1  }
0x40: {  	[tilespmem:v4+s20+$0x0] =	vst.idx.msk $0xffff, v3;
	v3 =	vld [tilespmem:$0x1FFD0];
	_ =	sdelay $0x2  }
0x41: {  	v2 =	vld.idx.msk [tilespmem:v2+s16+$0x0], $0xffff;
	_ =	sdelay $0x4  }
0x42: {  	[tilespmem:v3+s20+$0x0] =	vst.idx.msk $0xffff, v2  }
0x43: {  	v2 =	vld [tilespmem:$0x210];
	_ =	sdelay $0x4  }
0x44: {  	v2 =	vsub.s32 v2, v1  }
0x45: {  	v2 =	vmul.u32 $0x3, v2;
	_ =	sdelay $0x2  }
0x46: {  	v5 =	vld [tilespmem:$0x1FFE0];
	_ =	sdelay $0x2  }
0x47: {  	v3 =	vld.idx.msk [tilespmem:v2+s16+$0x0], $0xffff  }
0x48: {  	v4 =	vadd.s32 $0x1, v2;
	_ =	sdelay $0x3  }
0x49: {  	[tilespmem:v5+s20+$0x0] =	vst.idx.msk $0xffff, v3  }
0x4a: {  	v3 =	vld.idx.msk [tilespmem:v4+s16+$0x0], $0xffff  }
0x4b: {  	v4 =	vld [tilespmem:$0x1FFF0];
	_ =	sdelay $0x3  }
0x4c: {  	v2 =	vadd.s32 $0x2, v2;
	_ =	sdelay $0x3  }
0x4d: {  	[tilespmem:v4+s20+$0x0] =	vst.idx.msk $0xffff, v3  }
0x4e: {  	v2 =	vld.idx.msk [tilespmem:v2+s16+$0x0], $0xffff;
	_ =	sdelay $0x4  }
0x4f: {  	[tilespmem:v6+s20+$0x0] =	vst.idx.msk $0xffff, v2  }
0x50: {  	v2 =	vld [tilespmem:$0x220];
	_ =	sdelay $0x4  }
0x51: {  	v2 =	vsub.s32 v2, v1  }
0x52: {  	v2 =	vmul.u32 $0x3, v2;
	_ =	sdelay $0x5  }
0x53: {  	v3 =	vld.idx.msk [tilespmem:v2+s16+$0x0], $0xffff  }
0x54: {  	v4 =	vadd.s32 $0x1, v2;
	_ =	sdelay $0x3  }
0x55: {  	[tilespmem:v7+s20+$0x0] =	vst.idx.msk $0xffff, v3  }
0x56: {  	v3 =	vld.idx.msk [tilespmem:v4+s16+$0x0], $0xffff  }
0x57: {  	v2 =	vadd.s32 $0x2, v2;
	_ =	sdelay $0x3  }
0x58: {  	[tilespmem:v8+s20+$0x0] =	vst.idx.msk $0xffff, v3  }
0x59: {  	v2 =	vld.idx.msk [tilespmem:v2+s16+$0x0], $0xffff;
	_ =	sdelay $0x4  }
0x5a: {  	[tilespmem:v9+s20+$0x0] =	vst.idx.msk $0xffff, v2  }
0x5b: {  	v2 =	vld [tilespmem:$0x230];
	_ =	sdelay $0x4  }
0x5c: {  	v2 =	vsub.s32 v2, v1  }
0x5d: {  	v2 =	vmul.u32 $0x3, v2;
	_ =	sdelay $0x5  }
0x5e: {  	v3 =	vld.idx.msk [tilespmem:v2+s16+$0x0], $0xffff  }
0x5f: {  	v4 =	vadd.s32 $0x1, v2;
	_ =	sdelay $0x3  }
0x60: {  	[tilespmem:v10+s20+$0x0] =	vst.idx.msk $0xffff, v3  }
0x61: {  	v3 =	vld.idx.msk [tilespmem:v4+s16+$0x0], $0xffff  }
0x62: {  	v2 =	vadd.s32 $0x2, v2;
	_ =	sdelay $0x3  }
0x63: {  	[tilespmem:v11+s20+$0x0] =	vst.idx.msk $0xffff, v3  }
0x64: {  	v2 =	vld.idx.msk [tilespmem:v2+s16+$0x0], $0xffff;
	_ =	sdelay $0x4  }
0x65: {  	[tilespmem:v12+s20+$0x0] =	vst.idx.msk $0xffff, v2  }
0x66: {  	v2 =	vld [tilespmem:$0x240];
	_ =	sdelay $0x4  }
0x67: {  	v2 =	vsub.s32 v2, v1  }
0x68: {  	v2 =	vmul.u32 $0x3, v2;
	_ =	sdelay $0x5  }
0x69: {  	v3 =	vld.idx.msk [tilespmem:v2+s16+$0x0], $0xffff  }
0x6a: {  	v4 =	vadd.s32 $0x1, v2;
	_ =	sdelay $0x3  }
0x6b: {  	[tilespmem:v13+s20+$0x0] =	vst.idx.msk $0xffff, v3  }
0x6c: {  	v3 =	vld.idx.msk [tilespmem:v4+s16+$0x0], $0xffff  }
0x6d: {  	v2 =	vadd.s32 $0x2, v2;
	_ =	sdelay $0x3  }
0x6e: {  	[tilespmem:v14+s20+$0x0] =	vst.idx.msk $0xffff, v3  }
0x6f: {  	v2 =	vld.idx.msk [tilespmem:v2+s16+$0x0], $0xffff;
	_ =	sdelay $0x4  }
0x70: {  	[tilespmem:v15+s20+$0x0] =	vst.idx.msk $0xffff, v2  }
0x71: {  	v2 =	vld [tilespmem:$0x250];
	_ =	sdelay $0x4  }
0x72: {  	v2 =	vsub.s32 v2, v1  }
0x73: {  	v2 =	vmul.u32 $0x3, v2;
	_ =	sdelay $0x5  }
0x74: {  	v3 =	vld.idx.msk [tilespmem:v2+s16+$0x0], $0xffff  }
0x75: {  	v4 =	vadd.s32 $0x1, v2;
	_ =	sdelay $0x3  }
0x76: {  	[tilespmem:v16+s20+$0x0] =	vst.idx.msk $0xffff, v3  }
0x77: {  	v3 =	vld.idx.msk [tilespmem:v4+s16+$0x0], $0xffff  }
0x78: {  	v2 =	vadd.s32 $0x2, v2;
	_ =	sdelay $0x3  }
0x79: {  	[tilespmem:v17+s20+$0x0] =	vst.idx.msk $0xffff, v3  }
0x7a: {  	v2 =	vld.idx.msk [tilespmem:v2+s16+$0x0], $0xffff;
	_ =	sdelay $0x4  }
0x7b: {  	[tilespmem:v18+s20+$0x0] =	vst.idx.msk $0xffff, v2  }
0x7c: {  	v2 =	vld [tilespmem:$0x260];
	_ =	sdelay $0x4  }
0x7d: {  	v2 =	vsub.s32 v2, v1  }
0x7e: {  	v2 =	vmul.u32 $0x3, v2;
	_ =	sdelay $0x5  }
0x7f: {  	v3 =	vld.idx.msk [tilespmem:v2+s16+$0x0], $0xffff  }
0x80: {  	v4 =	vadd.s32 $0x1, v2;
	_ =	sdelay $0x3  }
0x81: {  	[tilespmem:v19+s20+$0x0] =	vst.idx.msk $0xffff, v3  }
0x82: {  	v3 =	vld.idx.msk [tilespmem:v4+s16+$0x0], $0xffff  }
0x83: {  	v2 =	vadd.s32 $0x2, v2;
	_ =	sdelay $0x3  }
0x84: {  	[tilespmem:v20+s20+$0x0] =	vst.idx.msk $0xffff, v3  }
0x85: {  	v2 =	vld.idx.msk [tilespmem:v2+s16+$0x0], $0xffff;
	_ =	sdelay $0x4  }
0x86: {  	[tilespmem:v21+s20+$0x0] =	vst.idx.msk $0xffff, v2  }
0x87: {  	v2 =	vld [tilespmem:$0x270];
	_ =	sdelay $0x4  }
0x88: {  	v2 =	vsub.s32 v2, v1  }
0x89: {  	v2 =	vmul.u32 $0x3, v2;
	_ =	sdelay $0x5  }
0x8a: {  	v3 =	vld.idx.msk [tilespmem:v2+s16+$0x0], $0xffff  }
0x8b: {  	v4 =	vadd.s32 $0x1, v2;
	_ =	sdelay $0x3  }
0x8c: {  	[tilespmem:v22+s20+$0x0] =	vst.idx.msk $0xffff, v3  }
0x8d: {  	v3 =	vld.idx.msk [tilespmem:v4+s16+$0x0], $0xffff  }
0x8e: {  	v2 =	vadd.s32 $0x2, v2;
	_ =	sdelay $0x3  }
0x8f: {  	[tilespmem:v23+s20+$0x0] =	vst.idx.msk $0xffff, v3  }
0x90: {  	v2 =	vld.idx.msk [tilespmem:v2+s16+$0x0], $0xffff;
	_ =	sdelay $0x4  }
0x91: {  	[tilespmem:v24+s20+$0x0] =	vst.idx.msk $0xffff, v2  }
0x92: {  	v2 =	vld [tilespmem:$0x280];
	_ =	sdelay $0x4  }
0x93: {  	v2 =	vsub.s32 v2, v1  }
0x94: {  	v2 =	vmul.u32 $0x3, v2;
	_ =	sdelay $0x5  }
0x95: {  	v3 =	vld.idx.msk [tilespmem:v2+s16+$0x0], $0xffff  }
0x96: {  	v4 =	vadd.s32 $0x1, v2;
	_ =	sdelay $0x3  }
0x97: {  	[tilespmem:v25+s20+$0x0] =	vst.idx.msk $0xffff, v3  }
0x98: {  	v3 =	vld.idx.msk [tilespmem:v4+s16+$0x0], $0xffff  }
0x99: {  	v2 =	vadd.s32 $0x2, v2;
	_ =	sdelay $0x3  }
0x9a: {  	[tilespmem:v26+s20+$0x0] =	vst.idx.msk $0xffff, v3  }
0x9b: {  	v2 =	vld.idx.msk [tilespmem:v2+s16+$0x0], $0xffff;
	_ =	sdelay $0x4  }
0x9c: {  	[tilespmem:v27+s20+$0x0] =	vst.idx.msk $0xffff, v2  }
0x9d: {  	v2 =	vld [tilespmem:$0x290];
	_ =	sdelay $0x4  }
0x9e: {  	v2 =	vsub.s32 v2, v1  }
0x9f: {  	v2 =	vmul.u32 $0x3, v2;
	_ =	sdelay $0x5  }
0xa0: {  	v3 =	vld.idx.msk [tilespmem:v2+s16+$0x0], $0xffff  }
0xa1: {  	v4 =	vadd.s32 $0x1, v2;
	_ =	sdelay $0x3  }
0xa2: {  	[tilespmem:v28+s20+$0x0] =	vst.idx.msk $0xffff, v3  }
0xa3: {  	v3 =	vld.idx.msk [tilespmem:v4+s16+$0x0], $0xffff  }
0xa4: {  	v2 =	vadd.s32 $0x2, v2;
	_ =	sdelay $0x3  }
0xa5: {  	[tilespmem:v29+s20+$0x0] =	vst.idx.msk $0xffff, v3  }
0xa6: {  	v2 =	vld.idx.msk [tilespmem:v2+s16+$0x0], $0xffff;
	_ =	sdelay $0x4  }
0xa7: {  	[tilespmem:v30+s20+$0x0] =	vst.idx.msk $0xffff, v2  }
0xa8: {  	v2 =	vld [tilespmem:$0x2A0];
	_ =	sdelay $0x4  }
0xa9: {  	v2 =	vsub.s32 v2, v1  }
0xaa: {  	v2 =	vmul.u32 $0x3, v2;
	_ =	sdelay $0x5  }
0xab: {  	v3 =	vld.idx.msk [tilespmem:v2+s16+$0x0], $0xffff  }
0xac: {  	v4 =	vadd.s32 $0x1, v2;
	_ =	sdelay $0x3  }
0xad: {  	[tilespmem:v31+s20+$0x0] =	vst.idx.msk $0xffff, v3  }
0xae: {  	v3 =	vld.idx.msk [tilespmem:v4+s16+$0x0], $0xffff  }
0xaf: {  	v2 =	vadd.s32 $0x2, v2;
	_ =	sdelay $0x3  }
0xb0: {  	[tilespmem:v32+s20+$0x0] =	vst.idx.msk $0xffff, v3  }
0xb1: {  	v2 =	vld.idx.msk [tilespmem:v2+s16+$0x0], $0xffff;
	_ =	sdelay $0x4  }
0xb2: {  	[tilespmem:v33+s20+$0x0] =	vst.idx.msk $0xffff, v2  }
0xb3: {  	v2 =	vld [tilespmem:$0x2B0];
	_ =	sdelay $0x4  }
0xb4: {  	v2 =	vsub.s32 v2, v1  }
0xb5: {  	v2 =	vmul.u32 $0x3, v2;
	_ =	sdelay $0x5  }
0xb6: {  	v3 =	vld.idx.msk [tilespmem:v2+s16+$0x0], $0xffff  }
0xb7: {  	v4 =	vadd.s32 $0x1, v2;
	_ =	sdelay $0x3  }
0xb8: {  	[tilespmem:v34+s20+$0x0] =	vst.idx.msk $0xffff, v3  }
0xb9: {  	v3 =	vld.idx.msk [tilespmem:v4+s16+$0x0], $0xffff  }
0xba: {  	v2 =	vadd.s32 $0x2, v2;
	_ =	sdelay $0x3  }
0xbb: {  	[tilespmem:v35+s20+$0x0] =	vst.idx.msk $0xffff, v3  }
0xbc: {  	v2 =	vld.idx.msk [tilespmem:v2+s16+$0x0], $0xffff;
	_ =	sdelay $0x4  }
0xbd: {  	[tilespmem:v36+s20+$0x0] =	vst.idx.msk $0xffff, v2  }
0xbe: {  	v2 =	vld [tilespmem:$0x2C0];
	_ =	sdelay $0x4  }
0xbf: {  	v2 =	vsub.s32 v2, v1  }
0xc0: {  	v2 =	vmul.u32 $0x3, v2;
	_ =	sdelay $0x5  }
0xc1: {  	v3 =	vld.idx.msk [tilespmem:v2+s16+$0x0], $0xffff  }
0xc2: {  	v4 =	vadd.s32 $0x1, v2;
	_ =	sdelay $0x3  }
0xc3: {  	[tilespmem:v37+s20+$0x0] =	vst.idx.msk $0xffff, v3  }
0xc4: {  	v3 =	vld.idx.msk [tilespmem:v4+s16+$0x0], $0xffff  }
0xc5: {  	v2 =	vadd.s32 $0x2, v2;
	_ =	sdelay $0x3  }
0xc6: {  	[tilespmem:v38+s20+$0x0] =	vst.idx.msk $0xffff, v3  }
0xc7: {  	v2 =	vld.idx.msk [tilespmem:v2+s16+$0x0], $0xffff;
	_ =	sdelay $0x4  }
0xc8: {  	[tilespmem:v39+s20+$0x0] =	vst.idx.msk $0xffff, v2  }
0xc9: {  	v2 =	vld [tilespmem:$0x2D0];
	_ =	sdelay $0x4  }
0xca: {  	v2 =	vsub.s32 v2, v1  }
0xcb: {  	v2 =	vmul.u32 $0x3, v2;
	_ =	sdelay $0x5  }
0xcc: {  	v3 =	vld.idx.msk [tilespmem:v2+s16+$0x0], $0xffff  }
0xcd: {  	v4 =	vadd.s32 $0x1, v2;
	_ =	sdelay $0x3  }
0xce: {  	[tilespmem:v40+s20+$0x0] =	vst.idx.msk $0xffff, v3  }
0xcf: {  	v3 =	vld.idx.msk [tilespmem:v4+s16+$0x0], $0xffff  }
0xd0: {  	v2 =	vadd.s32 $0x2, v2;
	_ =	sdelay $0x3  }
0xd1: {  	[tilespmem:v41+s20+$0x0] =	vst.idx.msk $0xffff, v3  }
0xd2: {  	v2 =	vld.idx.msk [tilespmem:v2+s16+$0x0], $0xffff;
	_ =	sdelay $0x4  }
0xd3: {  	[tilespmem:v42+s20+$0x0] =	vst.idx.msk $0xffff, v2  }
0xd4: {  	v2 =	vld [tilespmem:$0x2E0];
	_ =	sdelay $0x4  }
0xd5: {  	v2 =	vsub.s32 v2, v1  }
0xd6: {  	v2 =	vmul.u32 $0x3, v2;
	_ =	sdelay $0x5  }
0xd7: {  	v3 =	vld.idx.msk [tilespmem:v2+s16+$0x0], $0xffff  }
0xd8: {  	v4 =	vadd.s32 $0x1, v2;
	_ =	sdelay $0x3  }
0xd9: {  	[tilespmem:v43+s20+$0x0] =	vst.idx.msk $0xffff, v3  }
0xda: {  	v3 =	vld.idx.msk [tilespmem:v4+s16+$0x0], $0xffff  }
0xdb: {  	v2 =	vadd.s32 $0x2, v2;
	_ =	sdelay $0x3  }
0xdc: {  	[tilespmem:v44+s20+$0x0] =	vst.idx.msk $0xffff, v3  }
0xdd: {  	v2 =	vld.idx.msk [tilespmem:v2+s16+$0x0], $0xffff;
	_ =	sdelay $0x4  }
0xde: {  	[tilespmem:v45+s20+$0x0] =	vst.idx.msk $0xffff, v2  }
0xdf: {  	v2 =	vld [tilespmem:$0x2F0];
	_ =	sdelay $0x4  }
0xe0: {  	v2 =	vsub.s32 v2, v1  }
0xe1: {  	v2 =	vmul.u32 $0x3, v2;
	_ =	sdelay $0x5  }
0xe2: {  	v3 =	vld.idx.msk [tilespmem:v2+s16+$0x0], $0xffff  }
0xe3: {  	v4 =	vadd.s32 $0x1, v2;
	_ =	sdelay $0x3  }
0xe4: {  	[tilespmem:v46+s20+$0x0] =	vst.idx.msk $0xffff, v3  }
0xe5: {  	v3 =	vld.idx.msk [tilespmem:v4+s16+$0x0], $0xffff  }
0xe6: {  	v2 =	vadd.s32 $0x2, v2;
	_ =	sdelay $0x3  }
0xe7: {  	[tilespmem:v47+s20+$0x0] =	vst.idx.msk $0xffff, v3  }
0xe8: {  	v2 =	vld.idx.msk [tilespmem:v2+s16+$0x0], $0xffff;
	_ =	sdelay $0x4  }
0xe9: {  	[tilespmem:v48+s20+$0x0] =	vst.idx.msk $0xffff, v2  }
0xea: {  	v2 =	vld [tilespmem:$0x300];
	_ =	sdelay $0x4  }
0xeb: {  	v2 =	vsub.s32 v2, v1  }
0xec: {  	v2 =	vmul.u32 $0x3, v2;
	_ =	sdelay $0x5  }
0xed: {  	v3 =	vld.idx.msk [tilespmem:v2+s16+$0x0], $0xffff  }
0xee: {  	v4 =	vadd.s32 $0x1, v2;
	_ =	sdelay $0x3  }
0xef: {  	[tilespmem:v49+s20+$0x0] =	vst.idx.msk $0xffff, v3  }
0xf0: {  	v3 =	vld.idx.msk [tilespmem:v4+s16+$0x0], $0xffff  }
0xf1: {  	v2 =	vadd.s32 $0x2, v2;
	_ =	sdelay $0x3  }
0xf2: {  	[tilespmem:v50+s20+$0x0] =	vst.idx.msk $0xffff, v3  }
0xf3: {  	v2 =	vld.idx.msk [tilespmem:v2+s16+$0x0], $0xffff;
	_ =	sdelay $0x4  }
0xf4: {  	[tilespmem:v51+s20+$0x0] =	vst.idx.msk $0xffff, v2  }
0xf5: {  	v2 =	vld [tilespmem:$0x310];
	_ =	sdelay $0x4  }
0xf6: {  	v2 =	vsub.s32 v2, v1  }
0xf7: {  	v2 =	vmul.u32 $0x3, v2;
	_ =	sdelay $0x5  }
0xf8: {  	v3 =	vld.idx.msk [tilespmem:v2+s16+$0x0], $0xffff  }
0xf9: {  	v4 =	vadd.s32 $0x1, v2;
	_ =	sdelay $0x3  }
0xfa: {  	[tilespmem:v52+s20+$0x0] =	vst.idx.msk $0xffff, v3  }
0xfb: {  	v3 =	vld.idx.msk [tilespmem:v4+s16+$0x0], $0xffff  }
0xfc: {  	v2 =	vadd.s32 $0x2, v2;
	_ =	sdelay $0x3  }
0xfd: {  	[tilespmem:v53+s20+$0x0] =	vst.idx.msk $0xffff, v3  }
0xfe: {  	v2 =	vld.idx.msk [tilespmem:v2+s16+$0x0], $0xffff;
	_ =	sdelay $0x4  }
0xff: {  	[tilespmem:v54+s20+$0x0] =	vst.idx.msk $0xffff, v2  }
0x100: {  	v2 =	vld [tilespmem:$0x320];
	_ =	sdelay $0x4  }
0x101: {  	v2 =	vsub.s32 v2, v1  }
0x102: {  	v2 =	vmul.u32 $0x3, v2;
	_ =	sdelay $0x5  }
0x103: {  	v3 =	vld.idx.msk [tilespmem:v2+s16+$0x0], $0xffff  }
0x104: {  	v4 =	vadd.s32 $0x1, v2;
	_ =	sdelay $0x3  }
0x105: {  	[tilespmem:v55+s20+$0x0] =	vst.idx.msk $0xffff, v3  }
0x106: {  	v3 =	vld.idx.msk [tilespmem:v4+s16+$0x0], $0xffff  }
0x107: {  	v2 =	vadd.s32 $0x2, v2;
	_ =	sdelay $0x3  }
0x108: {  	[tilespmem:v56+s20+$0x0] =	vst.idx.msk $0xffff, v3  }
0x109: {  	v2 =	vld.idx.msk [tilespmem:v2+s16+$0x0], $0xffff;
	_ =	sdelay $0x4  }
0x10a: {  	[tilespmem:v57+s20+$0x0] =	vst.idx.msk $0xffff, v2  }
0x10b: {  	v2 =	vld [tilespmem:$0x330];
	_ =	sdelay $0x4  }
0x10c: {  	v2 =	vsub.s32 v2, v1  }
0x10d: {  	v2 =	vmul.u32 $0x3, v2;
	_ =	sdelay $0x5  }
0x10e: {  	v3 =	vld.idx.msk [tilespmem:v2+s16+$0x0], $0xffff  }
0x10f: {  	v4 =	vadd.s32 $0x1, v2;
	_ =	sdelay $0x3  }
0x110: {  	[tilespmem:v58+s20+$0x0] =	vst.idx.msk $0xffff, v3  }
0x111: {  	v3 =	vld.idx.msk [tilespmem:v4+s16+$0x0], $0xffff  }
0x112: {  	v2 =	vadd.s32 $0x2, v2;
	_ =	sdelay $0x3  }
0x113: {  	[tilespmem:v59+s20+$0x0] =	vst.idx.msk $0xffff, v3  }
0x114: {  	v2 =	vld.idx.msk [tilespmem:v2+s16+$0x0], $0xffff;
	_ =	sdelay $0x4  }
0x115: {  	[tilespmem:v60+s20+$0x0] =	vst.idx.msk $0xffff, v2  }
0x116: {  	v2 =	vld [tilespmem:$0x340];
	_ =	sdelay $0x4  }
0x117: {  	v2 =	vsub.s32 v2, v1  }
0x118: {  	v2 =	vmul.u32 $0x3, v2;
	_ =	sdelay $0x5  }
0x119: {  	v3 =	vld.idx.msk [tilespmem:v2+s16+$0x0], $0xffff  }
0x11a: {  	v4 =	vadd.s32 $0x1, v2;
	_ =	sdelay $0x3  }
0x11b: {  	[tilespmem:v61+s20+$0x0] =	vst.idx.msk $0xffff, v3  }
0x11c: {  	v3 =	vld.idx.msk [tilespmem:v4+s16+$0x0], $0xffff  }
0x11d: {  	v2 =	vadd.s32 $0x2, v2;
	_ =	sdelay $0x3  }
0x11e: {  	[tilespmem:v62+s20+$0x0] =	vst.idx.msk $0xffff, v3  }
0x11f: {  	v2 =	vld.idx.msk [tilespmem:v2+s16+$0x0], $0xffff;
	_ =	sdelay $0x4  }
0x120: {  	[tilespmem:v63+s20+$0x0] =	vst.idx.msk $0xffff, v2  }
0x121: {  	v2 =	vld [tilespmem:$0x350];
	_ =	sdelay $0x4  }
0x122: {  	v2 =	vsub.s32 v2, v1  }
0x123: {  	v2 =	vmul.u32 $0x3, v2;
	_ =	sdelay $0x5  }
0x124: {  	v4 =	vor.u32 $0xA800, v0;
	v3 =	vld.idx.msk [tilespmem:v2+s16+$0x0], $0xffff  }
0x125: {  	v5 =	vadd.s32 $0x1, v2;
	_ =	sdelay $0x3  }
0x126: {  	[tilespmem:v4+s20+$0x0] =	vst.idx.msk $0xffff, v3  }
0x127: {  	v4 =	vor.u32 $0xA801, v0;
	v3 =	vld.idx.msk [tilespmem:v5+s16+$0x0], $0xffff  }
0x128: {  	v2 =	vadd.s32 $0x2, v2;
	_ =	sdelay $0x3  }
0x129: {  	[tilespmem:v4+s20+$0x0] =	vst.idx.msk $0xffff, v3  }
0x12a: {  	v3 =	vor.u32 $0xA802, v0;
	v2 =	vld.idx.msk [tilespmem:v2+s16+$0x0], $0xffff;
	_ =	sdelay $0x4  }
0x12b: {  	[tilespmem:v3+s20+$0x0] =	vst.idx.msk $0xffff, v2  }
0x12c: {  	v2 =	vld [tilespmem:$0x360];
	_ =	sdelay $0x4  }
0x12d: {  	v2 =	vsub.s32 v2, v1  }
0x12e: {  	v2 =	vmul.u32 $0x3, v2;
	_ =	sdelay $0x5  }
0x12f: {  	v4 =	vor.u32 $0xB000, v0;
	v3 =	vld.idx.msk [tilespmem:v2+s16+$0x0], $0xffff  }
0x130: {  	v5 =	vadd.s32 $0x1, v2;
	_ =	sdelay $0x3  }
0x131: {  	[tilespmem:v4+s20+$0x0] =	vst.idx.msk $0xffff, v3  }
0x132: {  	v4 =	vor.u32 $0xB001, v0;
	v3 =	vld.idx.msk [tilespmem:v5+s16+$0x0], $0xffff  }
0x133: {  	v2 =	vadd.s32 $0x2, v2;
	_ =	sdelay $0x3  }
0x134: {  	[tilespmem:v4+s20+$0x0] =	vst.idx.msk $0xffff, v3  }
0x135: {  	v3 =	vor.u32 $0xB002, v0;
	v2 =	vld.idx.msk [tilespmem:v2+s16+$0x0], $0xffff;
	_ =	sdelay $0x4  }
0x136: {  	[tilespmem:v3+s20+$0x0] =	vst.idx.msk $0xffff, v2  }
0x137: {  	v2 =	vld [tilespmem:$0x370];
	_ =	sdelay $0x4  }
0x138: {  	v2 =	vsub.s32 v2, v1  }
0x139: {  	v2 =	vmul.u32 $0x3, v2;
	_ =	sdelay $0x5  }
0x13a: {  	v4 =	vor.u32 $0xB800, v0;
	v3 =	vld.idx.msk [tilespmem:v2+s16+$0x0], $0xffff  }
0x13b: {  	v5 =	vadd.s32 $0x1, v2;
	_ =	sdelay $0x3  }
0x13c: {  	[tilespmem:v4+s20+$0x0] =	vst.idx.msk $0xffff, v3  }
0x13d: {  	v4 =	vor.u32 $0xB801, v0;
	v3 =	vld.idx.msk [tilespmem:v5+s16+$0x0], $0xffff  }
0x13e: {  	v2 =	vadd.s32 $0x2, v2;
	_ =	sdelay $0x3  }
0x13f: {  	[tilespmem:v4+s20+$0x0] =	vst.idx.msk $0xffff, v3  }
0x140: {  	v3 =	vor.u32 $0xB802, v0;
	v2 =	vld.idx.msk [tilespmem:v2+s16+$0x0], $0xffff;
	_ =	sdelay $0x4  }
0x141: {  	[tilespmem:v3+s20+$0x0] =	vst.idx.msk $0xffff, v2  }
0x142: {  	v2 =	vld [tilespmem:$0x380];
	_ =	sdelay $0x4  }
0x143: {  	v2 =	vsub.s32 v2, v1  }
0x144: {  	v2 =	vmul.u32 $0x3, v2;
	_ =	sdelay $0x5  }
0x145: {  	v4 =	vor.u32 $0xC000, v0;
	v3 =	vld.idx.msk [tilespmem:v2+s16+$0x0], $0xffff  }
0x146: {  	v5 =	vadd.s32 $0x1, v2;
	_ =	sdelay $0x3  }
0x147: {  	[tilespmem:v4+s20+$0x0] =	vst.idx.msk $0xffff, v3  }
0x148: {  	v4 =	vor.u32 $0xC001, v0;
	v3 =	vld.idx.msk [tilespmem:v5+s16+$0x0], $0xffff  }
0x149: {  	v2 =	vadd.s32 $0x2, v2;
	_ =	sdelay $0x3  }
0x14a: {  	[tilespmem:v4+s20+$0x0] =	vst.idx.msk $0xffff, v3  }
0x14b: {  	v3 =	vor.u32 $0xC002, v0;
	v2 =	vld.idx.msk [tilespmem:v2+s16+$0x0], $0xffff;
	_ =	sdelay $0x4  }
0x14c: {  	[tilespmem:v3+s20+$0x0] =	vst.idx.msk $0xffff, v2  }
0x14d: {  	v2 =	vld [tilespmem:$0x390];
	_ =	sdelay $0x4  }
0x14e: {  	v2 =	vsub.s32 v2, v1  }
0x14f: {  	v2 =	vmul.u32 $0x3, v2;
	_ =	sdelay $0x5  }
0x150: {  	v4 =	vor.u32 $0xC800, v0;
	v3 =	vld.idx.msk [tilespmem:v2+s16+$0x0], $0xffff  }
0x151: {  	v5 =	vadd.s32 $0x1, v2;
	_ =	sdelay $0x3  }
0x152: {  	[tilespmem:v4+s20+$0x0] =	vst.idx.msk $0xffff, v3  }
0x153: {  	v4 =	vor.u32 $0xC801, v0;
	v3 =	vld.idx.msk [tilespmem:v5+s16+$0x0], $0xffff  }
0x154: {  	v2 =	vadd.s32 $0x2, v2;
	_ =	sdelay $0x3  }
0x155: {  	[tilespmem:v4+s20+$0x0] =	vst.idx.msk $0xffff, v3  }
0x156: {  	v3 =	vor.u32 $0xC802, v0;
	v2 =	vld.idx.msk [tilespmem:v2+s16+$0x0], $0xffff;
	_ =	sdelay $0x4  }
0x157: {  	[tilespmem:v3+s20+$0x0] =	vst.idx.msk $0xffff, v2  }
0x158: {  	v2 =	vld [tilespmem:$0x3A0];
	_ =	sdelay $0x4  }
0x159: {  	v2 =	vsub.s32 v2, v1  }
0x15a: {  	v2 =	vmul.u32 $0x3, v2;
	_ =	sdelay $0x5  }
0x15b: {  	v4 =	vor.u32 $0xD000, v0;
	v3 =	vld.idx.msk [tilespmem:v2+s16+$0x0], $0xffff  }
0x15c: {  	v5 =	vadd.s32 $0x1, v2;
	_ =	sdelay $0x3  }
0x15d: {  	[tilespmem:v4+s20+$0x0] =	vst.idx.msk $0xffff, v3  }
0x15e: {  	v4 =	vor.u32 $0xD001, v0;
	v3 =	vld.idx.msk [tilespmem:v5+s16+$0x0], $0xffff  }
0x15f: {  	v2 =	vadd.s32 $0x2, v2;
	_ =	sdelay $0x3  }
0x160: {  	[tilespmem:v4+s20+$0x0] =	vst.idx.msk $0xffff, v3  }
0x161: {  	v3 =	vor.u32 $0xD002, v0;
	v2 =	vld.idx.msk [tilespmem:v2+s16+$0x0], $0xffff;
	_ =	sdelay $0x4  }
0x162: {  	[tilespmem:v3+s20+$0x0] =	vst.idx.msk $0xffff, v2  }
0x163: {  	v2 =	vld [tilespmem:$0x3B0];
	_ =	sdelay $0x4  }
0x164: {  	v2 =	vsub.s32 v2, v1  }
0x165: {  	v2 =	vmul.u32 $0x3, v2;
	_ =	sdelay $0x5  }
0x166: {  	v4 =	vor.u32 $0xD800, v0;
	v3 =	vld.idx.msk [tilespmem:v2+s16+$0x0], $0xffff  }
0x167: {  	v5 =	vadd.s32 $0x1, v2;
	_ =	sdelay $0x3  }
0x168: {  	[tilespmem:v4+s20+$0x0] =	vst.idx.msk $0xffff, v3  }
0x169: {  	v4 =	vor.u32 $0xD801, v0;
	v3 =	vld.idx.msk [tilespmem:v5+s16+$0x0], $0xffff  }
0x16a: {  	v2 =	vadd.s32 $0x2, v2;
	_ =	sdelay $0x3  }
0x16b: {  	[tilespmem:v4+s20+$0x0] =	vst.idx.msk $0xffff, v3  }
0x16c: {  	v3 =	vor.u32 $0xD802, v0;
	v2 =	vld.idx.msk [tilespmem:v2+s16+$0x0], $0xffff;
	_ =	sdelay $0x4  }
0x16d: {  	[tilespmem:v3+s20+$0x0] =	vst.idx.msk $0xffff, v2  }
0x16e: {  	v2 =	vld [tilespmem:$0x3C0];
	_ =	sdelay $0x4  }
0x16f: {  	v2 =	vsub.s32 v2, v1  }
0x170: {  	v2 =	vmul.u32 $0x3, v2;
	_ =	sdelay $0x5  }
0x171: {  	v4 =	vor.u32 $0xE000, v0;
	v3 =	vld.idx.msk [tilespmem:v2+s16+$0x0], $0xffff  }
0x172: {  	v5 =	vadd.s32 $0x1, v2;
	_ =	sdelay $0x3  }
0x173: {  	[tilespmem:v4+s20+$0x0] =	vst.idx.msk $0xffff, v3  }
0x174: {  	v4 =	vor.u32 $0xE001, v0;
	v3 =	vld.idx.msk [tilespmem:v5+s16+$0x0], $0xffff  }
0x175: {  	v2 =	vadd.s32 $0x2, v2;
	_ =	sdelay $0x3  }
0x176: {  	[tilespmem:v4+s20+$0x0] =	vst.idx.msk $0xffff, v3  }
0x177: {  	v3 =	vor.u32 $0xE002, v0;
	v2 =	vld.idx.msk [tilespmem:v2+s16+$0x0], $0xffff;
	_ =	sdelay $0x4  }
0x178: {  	[tilespmem:v3+s20+$0x0] =	vst.idx.msk $0xffff, v2  }
0x179: {  	v2 =	vld [tilespmem:$0x3D0];
	_ =	sdelay $0x4  }
0x17a: {  	v2 =	vsub.s32 v2, v1  }
0x17b: {  	v2 =	vmul.u32 $0x3, v2;
	_ =	sdelay $0x5  }
0x17c: {  	v4 =	vor.u32 $0xE800, v0;
	v3 =	vld.idx.msk [tilespmem:v2+s16+$0x0], $0xffff  }
0x17d: {  	v5 =	vadd.s32 $0x1, v2;
	_ =	sdelay $0x3  }
0x17e: {  	[tilespmem:v4+s20+$0x0] =	vst.idx.msk $0xffff, v3  }
0x17f: {  	v4 =	vor.u32 $0xE801, v0;
	v3 =	vld.idx.msk [tilespmem:v5+s16+$0x0], $0xffff  }
0x180: {  	v2 =	vadd.s32 $0x2, v2;
	_ =	sdelay $0x3  }
0x181: {  	[tilespmem:v4+s20+$0x0] =	vst.idx.msk $0xffff, v3  }
0x182: {  	v3 =	vor.u32 $0xE802, v0;
	v2 =	vld.idx.msk [tilespmem:v2+s16+$0x0], $0xffff;
	_ =	sdelay $0x4  }
0x183: {  	[tilespmem:v3+s20+$0x0] =	vst.idx.msk $0xffff, v2  }
0x184: {  	v2 =	vld [tilespmem:$0x3E0];
	_ =	sdelay $0x4  }
0x185: {  	v2 =	vsub.s32 v2, v1  }
0x186: {  	v2 =	vmul.u32 $0x3, v2;
	_ =	sdelay $0x5  }
0x187: {  	v4 =	vor.u32 $0xF000, v0;
	v3 =	vld.idx.msk [tilespmem:v2+s16+$0x0], $0xffff  }
0x188: {  	v5 =	vadd.s32 $0x1, v2;
	_ =	sdelay $0x3  }
0x189: {  	[tilespmem:v4+s20+$0x0] =	vst.idx.msk $0xffff, v3  }
0x18a: {  	v4 =	vor.u32 $0xF001, v0;
	v3 =	vld.idx.msk [tilespmem:v5+s16+$0x0], $0xffff  }
0x18b: {  	v2 =	vadd.s32 $0x2, v2;
	_ =	sdelay $0x3  }
0x18c: {  	[tilespmem:v4+s20+$0x0] =	vst.idx.msk $0xffff, v3  }
0x18d: {  	v3 =	vor.u32 $0xF002, v0;
	v2 =	vld.idx.msk [tilespmem:v2+s16+$0x0], $0xffff;
	_ =	sdelay $0x4  }
0x18e: {  	[tilespmem:v3+s20+$0x0] =	vst.idx.msk $0xffff, v2  }
0x18f: {  	v2 =	vld [tilespmem:$0x3F0];
	_ =	sdelay $0x4  }
0x190: {  	v2 =	vsub.s32 v2, v1  }
0x191: {  	v2 =	vmul.u32 $0x3, v2;
	_ =	sdelay $0x5  }
0x192: {  	v4 =	vor.u32 $0xF800, v0;
	v3 =	vld.idx.msk [tilespmem:v2+s16+$0x0], $0xffff  }
0x193: {  	v5 =	vadd.s32 $0x1, v2;
	_ =	sdelay $0x3  }
0x194: {  	[tilespmem:v4+s20+$0x0] =	vst.idx.msk $0xffff, v3  }
0x195: {  	v4 =	vor.u32 $0xF801, v0;
	v3 =	vld.idx.msk [tilespmem:v5+s16+$0x0], $0xffff  }
0x196: {  	v2 =	vadd.s32 $0x2, v2;
	_ =	sdelay $0x3  }
0x197: {  	[tilespmem:v4+s20+$0x0] =	vst.idx.msk $0xffff, v3  }
0x198: {  	v3 =	vor.u32 $0xF802, v0;
	v2 =	vld.idx.msk [tilespmem:v2+s16+$0x0], $0xffff;
	_ =	sdelay $0x4  }
0x199: {  	[tilespmem:v3+s20+$0x0] =	vst.idx.msk $0xffff, v2  }
0x19a: {  	_ =	swait.ge [sflag:s17], $0x4000  }
0x19b: {  	[sflag:s17] =	ssyncset.done $0x0  }
0x19c: {  	[sflag:s17] =	ssyncadd.s32 $0xFFFFC000  }
0x19d: {  	_ =	swait.ge [sflag:s17], $0x4000  }
0x19e: {  	[sflag:s17] =	ssyncset.done $0x0  }
0x19f: {  	[sflag:s17] =	ssyncadd.s32 $0xFFFFC000  }
0x1a0: {  	[hbm4b:s8+s3] =	stream.linear.scatter [tilespmem:s13], [sflag:$0x2], $0x8000, $0x38;
	[tilespmem:$0x1E400] =	vst v63  }
0x1a1: {  	_ =	swait.ge [sflag:s11], $0x8000  }
0x1a2: {  	p0 =	sne.s32 s10, $0x1;
	[sflag:s11] =	ssyncset.done $0x0  }
.Ltmp0:
0x1a3: {  	[sflag:s11] =	ssyncadd.s32 $0xFFFF8000;
	(pc) =	sbr.rel @p0 .LBB2_1-.Ltmp0, $4  }
0x1a4: {  	[hbm4b:s9+s3] =	stream.linear.scatter [tilespmem:s20], [sflag:$0x2], $0x10000, $0x38;
	[tilespmem:$0x1E400] =	vst v63  }
0x1a5: {  	_ =	swait.ge [sflag:s11], $0x10000  }
0x1a6: {  	[sflag:s11] =	ssyncset.done $0x0  }
0x1a7: {  	s10 =	sadd.s32 $0xFFFFFFFF, s10;
	[sflag:s11] =	ssyncadd.s32 $0xFFFF0000  }
0x1a8: {  	_ =	sfence.sel $0x180000  }
0x1a9: {  	[bflag:$0x0] =	sbarrier.arrive $0xFFFF  }
0x1aa: {  	p0 =	sne.s32 s0, $0x0;
	_ =	strace $0x90000047  }
0x1ab: {  	s0 =	sadd.s32 @!p0 $0x100000, s2;
	[bflag:$0x2] =	sbarrier.arrive $0xFFFF  }
0x1ac: {  	[sflag:s0] =	ssyncadd.tile.s32 @!p0 $0x1;
	_ =	shalt  }
.Lfunc_end2:
_tile_overlayer_lowered:
.L_overlay_start_2:
0x1ad: {  	(tag) =	ssettag $0x2  }
0x1ae: {  	s0 =	rddreg [dreg:$0x0];
	s2 =	stileid.u32  }
0x1af: {  	s1 =	rddreg [dreg:$0x1];
	p0 =	sne.s32 s2, $0x0  }
0x1b0: {  	s3 =	rddreg [dreg:$0x2];
	[bflag:$0x3] =	sbarrier.arrive $0xFFFF;
	s2 =	simm.s32 @!p0 $0x1C02  }
0x1b1: {  	[timem:s3], [sflag:s2] =	dma.local @!p0 [hbm:s0], s1  }
0x1b2: {  	s0 =	simm.s32 @!p0 $0x2  }
0x1b3: {  	_ =	swait.ge @!p0 [sflag:s0], s1  }
0x1b4: {  	s1 =	ssub.s32 @!p0 $0x0, s1;
	[sflag:s0] =	ssyncset.done @!p0 $0x0  }
0x1b5: {  	[sflag:s0] =	ssyncadd.s32 @!p0 s1  }
0x1b6: {  	[bflag:$0x3] =	sbarrier.arrive $0xFFFF  }
0x1b7: {  	_ =	shalt  }

</sc_bundles>
